<compile_context>
chip_gen: v7x
topology: tpu7x:2x2x1
jax: 0.10.2.dev20260603
libtpu: 0.0.44.dev20260713+nightly
codegen_flags: <defaults>
</compile_context>

<pallas_src>
import functools

import jax
import jax.numpy as jnp
from jax import lax
from jax.experimental import pallas as pl
from jax.experimental.pallas import tpu as pltpu
from jax.experimental.pallas import tpu_sc as plsc

N = 10000
E = 320000
NC = 2
NS = 16
B = 128
NB = 158
NBH = NB // 2
NBUF = 2
TILE_E = NB * B
E_PAD = NS * TILE_E
PADR = 1024
ACC_ROWS = N + PADR
RPT = N // NS
DEG_W = 16


def _seg_sum(table, src_t, dst_t, with_deg):
    W = table.shape[1]
    Wc = W // 2
    th0 = table[:, :Wc]
    th1 = table[:, Wc:]
    zrows = jnp.zeros((RPT, Wc), jnp.float32)

    out_type = [jax.ShapeDtypeStruct((N, W), jnp.float32)]
    scratch = (
        [pltpu.VMEM((NB, B), jnp.int32),
         pltpu.VMEM((NB, B), jnp.int32)]
        + [pltpu.VMEM((B, Wc), jnp.float32)] * NBUF
        + [pltpu.VMEM_SHARED((ACC_ROWS, Wc), jnp.float32)]
        + [pltpu.SemaphoreType.DMA] * (2 * NBUF)
    )
    inputs = [th0, th1, src_t, dst_t, zrows]
    if with_deg:
        out_type.append(jax.ShapeDtypeStruct((NC, N, DEG_W), jnp.float32))
        scratch += [
            pltpu.VMEM((B, DEG_W), jnp.float32),
            pltpu.VMEM_SHARED((ACC_ROWS, DEG_W), jnp.float32),
        ]
        inputs += [jnp.ones((B, DEG_W), jnp.float32),
                   jnp.zeros((RPT, DEG_W), jnp.float32)]

    mesh = plsc.VectorSubcoreMesh(core_axis_name="c", subcore_axis_name="s")

    def body(*refs):
        if with_deg:
            (th0_h, th1_h, src_h, dst_h, zr_h, ones_h, zd_h,
             out_h, deg_h,
             srcv, dstv, *rest) = refs
            gb = rest[:NBUF]
            acc = rest[NBUF]
            gsem = rest[NBUF + 1:2 * NBUF + 1]
            ssem = rest[2 * NBUF + 1:3 * NBUF + 1]
            onesv, dacc = rest[3 * NBUF + 1:]
        else:
            (th0_h, th1_h, src_h, dst_h, zr_h,
             out_h,
             srcv, dstv, *rest) = refs
            gb = rest[:NBUF]
            acc = rest[NBUF]
            gsem = rest[NBUF + 1:2 * NBUF + 1]
            ssem = rest[2 * NBUF + 1:3 * NBUF + 1]
        c = lax.axis_index("c")
        s = lax.axis_index("s")

        def run(th, col0, deg_lo, deg_hi):
            pltpu.sync_copy(src_h.at[s], srcv)
            pltpu.sync_copy(dst_h.at[s], dstv)
            pltpu.sync_copy(zr_h, acc.at[pl.ds(s * RPT, RPT)])
            if with_deg:
                pltpu.sync_copy(zd_h, dacc.at[pl.ds(s * RPT, RPT)])
                pltpu.sync_copy(ones_h, onesv)
            plsc.subcore_barrier()

            for b in range(NBUF):
                pltpu.async_copy(th.at[srcv.at[b]], gb[b], gsem[b])

            @pl.loop(0, NB, step=NBUF)
            def _(j):
                for b in range(NBUF):
                    pltpu.make_async_copy(th.at[srcv.at[j + b]],
                                          gb[b], gsem[b]).wait()
                    pltpu.sync_copy(gb[b], acc.at[dstv.at[j + b]], add=True)
                    if with_deg:
                        @pl.when(jnp.logical_and(j + b >= deg_lo,
                                                 j + b < deg_hi))
                        def _():
                            pltpu.sync_copy(onesv, dacc.at[dstv.at[j + b]],
                                            add=True)

                    @pl.when(j + b + NBUF < NB)
                    def _():
                        pltpu.async_copy(th.at[srcv.at[j + b + NBUF]],
                                         gb[b], gsem[b])

            plsc.subcore_barrier()
            pltpu.sync_copy(
                acc.at[pl.ds(s * RPT, RPT)],
                out_h.at[pl.ds(s * RPT, RPT), pl.ds(col0, Wc)])
            if with_deg:
                cidx = 0 if deg_lo == 0 else 1
                pltpu.sync_copy(dacc.at[pl.ds(s * RPT, RPT)],
                                deg_h.at[cidx, pl.ds(s * RPT, RPT)])

        @pl.when(c == 0)
        def _():
            run(th0_h, 0, 0, NBH)

        @pl.when(c == 1)
        def _():
            run(th1_h, Wc, NBH, NB)

    f = pl.kernel(body, out_type=tuple(out_type), mesh=mesh,
                  scratch_types=tuple(scratch),
                  compiler_params=pltpu.CompilerParams(
                      use_tc_tiling_on_sc=False))
    out = f(*inputs)
    return out if with_deg else out[0]


_R = 1000


def _deg_inv(d_ref):
    d = d_ref[0][...][0, :, 0:1] + d_ref[1][...][0, :, 0:1]
    return 1.0 / jnp.maximum(d, 1.0)


def _tc_self(h, Ws, b):
    di, do = Ws.shape

    def body(h_ref, w_ref, b_ref, o_ref):
        o_ref[...] = jnp.dot(h_ref[...], w_ref[...],
                             preferred_element_type=jnp.float32) + b_ref[...]

    return pl.pallas_call(
        body,
        grid=(N // _R,),
        in_specs=[
            pl.BlockSpec((_R, di), lambda i: (i, 0)),
            pl.BlockSpec((di, do), lambda i: (0, 0)),
            pl.BlockSpec((1, do), lambda i: (0, 0)),
        ],
        out_specs=pl.BlockSpec((_R, do), lambda i: (i, 0)),
        out_shape=jax.ShapeDtypeStruct((N, do), jnp.float32),
    )(h, Ws, b.reshape(1, do))


def _tc_layer1(s0, acc0, deg, Wn0, Ws1, b1):
    di, dh = Wn0.shape

    def body(s_ref, a_ref, d0_ref, d1_ref, wn_ref, ws_ref, b_ref,
             hh_ref, s1_ref):
        dinv = _deg_inv((d0_ref, d1_ref))
        h1 = s_ref[...] + jnp.dot(a_ref[...] * dinv, wn_ref[...],
                                  preferred_element_type=jnp.float32)
        h1 = jnp.maximum(h1, 0.0)
        hh_ref[0] = h1[:, :dh // 2]
        hh_ref[1] = h1[:, dh // 2:]
        s1_ref[...] = jnp.dot(h1, ws_ref[...],
                              preferred_element_type=jnp.float32) + b_ref[...]

    return pl.pallas_call(
        body,
        grid=(N // _R,),
        in_specs=[
            pl.BlockSpec((_R, dh), lambda i: (i, 0)),
            pl.BlockSpec((_R, di), lambda i: (i, 0)),
            pl.BlockSpec((1, _R, DEG_W), lambda i: (0, i, 0)),
            pl.BlockSpec((1, _R, DEG_W), lambda i: (1, i, 0)),
            pl.BlockSpec((di, dh), lambda i: (0, 0)),
            pl.BlockSpec((dh, dh), lambda i: (0, 0)),
            pl.BlockSpec((1, dh), lambda i: (0, 0)),
        ],
        out_specs=[
            pl.BlockSpec((2, _R, dh // 2), lambda i: (0, i, 0)),
            pl.BlockSpec((_R, dh), lambda i: (i, 0)),
        ],
        out_shape=[
            jax.ShapeDtypeStruct((2, N, dh // 2), jnp.float32),
            jax.ShapeDtypeStruct((N, dh), jnp.float32),
        ],
    )(s0, acc0, deg, deg, Wn0, Ws1, b1.reshape(1, dh))


def _tc_layer2(s1, acc1h, deg, Wn1, Wn2, Ws2, b2):
    dh = Wn1.shape[0]
    do = Wn2.shape[1]

    def body(s_ref, a_ref, d0_ref, d1_ref, wn1_ref, wn2_ref, ws2_ref, b2_ref,
             z_ref, o_ref):
        dinv = _deg_inv((d0_ref, d1_ref))
        agg = jnp.concatenate([a_ref[0], a_ref[1]], axis=1) * dinv
        h2 = s_ref[...] + jnp.dot(agg, wn1_ref[...],
                                  preferred_element_type=jnp.float32)
        h2 = jnp.maximum(h2, 0.0)
        z_ref[...] = jnp.dot(h2, wn2_ref[...],
                             preferred_element_type=jnp.float32)
        o_ref[...] = jnp.dot(h2, ws2_ref[...],
                             preferred_element_type=jnp.float32) + b2_ref[...]

    return pl.pallas_call(
        body,
        grid=(N // _R,),
        in_specs=[
            pl.BlockSpec((_R, dh), lambda i: (i, 0)),
            pl.BlockSpec((2, _R, dh // 2), lambda i: (0, i, 0)),
            pl.BlockSpec((1, _R, DEG_W), lambda i: (0, i, 0)),
            pl.BlockSpec((1, _R, DEG_W), lambda i: (1, i, 0)),
            pl.BlockSpec((dh, dh), lambda i: (0, 0)),
            pl.BlockSpec((dh, do), lambda i: (0, 0)),
            pl.BlockSpec((dh, do), lambda i: (0, 0)),
            pl.BlockSpec((1, do), lambda i: (0, 0)),
        ],
        out_specs=[
            pl.BlockSpec((_R, do), lambda i: (i, 0)),
            pl.BlockSpec((_R, do), lambda i: (i, 0)),
        ],
        out_shape=[
            jax.ShapeDtypeStruct((N, do), jnp.float32),
            jax.ShapeDtypeStruct((N, do), jnp.float32),
        ],
    )(s1, acc1h, deg, deg, Wn1, Wn2, Ws2, b2.reshape(1, do))


def _tc_final(s2, acc2, deg):
    do = s2.shape[1]

    def body(s_ref, a_ref, d0_ref, d1_ref, o_ref):
        dinv = _deg_inv((d0_ref, d1_ref))
        o_ref[...] = s_ref[...] + a_ref[...] * dinv

    return pl.pallas_call(
        body,
        grid=(N // _R,),
        in_specs=[
            pl.BlockSpec((_R, do), lambda i: (i, 0)),
            pl.BlockSpec((_R, do), lambda i: (i, 0)),
            pl.BlockSpec((1, _R, DEG_W), lambda i: (0, i, 0)),
            pl.BlockSpec((1, _R, DEG_W), lambda i: (1, i, 0)),
        ],
        out_specs=pl.BlockSpec((_R, do), lambda i: (i, 0)),
        out_shape=jax.ShapeDtypeStruct((N, do), jnp.float32),
    )(s2, acc2, deg, deg)


def kernel(x, edge_index, W_self0, W_neigh0, b0,
           W_self1, W_neigh1, b1, W_self2, W_neigh2, b2):
    src = edge_index[0]
    dst = edge_index[1]
    pad = E_PAD - E
    src_t = jnp.concatenate(
        [src, jnp.zeros((pad,), jnp.int32)]).reshape(NS, NB, B)
    dst_t = jnp.concatenate(
        [dst, N + (jnp.arange(pad, dtype=jnp.int32) % PADR)]).reshape(NS, NB, B)

    acc0, deg = _seg_sum(x, src_t, dst_t, with_deg=True)
    s0 = _tc_self(x, W_self0, b0)
    h1h, s1 = _tc_layer1(s0, acc0, deg, W_neigh0, W_self1, b1)

    def _scan_step(carry, tab):
        return carry, _seg_sum(tab, src_t, dst_t, with_deg=False)

    _, acc1h = lax.scan(_scan_step, 0, h1h)

    z2, s2 = _tc_layer2(s1, acc1h, deg, W_neigh1, W_neigh2, W_self2, b2)
    acc2 = _seg_sum(z2, src_t, dst_t, with_deg=False)
    return _tc_final(s2, acc2, deg)

# --- scband reference (transcript-rebuilt; emitter-appended) ---
"""Pipeline reference for scband-graph-sage-74234214744299 (READ-ONLY COPY).

The authoritative reference and input builder live on the scoring server;
editing this copy changes nothing except your own understanding.
"""

import jax, jax.numpy as jnp
import numpy as np

N = 10000
E = 320000
D_IN, D_H, D_OUT = 128, 256, 64


def setup_inputs(seed: int = 0) -> dict:
    key = jax.random.key(seed)
    ks = jax.random.split(key, 10)
    x = jax.random.normal(ks[0], (N, D_IN), dtype=jnp.float32)
    edge_index = jax.random.randint(ks[1], (2, E), 0, N, dtype=jnp.int32)
    dims = [(D_IN, D_H), (D_H, D_H), (D_H, D_OUT)]
    params = {}
    i = 2
    for l, (di, do) in enumerate(dims):
        params['W_self%d' % l] = jax.random.normal(ks[i], (di, do), dtype=jnp.float32) * (1.0 / np.sqrt(di)); i += 1
        params['W_neigh%d' % l] = jax.random.normal(ks[i], (di, do), dtype=jnp.float32) * (1.0 / np.sqrt(di)); i += 1
        params['b%d' % l] = jnp.zeros((do,), dtype=jnp.float32)
    out = {'x': x, 'edge_index': edge_index}
    out.update(params)
    return out


def _sage_conv(h, src, dst, W_self, W_neigh, b):
    # DGL SAGEConv with 'mean' aggregator: fc_self(h) + fc_neigh(mean_{u in N(v)} h_u) + bias
    msg = h[src]
    agg = jax.ops.segment_sum(msg, dst, num_segments=N)
    deg = jax.ops.segment_sum(jnp.ones((src.shape[0],), h.dtype), dst, num_segments=N)
    agg = agg / jnp.maximum(deg, 1.0)[:, None]
    return h @ W_self + agg @ W_neigh + b


def reference(x, edge_index, W_self0, W_neigh0, b0, W_self1, W_neigh1, b1, W_self2, W_neigh2, b2):
    src, dst = edge_index[0], edge_index[1]
    h = _sage_conv(x, src, dst, W_self0, W_neigh0, b0)
    h = jax.nn.relu(h)  # dropout is identity in eval mode
    h = _sage_conv(h, src, dst, W_self1, W_neigh1, b1)
    h = jax.nn.relu(h)
    h = _sage_conv(h, src, dst, W_self2, W_neigh2, b2)
    return h

if __name__ == "__main__":
    import jax
    _d = setup_inputs()
    print(jax.jit(kernel)(*tuple(_d.values())))

</pallas_src>

<mosaic_0001>
#map = affine_map<(d0, d1) -> (0, 0)>
#map1 = affine_map<(d0, d1) -> (0, 0, 0)>
module attributes {stable_mosaic.version = 14 : i64} {
  func.func @body(%arg0: i32, %arg1: i32, %arg2: memref<10000x32xf32, #tpu.memory_space<hbm>>, %arg3: memref<10000x32xf32, #tpu.memory_space<hbm>>, %arg4: memref<16x158x128xi32, #tpu.memory_space<hbm>>, %arg5: memref<16x158x128xi32, #tpu.memory_space<hbm>>, %arg6: memref<625x32xf32, #tpu.memory_space<hbm>>, %arg7: memref<10000x64xf32, #tpu.memory_space<hbm>>, %arg8: memref<158x128xi32, #tpu.memory_space<vmem>>, %arg9: memref<158x128xi32, #tpu.memory_space<vmem>>, %arg10: memref<128x32xf32, #tpu.memory_space<vmem>>, %arg11: memref<128x32xf32, #tpu.memory_space<vmem>>, %arg12: memref<11024x32xf32, #tpu.memory_space<vmem_shared>>, %arg13: memref<!tpu.dma_semaphore, #tpu.memory_space<semaphore_mem>>, %arg14: memref<!tpu.dma_semaphore, #tpu.memory_space<semaphore_mem>>, %arg15: memref<!tpu.dma_semaphore, #tpu.memory_space<semaphore_mem>>, %arg16: memref<!tpu.dma_semaphore, #tpu.memory_space<semaphore_mem>>) attributes {dimension_semantics = [#tpu.dimension_semantics<core_parallel>, #tpu.dimension_semantics<subcore_parallel>], iteration_bounds = array<i64: 2, 16>, scalar_prefetch = 0 : i64, scratch_operands = 9 : i64, tpu.core_type = #tpu.core_type<sc_vector_subcore>, window_params = [{transform_indices = #map}, {transform_indices = #map}, {transform_indices = #map1}, {transform_indices = #map1}, {transform_indices = #map}, {transform_indices = #map}]} {
    %eq3A = arith.constant 0 : i32
    %eq3A_0 = arith.cmpi eq, %arg0, %eq3A : i32
    %convert_element_type3A = arith.extui %eq3A_0 : i1 to i32
    %cond3A = arith.constant 0 : i32
    %cond3A_1 = arith.cmpi ne, %convert_element_type3A, %cond3A : i32
    scf.if %cond3A_1 {
      "tpu.region"() ({
        %run_scoped3A = tpu.sem_alloc : memref<!tpu.dma_semaphore, #tpu.memory_space<semaphore_mem>>
        %dma_start3A_30 = arith.constant 0 : i32
        %dma_start3A_31 = arith.constant 0 : i32
        %dma_start3A_32 = tpu.memref_slice %arg4[%arg1, %dma_start3A_30, %dma_start3A_31] : memref<16x158x128xi32, #tpu.memory_space<hbm>> -> memref<1x158x128xi32, #tpu.memory_space<hbm>>
        %dma_start3A_33 = tpu.memref_squeeze %dma_start3A_32 : memref<1x158x128xi32, #tpu.memory_space<hbm>> -> memref<158x128xi32, #tpu.memory_space<hbm>>
        %dma_start3A_34 = arith.constant 0 : i32
        %dma_start3A_35 = arith.constant 0 : i32
        %dma_start3A_36 = tpu.memref_slice %arg4[%arg1, %dma_start3A_34, %dma_start3A_35] : memref<16x158x128xi32, #tpu.memory_space<hbm>> -> memref<1x158x128xi32, #tpu.memory_space<hbm>>
        %dma_start3A_37 = tpu.memref_squeeze %dma_start3A_36 : memref<1x158x128xi32, #tpu.memory_space<hbm>> -> memref<158x128xi32, #tpu.memory_space<hbm>>
        tpu.enqueue_dma source(%dma_start3A_37 : memref<158x128xi32, #tpu.memory_space<hbm>>) target(%arg8 : memref<158x128xi32, #tpu.memory_space<vmem>>) target_semaphore(%run_scoped3A : memref<!tpu.dma_semaphore, #tpu.memory_space<semaphore_mem>>)
        %dma_wait3A = arith.constant 0 : i32
        %dma_wait3A_38 = arith.constant 0 : i32
        %dma_wait3A_39 = tpu.memref_slice %arg4[%arg1, %dma_wait3A, %dma_wait3A_38] : memref<16x158x128xi32, #tpu.memory_space<hbm>> -> memref<1x158x128xi32, #tpu.memory_space<hbm>>
        %dma_wait3A_40 = tpu.memref_squeeze %dma_wait3A_39 : memref<1x158x128xi32, #tpu.memory_space<hbm>> -> memref<158x128xi32, #tpu.memory_space<hbm>>
        %dma_wait3A_41 = arith.constant 0 : i32
        %dma_wait3A_42 = arith.constant 0 : i32
        %dma_wait3A_43 = tpu.memref_slice %arg4[%arg1, %dma_wait3A_41, %dma_wait3A_42] : memref<16x158x128xi32, #tpu.memory_space<hbm>> -> memref<1x158x128xi32, #tpu.memory_space<hbm>>
        %dma_wait3A_44 = tpu.memref_squeeze %dma_wait3A_43 : memref<1x158x128xi32, #tpu.memory_space<hbm>> -> memref<158x128xi32, #tpu.memory_space<hbm>>
        tpu.wait_dma2 semaphore(%run_scoped3A : memref<!tpu.dma_semaphore, #tpu.memory_space<semaphore_mem>>) src(%dma_wait3A_44 : memref<158x128xi32, #tpu.memory_space<hbm>>) dst(%arg8 : memref<158x128xi32, #tpu.memory_space<vmem>>)
        tpu.yield
      }) : () -> ()
      "tpu.region"() ({
        %run_scoped3A = tpu.sem_alloc : memref<!tpu.dma_semaphore, #tpu.memory_space<semaphore_mem>>
        %dma_start3A_30 = arith.constant 0 : i32
        %dma_start3A_31 = arith.constant 0 : i32
        %dma_start3A_32 = tpu.memref_slice %arg5[%arg1, %dma_start3A_30, %dma_start3A_31] : memref<16x158x128xi32, #tpu.memory_space<hbm>> -> memref<1x158x128xi32, #tpu.memory_space<hbm>>
        %dma_start3A_33 = tpu.memref_squeeze %dma_start3A_32 : memref<1x158x128xi32, #tpu.memory_space<hbm>> -> memref<158x128xi32, #tpu.memory_space<hbm>>
        %dma_start3A_34 = arith.constant 0 : i32
        %dma_start3A_35 = arith.constant 0 : i32
        %dma_start3A_36 = tpu.memref_slice %arg5[%arg1, %dma_start3A_34, %dma_start3A_35] : memref<16x158x128xi32, #tpu.memory_space<hbm>> -> memref<1x158x128xi32, #tpu.memory_space<hbm>>
        %dma_start3A_37 = tpu.memref_squeeze %dma_start3A_36 : memref<1x158x128xi32, #tpu.memory_space<hbm>> -> memref<158x128xi32, #tpu.memory_space<hbm>>
        tpu.enqueue_dma source(%dma_start3A_37 : memref<158x128xi32, #tpu.memory_space<hbm>>) target(%arg9 : memref<158x128xi32, #tpu.memory_space<vmem>>) target_semaphore(%run_scoped3A : memref<!tpu.dma_semaphore, #tpu.memory_space<semaphore_mem>>)
        %dma_wait3A = arith.constant 0 : i32
        %dma_wait3A_38 = arith.constant 0 : i32
        %dma_wait3A_39 = tpu.memref_slice %arg5[%arg1, %dma_wait3A, %dma_wait3A_38] : memref<16x158x128xi32, #tpu.memory_space<hbm>> -> memref<1x158x128xi32, #tpu.memory_space<hbm>>
        %dma_wait3A_40 = tpu.memref_squeeze %dma_wait3A_39 : memref<1x158x128xi32, #tpu.memory_space<hbm>> -> memref<158x128xi32, #tpu.memory_space<hbm>>
        %dma_wait3A_41 = arith.constant 0 : i32
        %dma_wait3A_42 = arith.constant 0 : i32
        %dma_wait3A_43 = tpu.memref_slice %arg5[%arg1, %dma_wait3A_41, %dma_wait3A_42] : memref<16x158x128xi32, #tpu.memory_space<hbm>> -> memref<1x158x128xi32, #tpu.memory_space<hbm>>
        %dma_wait3A_44 = tpu.memref_squeeze %dma_wait3A_43 : memref<1x158x128xi32, #tpu.memory_space<hbm>> -> memref<158x128xi32, #tpu.memory_space<hbm>>
        tpu.wait_dma2 semaphore(%run_scoped3A : memref<!tpu.dma_semaphore, #tpu.memory_space<semaphore_mem>>) src(%dma_wait3A_44 : memref<158x128xi32, #tpu.memory_space<hbm>>) dst(%arg9 : memref<158x128xi32, #tpu.memory_space<vmem>>)
        tpu.yield
      }) : () -> ()
      %mul3A = arith.constant 625 : i32
      %mul3A_7 = arith.muli %arg1, %mul3A : i32
      "tpu.region"() ({
        %run_scoped3A = tpu.sem_alloc : memref<!tpu.dma_semaphore, #tpu.memory_space<semaphore_mem>>
        %dma_start3A_30 = arith.constant 0 : i32
        %dma_start3A_31 = tpu.memref_slice %arg12[%mul3A_7, %dma_start3A_30] : memref<11024x32xf32, #tpu.memory_space<vmem_shared>> -> memref<625x32xf32, #tpu.memory_space<vmem_shared>>
        tpu.enqueue_dma source(%arg6 : memref<625x32xf32, #tpu.memory_space<hbm>>) target(%dma_start3A_31 : memref<625x32xf32, #tpu.memory_space<vmem_shared>>) target_semaphore(%run_scoped3A : memref<!tpu.dma_semaphore, #tpu.memory_space<semaphore_mem>>)
        %dma_wait3A = arith.constant 0 : i32
        %dma_wait3A_32 = tpu.memref_slice %arg12[%mul3A_7, %dma_wait3A] : memref<11024x32xf32, #tpu.memory_space<vmem_shared>> -> memref<625x32xf32, #tpu.memory_space<vmem_shared>>
        tpu.wait_dma2 semaphore(%run_scoped3A : memref<!tpu.dma_semaphore, #tpu.memory_space<semaphore_mem>>) src(%arg6 : memref<625x32xf32, #tpu.memory_space<hbm>>) dst(%dma_wait3A_32 : memref<625x32xf32, #tpu.memory_space<vmem_shared>>)
        tpu.yield
      }) : () -> ()
      %barrier3A = arith.constant 0 : index
      tpu.barrier barrier_id(%barrier3A)
      %dma_start3A = arith.constant 0 : i32
      %dma_start3A_8 = arith.constant 0 : i32
      %dma_start3A_9 = tpu.memref_slice %arg8[%dma_start3A, %dma_start3A_8] : memref<158x128xi32, #tpu.memory_space<vmem>> -> memref<1x128xi32, #tpu.memory_space<vmem>>
      %dma_start3A_10 = tpu.memref_squeeze %dma_start3A_9 : memref<1x128xi32, #tpu.memory_space<vmem>> -> memref<128xi32, #tpu.memory_space<vmem>>
      %dma_start3A_11 = arith.constant 0 : i32
      %dma_start3A_12 = arith.constant 0 : i32
      %dma_start3A_13 = tpu.memref_slice %arg2[%dma_start3A_11, %dma_start3A_12] : memref<10000x32xf32, #tpu.memory_space<hbm>> -> memref<10000x32xf32, #tpu.memory_space<hbm>>
      tpu.enqueue_indirect_dma source(%dma_start3A_13 : memref<10000x32xf32, #tpu.memory_space<hbm>>) target(%arg10 : memref<128x32xf32, #tpu.memory_space<vmem>>) offsets(%dma_start3A_10 : memref<128xi32, #tpu.memory_space<vmem>>) semaphore(%arg13 : memref<!tpu.dma_semaphore, #tpu.memory_space<semaphore_mem>>)
      %dma_start3A_14 = arith.constant 1 : i32
      %dma_start3A_15 = arith.constant 0 : i32
      %dma_start3A_16 = tpu.memref_slice %arg8[%dma_start3A_14, %dma_start3A_15] : memref<158x128xi32, #tpu.memory_space<vmem>> -> memref<1x128xi32, #tpu.memory_space<vmem>>
      %dma_start3A_17 = tpu.memref_squeeze %dma_start3A_16 : memref<1x128xi32, #tpu.memory_space<vmem>> -> memref<128xi32, #tpu.memory_space<vmem>>
      %dma_start3A_18 = arith.constant 0 : i32
      %dma_start3A_19 = arith.constant 0 : i32
      %dma_start3A_20 = tpu.memref_slice %arg2[%dma_start3A_18, %dma_start3A_19] : memref<10000x32xf32, #tpu.memory_space<hbm>> -> memref<10000x32xf32, #tpu.memory_space<hbm>>
      tpu.enqueue_indirect_dma source(%dma_start3A_20 : memref<10000x32xf32, #tpu.memory_space<hbm>>) target(%arg11 : memref<128x32xf32, #tpu.memory_space<vmem>>) offsets(%dma_start3A_17 : memref<128xi32, #tpu.memory_space<vmem>>) semaphore(%arg14 : memref<!tpu.dma_semaphore, #tpu.memory_space<semaphore_mem>>)
      %scan3A = arith.constant 0 : i32
      %scan3A_21 = arith.constant 79 : i32
      %scan3A_22 = arith.addi %scan3A, %scan3A_21 : i32
      %scan3A_23 = arith.constant 1 : i32
      scf.for %scan3A_30 = %scan3A to %scan3A_22 step %scan3A_23  : i32 {
        %mul3A_31 = arith.constant 2 : i32
        %mul3A_32 = arith.muli %scan3A_30, %mul3A_31 : i32
        %add3A = arith.constant 0 : i32
        %add3A_33 = arith.addi %add3A, %mul3A_32 : i32
        %add3A_34 = arith.constant 0 : i32
        %add3A_35 = arith.addi %add3A_33, %add3A_34 : i32
        %dma_wait3A = arith.constant 0 : i32
        %dma_wait3A_36 = tpu.memref_slice %arg8[%add3A_35, %dma_wait3A] : memref<158x128xi32, #tpu.memory_space<vmem>> -> memref<1x128xi32, #tpu.memory_space<vmem>>
        %dma_wait3A_37 = tpu.memref_squeeze %dma_wait3A_36 : memref<1x128xi32, #tpu.memory_space<vmem>> -> memref<128xi32, #tpu.memory_space<vmem>>
        %dma_wait3A_38 = arith.constant 0 : i32
        %dma_wait3A_39 = arith.constant 0 : i32
        %dma_wait3A_40 = tpu.memref_slice %arg2[%dma_wait3A_38, %dma_wait3A_39] : memref<10000x32xf32, #tpu.memory_space<hbm>> -> memref<10000x32xf32, #tpu.memory_space<hbm>>
        tpu.wait_indirect_dma semaphore(%arg13 : memref<!tpu.dma_semaphore, #tpu.memory_space<semaphore_mem>>) src(%dma_wait3A_40 : memref<10000x32xf32, #tpu.memory_space<hbm>>) dst(%arg10 : memref<128x32xf32, #tpu.memory_space<vmem>>)
        %add3A_41 = arith.constant 0 : i32
        %add3A_42 = arith.addi %add3A_33, %add3A_41 : i32
        "tpu.region"() ({
          %run_scoped3A = tpu.sem_alloc : memref<!tpu.dma_semaphore, #tpu.memory_space<semaphore_mem>>
          %dma_start3A_70 = arith.constant 0 : i32
          %dma_start3A_71 = tpu.memref_slice %arg9[%add3A_42, %dma_start3A_70] : memref<158x128xi32, #tpu.memory_space<vmem>> -> memref<1x128xi32, #tpu.memory_space<vmem>>
          %dma_start3A_72 = tpu.memref_squeeze %dma_start3A_71 : memref<1x128xi32, #tpu.memory_space<vmem>> -> memref<128xi32, #tpu.memory_space<vmem>>
          %dma_start3A_73 = arith.constant 0 : i32
          %dma_start3A_74 = arith.constant 0 : i32
          %dma_start3A_75 = tpu.memref_slice %arg12[%dma_start3A_73, %dma_start3A_74] : memref<11024x32xf32, #tpu.memory_space<vmem_shared>> -> memref<11024x32xf32, #tpu.memory_space<vmem_shared>>
          tpu.enqueue_indirect_dma source(%arg10 : memref<128x32xf32, #tpu.memory_space<vmem>>) target(%dma_start3A_75 : memref<11024x32xf32, #tpu.memory_space<vmem_shared>>) offsets(%dma_start3A_72 : memref<128xi32, #tpu.memory_space<vmem>>) semaphore(%run_scoped3A : memref<!tpu.dma_semaphore, #tpu.memory_space<semaphore_mem>>) {add = true}
          %dma_wait3A_76 = arith.constant 0 : i32
          %dma_wait3A_77 = tpu.memref_slice %arg9[%add3A_42, %dma_wait3A_76] : memref<158x128xi32, #tpu.memory_space<vmem>> -> memref<1x128xi32, #tpu.memory_space<vmem>>
          %dma_wait3A_78 = tpu.memref_squeeze %dma_wait3A_77 : memref<1x128xi32, #tpu.memory_space<vmem>> -> memref<128xi32, #tpu.memory_space<vmem>>
          %dma_wait3A_79 = arith.constant 0 : i32
          %dma_wait3A_80 = arith.constant 0 : i32
          %dma_wait3A_81 = tpu.memref_slice %arg12[%dma_wait3A_79, %dma_wait3A_80] : memref<11024x32xf32, #tpu.memory_space<vmem_shared>> -> memref<11024x32xf32, #tpu.memory_space<vmem_shared>>
          tpu.wait_indirect_dma semaphore(%run_scoped3A : memref<!tpu.dma_semaphore, #tpu.memory_space<semaphore_mem>>) src(%arg10 : memref<128x32xf32, #tpu.memory_space<vmem>>) dst(%dma_wait3A_81 : memref<11024x32xf32, #tpu.memory_space<vmem_shared>>)
          tpu.yield
        }) : () -> ()
        %add3A_43 = arith.constant 0 : i32
        %add3A_44 = arith.addi %add3A_33, %add3A_43 : i32
        %add3A_45 = arith.constant 2 : i32
        %add3A_46 = arith.addi %add3A_44, %add3A_45 : i32
        %lt3A = arith.constant 158 : i32
        %lt3A_47 = arith.cmpi slt, %add3A_46, %lt3A : i32
        %convert_element_type3A_48 = arith.extui %lt3A_47 : i1 to i32
        %cond3A_49 = arith.constant 0 : i32
        %cond3A_50 = arith.cmpi ne, %convert_element_type3A_48, %cond3A_49 : i32
        scf.if %cond3A_50 {
          %add3A_70 = arith.constant 0 : i32
          %add3A_71 = arith.addi %add3A_33, %add3A_70 : i32
          %add3A_72 = arith.constant 2 : i32
          %add3A_73 = arith.addi %add3A_71, %add3A_72 : i32
          %dma_start3A_74 = arith.constant 0 : i32
          %dma_start3A_75 = tpu.memref_slice %arg8[%add3A_73, %dma_start3A_74] : memref<158x128xi32, #tpu.memory_space<vmem>> -> memref<1x128xi32, #tpu.memory_space<vmem>>
          %dma_start3A_76 = tpu.memref_squeeze %dma_start3A_75 : memref<1x128xi32, #tpu.memory_space<vmem>> -> memref<128xi32, #tpu.memory_space<vmem>>
          %dma_start3A_77 = arith.constant 0 : i32
          %dma_start3A_78 = arith.constant 0 : i32
          %dma_start3A_79 = tpu.memref_slice %arg2[%dma_start3A_77, %dma_start3A_78] : memref<10000x32xf32, #tpu.memory_space<hbm>> -> memref<10000x32xf32, #tpu.memory_space<hbm>>
          tpu.enqueue_indirect_dma source(%dma_start3A_79 : memref<10000x32xf32, #tpu.memory_space<hbm>>) target(%arg10 : memref<128x32xf32, #tpu.memory_space<vmem>>) offsets(%dma_start3A_76 : memref<128xi32, #tpu.memory_space<vmem>>) semaphore(%arg13 : memref<!tpu.dma_semaphore, #tpu.memory_space<semaphore_mem>>)
        } else {
        }
        %add3A_51 = arith.constant 1 : i32
        %add3A_52 = arith.addi %add3A_33, %add3A_51 : i32
        %dma_wait3A_53 = arith.constant 0 : i32
        %dma_wait3A_54 = tpu.memref_slice %arg8[%add3A_52, %dma_wait3A_53] : memref<158x128xi32, #tpu.memory_space<vmem>> -> memref<1x128xi32, #tpu.memory_space<vmem>>
        %dma_wait3A_55 = tpu.memref_squeeze %dma_wait3A_54 : memref<1x128xi32, #tpu.memory_space<vmem>> -> memref<128xi32, #tpu.memory_space<vmem>>
        %dma_wait3A_56 = arith.constant 0 : i32
        %dma_wait3A_57 = arith.constant 0 : i32
        %dma_wait3A_58 = tpu.memref_slice %arg2[%dma_wait3A_56, %dma_wait3A_57] : memref<10000x32xf32, #tpu.memory_space<hbm>> -> memref<10000x32xf32, #tpu.memory_space<hbm>>
        tpu.wait_indirect_dma semaphore(%arg14 : memref<!tpu.dma_semaphore, #tpu.memory_space<semaphore_mem>>) src(%dma_wait3A_58 : memref<10000x32xf32, #tpu.memory_space<hbm>>) dst(%arg11 : memref<128x32xf32, #tpu.memory_space<vmem>>)
        %add3A_59 = arith.constant 1 : i32
        %add3A_60 = arith.addi %add3A_33, %add3A_59 : i32
        "tpu.region"() ({
          %run_scoped3A = tpu.sem_alloc : memref<!tpu.dma_semaphore, #tpu.memory_space<semaphore_mem>>
          %dma_start3A_70 = arith.constant 0 : i32
          %dma_start3A_71 = tpu.memref_slice %arg9[%add3A_60, %dma_start3A_70] : memref<158x128xi32, #tpu.memory_space<vmem>> -> memref<1x128xi32, #tpu.memory_space<vmem>>
          %dma_start3A_72 = tpu.memref_squeeze %dma_start3A_71 : memref<1x128xi32, #tpu.memory_space<vmem>> -> memref<128xi32, #tpu.memory_space<vmem>>
          %dma_start3A_73 = arith.constant 0 : i32
          %dma_start3A_74 = arith.constant 0 : i32
          %dma_start3A_75 = tpu.memref_slice %arg12[%dma_start3A_73, %dma_start3A_74] : memref<11024x32xf32, #tpu.memory_space<vmem_shared>> -> memref<11024x32xf32, #tpu.memory_space<vmem_shared>>
          tpu.enqueue_indirect_dma source(%arg11 : memref<128x32xf32, #tpu.memory_space<vmem>>) target(%dma_start3A_75 : memref<11024x32xf32, #tpu.memory_space<vmem_shared>>) offsets(%dma_start3A_72 : memref<128xi32, #tpu.memory_space<vmem>>) semaphore(%run_scoped3A : memref<!tpu.dma_semaphore, #tpu.memory_space<semaphore_mem>>) {add = true}
          %dma_wait3A_76 = arith.constant 0 : i32
          %dma_wait3A_77 = tpu.memref_slice %arg9[%add3A_60, %dma_wait3A_76] : memref<158x128xi32, #tpu.memory_space<vmem>> -> memref<1x128xi32, #tpu.memory_space<vmem>>
          %dma_wait3A_78 = tpu.memref_squeeze %dma_wait3A_77 : memref<1x128xi32, #tpu.memory_space<vmem>> -> memref<128xi32, #tpu.memory_space<vmem>>
          %dma_wait3A_79 = arith.constant 0 : i32
          %dma_wait3A_80 = arith.constant 0 : i32
          %dma_wait3A_81 = tpu.memref_slice %arg12[%dma_wait3A_79, %dma_wait3A_80] : memref<11024x32xf32, #tpu.memory_space<vmem_shared>> -> memref<11024x32xf32, #tpu.memory_space<vmem_shared>>
          tpu.wait_indirect_dma semaphore(%run_scoped3A : memref<!tpu.dma_semaphore, #tpu.memory_space<semaphore_mem>>) src(%arg11 : memref<128x32xf32, #tpu.memory_space<vmem>>) dst(%dma_wait3A_81 : memref<11024x32xf32, #tpu.memory_space<vmem_shared>>)
          tpu.yield
        }) : () -> ()
        %add3A_61 = arith.constant 1 : i32
        %add3A_62 = arith.addi %add3A_33, %add3A_61 : i32
        %add3A_63 = arith.constant 2 : i32
        %add3A_64 = arith.addi %add3A_62, %add3A_63 : i32
        %lt3A_65 = arith.constant 158 : i32
        %lt3A_66 = arith.cmpi slt, %add3A_64, %lt3A_65 : i32
        %convert_element_type3A_67 = arith.extui %lt3A_66 : i1 to i32
        %cond3A_68 = arith.constant 0 : i32
        %cond3A_69 = arith.cmpi ne, %convert_element_type3A_67, %cond3A_68 : i32
        scf.if %cond3A_69 {
          %add3A_70 = arith.constant 1 : i32
          %add3A_71 = arith.addi %add3A_33, %add3A_70 : i32
          %add3A_72 = arith.constant 2 : i32
          %add3A_73 = arith.addi %add3A_71, %add3A_72 : i32
          %dma_start3A_74 = arith.constant 0 : i32
          %dma_start3A_75 = tpu.memref_slice %arg8[%add3A_73, %dma_start3A_74] : memref<158x128xi32, #tpu.memory_space<vmem>> -> memref<1x128xi32, #tpu.memory_space<vmem>>
          %dma_start3A_76 = tpu.memref_squeeze %dma_start3A_75 : memref<1x128xi32, #tpu.memory_space<vmem>> -> memref<128xi32, #tpu.memory_space<vmem>>
          %dma_start3A_77 = arith.constant 0 : i32
          %dma_start3A_78 = arith.constant 0 : i32
          %dma_start3A_79 = tpu.memref_slice %arg2[%dma_start3A_77, %dma_start3A_78] : memref<10000x32xf32, #tpu.memory_space<hbm>> -> memref<10000x32xf32, #tpu.memory_space<hbm>>
          tpu.enqueue_indirect_dma source(%dma_start3A_79 : memref<10000x32xf32, #tpu.memory_space<hbm>>) target(%arg11 : memref<128x32xf32, #tpu.memory_space<vmem>>) offsets(%dma_start3A_76 : memref<128xi32, #tpu.memory_space<vmem>>) semaphore(%arg14 : memref<!tpu.dma_semaphore, #tpu.memory_space<semaphore_mem>>)
        } else {
        }
      }
      %scan3A_24 = arith.constant 79 : i32
      %barrier3A_25 = arith.constant 0 : index
      tpu.barrier barrier_id(%barrier3A_25)
      %mul3A_26 = arith.constant 625 : i32
      %mul3A_27 = arith.muli %arg1, %mul3A_26 : i32
      %mul3A_28 = arith.constant 625 : i32
      %mul3A_29 = arith.muli %arg1, %mul3A_28 : i32
      "tpu.region"() ({
        %run_scoped3A = tpu.sem_alloc : memref<!tpu.dma_semaphore, #tpu.memory_space<semaphore_mem>>
        %dma_start3A_30 = arith.constant 0 : i32
        %dma_start3A_31 = tpu.memref_slice %arg7[%mul3A_29, %dma_start3A_30] : memref<10000x64xf32, #tpu.memory_space<hbm>> -> memref<625x32xf32, #tpu.memory_space<hbm>>
        %dma_start3A_32 = arith.constant 0 : i32
        %dma_start3A_33 = tpu.memref_slice %arg12[%mul3A_27, %dma_start3A_32] : memref<11024x32xf32, #tpu.memory_space<vmem_shared>> -> memref<625x32xf32, #tpu.memory_space<vmem_shared>>
        tpu.enqueue_dma source(%dma_start3A_33 : memref<625x32xf32, #tpu.memory_space<vmem_shared>>) target(%dma_start3A_31 : memref<625x32xf32, #tpu.memory_space<hbm>>) target_semaphore(%run_scoped3A : memref<!tpu.dma_semaphore, #tpu.memory_space<semaphore_mem>>)
        %dma_wait3A = arith.constant 0 : i32
        %dma_wait3A_34 = tpu.memref_slice %arg7[%mul3A_29, %dma_wait3A] : memref<10000x64xf32, #tpu.memory_space<hbm>> -> memref<625x32xf32, #tpu.memory_space<hbm>>
        %dma_wait3A_35 = arith.constant 0 : i32
        %dma_wait3A_36 = tpu.memref_slice %arg12[%mul3A_27, %dma_wait3A_35] : memref<11024x32xf32, #tpu.memory_space<vmem_shared>> -> memref<625x32xf32, #tpu.memory_space<vmem_shared>>
        tpu.wait_dma2 semaphore(%run_scoped3A : memref<!tpu.dma_semaphore, #tpu.memory_space<semaphore_mem>>) src(%dma_wait3A_36 : memref<625x32xf32, #tpu.memory_space<vmem_shared>>) dst(%dma_wait3A_34 : memref<625x32xf32, #tpu.memory_space<hbm>>)
        tpu.yield
      }) : () -> ()
    } else {
    }
    %eq3A_2 = arith.constant 1 : i32
    %eq3A_3 = arith.cmpi eq, %arg0, %eq3A_2 : i32
    %convert_element_type3A_4 = arith.extui %eq3A_3 : i1 to i32
    %cond3A_5 = arith.constant 0 : i32
    %cond3A_6 = arith.cmpi ne, %convert_element_type3A_4, %cond3A_5 : i32
    scf.if %cond3A_6 {
      "tpu.region"() ({
        %run_scoped3A = tpu.sem_alloc : memref<!tpu.dma_semaphore, #tpu.memory_space<semaphore_mem>>
        %dma_start3A_30 = arith.constant 0 : i32
        %dma_start3A_31 = arith.constant 0 : i32
        %dma_start3A_32 = tpu.memref_slice %arg4[%arg1, %dma_start3A_30, %dma_start3A_31] : memref<16x158x128xi32, #tpu.memory_space<hbm>> -> memref<1x158x128xi32, #tpu.memory_space<hbm>>
        %dma_start3A_33 = tpu.memref_squeeze %dma_start3A_32 : memref<1x158x128xi32, #tpu.memory_space<hbm>> -> memref<158x128xi32, #tpu.memory_space<hbm>>
        %dma_start3A_34 = arith.constant 0 : i32
        %dma_start3A_35 = arith.constant 0 : i32
        %dma_start3A_36 = tpu.memref_slice %arg4[%arg1, %dma_start3A_34, %dma_start3A_35] : memref<16x158x128xi32, #tpu.memory_space<hbm>> -> memref<1x158x128xi32, #tpu.memory_space<hbm>>
        %dma_start3A_37 = tpu.memref_squeeze %dma_start3A_36 : memref<1x158x128xi32, #tpu.memory_space<hbm>> -> memref<158x128xi32, #tpu.memory_space<hbm>>
        tpu.enqueue_dma source(%dma_start3A_37 : memref<158x128xi32, #tpu.memory_space<hbm>>) target(%arg8 : memref<158x128xi32, #tpu.memory_space<vmem>>) target_semaphore(%run_scoped3A : memref<!tpu.dma_semaphore, #tpu.memory_space<semaphore_mem>>)
        %dma_wait3A = arith.constant 0 : i32
        %dma_wait3A_38 = arith.constant 0 : i32
        %dma_wait3A_39 = tpu.memref_slice %arg4[%arg1, %dma_wait3A, %dma_wait3A_38] : memref<16x158x128xi32, #tpu.memory_space<hbm>> -> memref<1x158x128xi32, #tpu.memory_space<hbm>>
        %dma_wait3A_40 = tpu.memref_squeeze %dma_wait3A_39 : memref<1x158x128xi32, #tpu.memory_space<hbm>> -> memref<158x128xi32, #tpu.memory_space<hbm>>
        %dma_wait3A_41 = arith.constant 0 : i32
        %dma_wait3A_42 = arith.constant 0 : i32
        %dma_wait3A_43 = tpu.memref_slice %arg4[%arg1, %dma_wait3A_41, %dma_wait3A_42] : memref<16x158x128xi32, #tpu.memory_space<hbm>> -> memref<1x158x128xi32, #tpu.memory_space<hbm>>
        %dma_wait3A_44 = tpu.memref_squeeze %dma_wait3A_43 : memref<1x158x128xi32, #tpu.memory_space<hbm>> -> memref<158x128xi32, #tpu.memory_space<hbm>>
        tpu.wait_dma2 semaphore(%run_scoped3A : memref<!tpu.dma_semaphore, #tpu.memory_space<semaphore_mem>>) src(%dma_wait3A_44 : memref<158x128xi32, #tpu.memory_space<hbm>>) dst(%arg8 : memref<158x128xi32, #tpu.memory_space<vmem>>)
        tpu.yield
      }) : () -> ()
      "tpu.region"() ({
        %run_scoped3A = tpu.sem_alloc : memref<!tpu.dma_semaphore, #tpu.memory_space<semaphore_mem>>
        %dma_start3A_30 = arith.constant 0 : i32
        %dma_start3A_31 = arith.constant 0 : i32
        %dma_start3A_32 = tpu.memref_slice %arg5[%arg1, %dma_start3A_30, %dma_start3A_31] : memref<16x158x128xi32, #tpu.memory_space<hbm>> -> memref<1x158x128xi32, #tpu.memory_space<hbm>>
        %dma_start3A_33 = tpu.memref_squeeze %dma_start3A_32 : memref<1x158x128xi32, #tpu.memory_space<hbm>> -> memref<158x128xi32, #tpu.memory_space<hbm>>
        %dma_start3A_34 = arith.constant 0 : i32
        %dma_start3A_35 = arith.constant 0 : i32
        %dma_start3A_36 = tpu.memref_slice %arg5[%arg1, %dma_start3A_34, %dma_start3A_35] : memref<16x158x128xi32, #tpu.memory_space<hbm>> -> memref<1x158x128xi32, #tpu.memory_space<hbm>>
        %dma_start3A_37 = tpu.memref_squeeze %dma_start3A_36 : memref<1x158x128xi32, #tpu.memory_space<hbm>> -> memref<158x128xi32, #tpu.memory_space<hbm>>
        tpu.enqueue_dma source(%dma_start3A_37 : memref<158x128xi32, #tpu.memory_space<hbm>>) target(%arg9 : memref<158x128xi32, #tpu.memory_space<vmem>>) target_semaphore(%run_scoped3A : memref<!tpu.dma_semaphore, #tpu.memory_space<semaphore_mem>>)
        %dma_wait3A = arith.constant 0 : i32
        %dma_wait3A_38 = arith.constant 0 : i32
        %dma_wait3A_39 = tpu.memref_slice %arg5[%arg1, %dma_wait3A, %dma_wait3A_38] : memref<16x158x128xi32, #tpu.memory_space<hbm>> -> memref<1x158x128xi32, #tpu.memory_space<hbm>>
        %dma_wait3A_40 = tpu.memref_squeeze %dma_wait3A_39 : memref<1x158x128xi32, #tpu.memory_space<hbm>> -> memref<158x128xi32, #tpu.memory_space<hbm>>
        %dma_wait3A_41 = arith.constant 0 : i32
        %dma_wait3A_42 = arith.constant 0 : i32
        %dma_wait3A_43 = tpu.memref_slice %arg5[%arg1, %dma_wait3A_41, %dma_wait3A_42] : memref<16x158x128xi32, #tpu.memory_space<hbm>> -> memref<1x158x128xi32, #tpu.memory_space<hbm>>
        %dma_wait3A_44 = tpu.memref_squeeze %dma_wait3A_43 : memref<1x158x128xi32, #tpu.memory_space<hbm>> -> memref<158x128xi32, #tpu.memory_space<hbm>>
        tpu.wait_dma2 semaphore(%run_scoped3A : memref<!tpu.dma_semaphore, #tpu.memory_space<semaphore_mem>>) src(%dma_wait3A_44 : memref<158x128xi32, #tpu.memory_space<hbm>>) dst(%arg9 : memref<158x128xi32, #tpu.memory_space<vmem>>)
        tpu.yield
      }) : () -> ()
      %mul3A = arith.constant 625 : i32
      %mul3A_7 = arith.muli %arg1, %mul3A : i32
      "tpu.region"() ({
        %run_scoped3A = tpu.sem_alloc : memref<!tpu.dma_semaphore, #tpu.memory_space<semaphore_mem>>
        %dma_start3A_30 = arith.constant 0 : i32
        %dma_start3A_31 = tpu.memref_slice %arg12[%mul3A_7, %dma_start3A_30] : memref<11024x32xf32, #tpu.memory_space<vmem_shared>> -> memref<625x32xf32, #tpu.memory_space<vmem_shared>>
        tpu.enqueue_dma source(%arg6 : memref<625x32xf32, #tpu.memory_space<hbm>>) target(%dma_start3A_31 : memref<625x32xf32, #tpu.memory_space<vmem_shared>>) target_semaphore(%run_scoped3A : memref<!tpu.dma_semaphore, #tpu.memory_space<semaphore_mem>>)
        %dma_wait3A = arith.constant 0 : i32
        %dma_wait3A_32 = tpu.memref_slice %arg12[%mul3A_7, %dma_wait3A] : memref<11024x32xf32, #tpu.memory_space<vmem_shared>> -> memref<625x32xf32, #tpu.memory_space<vmem_shared>>
        tpu.wait_dma2 semaphore(%run_scoped3A : memref<!tpu.dma_semaphore, #tpu.memory_space<semaphore_mem>>) src(%arg6 : memref<625x32xf32, #tpu.memory_space<hbm>>) dst(%dma_wait3A_32 : memref<625x32xf32, #tpu.memory_space<vmem_shared>>)
        tpu.yield
      }) : () -> ()
      %barrier3A = arith.constant 0 : index
      tpu.barrier barrier_id(%barrier3A)
      %dma_start3A = arith.constant 0 : i32
      %dma_start3A_8 = arith.constant 0 : i32
      %dma_start3A_9 = tpu.memref_slice %arg8[%dma_start3A, %dma_start3A_8] : memref<158x128xi32, #tpu.memory_space<vmem>> -> memref<1x128xi32, #tpu.memory_space<vmem>>
      %dma_start3A_10 = tpu.memref_squeeze %dma_start3A_9 : memref<1x128xi32, #tpu.memory_space<vmem>> -> memref<128xi32, #tpu.memory_space<vmem>>
      %dma_start3A_11 = arith.constant 0 : i32
      %dma_start3A_12 = arith.constant 0 : i32
      %dma_start3A_13 = tpu.memref_slice %arg3[%dma_start3A_11, %dma_start3A_12] : memref<10000x32xf32, #tpu.memory_space<hbm>> -> memref<10000x32xf32, #tpu.memory_space<hbm>>
      tpu.enqueue_indirect_dma source(%dma_start3A_13 : memref<10000x32xf32, #tpu.memory_space<hbm>>) target(%arg10 : memref<128x32xf32, #tpu.memory_space<vmem>>) offsets(%dma_start3A_10 : memref<128xi32, #tpu.memory_space<vmem>>) semaphore(%arg13 : memref<!tpu.dma_semaphore, #tpu.memory_space<semaphore_mem>>)
      %dma_start3A_14 = arith.constant 1 : i32
      %dma_start3A_15 = arith.constant 0 : i32
      %dma_start3A_16 = tpu.memref_slice %arg8[%dma_start3A_14, %dma_start3A_15] : memref<158x128xi32, #tpu.memory_space<vmem>> -> memref<1x128xi32, #tpu.memory_space<vmem>>
      %dma_start3A_17 = tpu.memref_squeeze %dma_start3A_16 : memref<1x128xi32, #tpu.memory_space<vmem>> -> memref<128xi32, #tpu.memory_space<vmem>>
      %dma_start3A_18 = arith.constant 0 : i32
      %dma_start3A_19 = arith.constant 0 : i32
      %dma_start3A_20 = tpu.memref_slice %arg3[%dma_start3A_18, %dma_start3A_19] : memref<10000x32xf32, #tpu.memory_space<hbm>> -> memref<10000x32xf32, #tpu.memory_space<hbm>>
      tpu.enqueue_indirect_dma source(%dma_start3A_20 : memref<10000x32xf32, #tpu.memory_space<hbm>>) target(%arg11 : memref<128x32xf32, #tpu.memory_space<vmem>>) offsets(%dma_start3A_17 : memref<128xi32, #tpu.memory_space<vmem>>) semaphore(%arg14 : memref<!tpu.dma_semaphore, #tpu.memory_space<semaphore_mem>>)
      %scan3A = arith.constant 0 : i32
      %scan3A_21 = arith.constant 79 : i32
      %scan3A_22 = arith.addi %scan3A, %scan3A_21 : i32
      %scan3A_23 = arith.constant 1 : i32
      scf.for %scan3A_30 = %scan3A to %scan3A_22 step %scan3A_23  : i32 {
        %mul3A_31 = arith.constant 2 : i32
        %mul3A_32 = arith.muli %scan3A_30, %mul3A_31 : i32
        %add3A = arith.constant 0 : i32
        %add3A_33 = arith.addi %add3A, %mul3A_32 : i32
        %add3A_34 = arith.constant 0 : i32
        %add3A_35 = arith.addi %add3A_33, %add3A_34 : i32
        %dma_wait3A = arith.constant 0 : i32
        %dma_wait3A_36 = tpu.memref_slice %arg8[%add3A_35, %dma_wait3A] : memref<158x128xi32, #tpu.memory_space<vmem>> -> memref<1x128xi32, #tpu.memory_space<vmem>>
        %dma_wait3A_37 = tpu.memref_squeeze %dma_wait3A_36 : memref<1x128xi32, #tpu.memory_space<vmem>> -> memref<128xi32, #tpu.memory_space<vmem>>
        %dma_wait3A_38 = arith.constant 0 : i32
        %dma_wait3A_39 = arith.constant 0 : i32
        %dma_wait3A_40 = tpu.memref_slice %arg3[%dma_wait3A_38, %dma_wait3A_39] : memref<10000x32xf32, #tpu.memory_space<hbm>> -> memref<10000x32xf32, #tpu.memory_space<hbm>>
        tpu.wait_indirect_dma semaphore(%arg13 : memref<!tpu.dma_semaphore, #tpu.memory_space<semaphore_mem>>) src(%dma_wait3A_40 : memref<10000x32xf32, #tpu.memory_space<hbm>>) dst(%arg10 : memref<128x32xf32, #tpu.memory_space<vmem>>)
        %add3A_41 = arith.constant 0 : i32
        %add3A_42 = arith.addi %add3A_33, %add3A_41 : i32
        "tpu.region"() ({
          %run_scoped3A = tpu.sem_alloc : memref<!tpu.dma_semaphore, #tpu.memory_space<semaphore_mem>>
          %dma_start3A_70 = arith.constant 0 : i32
          %dma_start3A_71 = tpu.memref_slice %arg9[%add3A_42, %dma_start3A_70] : memref<158x128xi32, #tpu.memory_space<vmem>> -> memref<1x128xi32, #tpu.memory_space<vmem>>
          %dma_start3A_72 = tpu.memref_squeeze %dma_start3A_71 : memref<1x128xi32, #tpu.memory_space<vmem>> -> memref<128xi32, #tpu.memory_space<vmem>>
          %dma_start3A_73 = arith.constant 0 : i32
          %dma_start3A_74 = arith.constant 0 : i32
          %dma_start3A_75 = tpu.memref_slice %arg12[%dma_start3A_73, %dma_start3A_74] : memref<11024x32xf32, #tpu.memory_space<vmem_shared>> -> memref<11024x32xf32, #tpu.memory_space<vmem_shared>>
          tpu.enqueue_indirect_dma source(%arg10 : memref<128x32xf32, #tpu.memory_space<vmem>>) target(%dma_start3A_75 : memref<11024x32xf32, #tpu.memory_space<vmem_shared>>) offsets(%dma_start3A_72 : memref<128xi32, #tpu.memory_space<vmem>>) semaphore(%run_scoped3A : memref<!tpu.dma_semaphore, #tpu.memory_space<semaphore_mem>>) {add = true}
          %dma_wait3A_76 = arith.constant 0 : i32
          %dma_wait3A_77 = tpu.memref_slice %arg9[%add3A_42, %dma_wait3A_76] : memref<158x128xi32, #tpu.memory_space<vmem>> -> memref<1x128xi32, #tpu.memory_space<vmem>>
          %dma_wait3A_78 = tpu.memref_squeeze %dma_wait3A_77 : memref<1x128xi32, #tpu.memory_space<vmem>> -> memref<128xi32, #tpu.memory_space<vmem>>
          %dma_wait3A_79 = arith.constant 0 : i32
          %dma_wait3A_80 = arith.constant 0 : i32
          %dma_wait3A_81 = tpu.memref_slice %arg12[%dma_wait3A_79, %dma_wait3A_80] : memref<11024x32xf32, #tpu.memory_space<vmem_shared>> -> memref<11024x32xf32, #tpu.memory_space<vmem_shared>>
          tpu.wait_indirect_dma semaphore(%run_scoped3A : memref<!tpu.dma_semaphore, #tpu.memory_space<semaphore_mem>>) src(%arg10 : memref<128x32xf32, #tpu.memory_space<vmem>>) dst(%dma_wait3A_81 : memref<11024x32xf32, #tpu.memory_space<vmem_shared>>)
          tpu.yield
        }) : () -> ()
        %add3A_43 = arith.constant 0 : i32
        %add3A_44 = arith.addi %add3A_33, %add3A_43 : i32
        %add3A_45 = arith.constant 2 : i32
        %add3A_46 = arith.addi %add3A_44, %add3A_45 : i32
        %lt3A = arith.constant 158 : i32
        %lt3A_47 = arith.cmpi slt, %add3A_46, %lt3A : i32
        %convert_element_type3A_48 = arith.extui %lt3A_47 : i1 to i32
        %cond3A_49 = arith.constant 0 : i32
        %cond3A_50 = arith.cmpi ne, %convert_element_type3A_48, %cond3A_49 : i32
        scf.if %cond3A_50 {
          %add3A_70 = arith.constant 0 : i32
          %add3A_71 = arith.addi %add3A_33, %add3A_70 : i32
          %add3A_72 = arith.constant 2 : i32
          %add3A_73 = arith.addi %add3A_71, %add3A_72 : i32
          %dma_start3A_74 = arith.constant 0 : i32
          %dma_start3A_75 = tpu.memref_slice %arg8[%add3A_73, %dma_start3A_74] : memref<158x128xi32, #tpu.memory_space<vmem>> -> memref<1x128xi32, #tpu.memory_space<vmem>>
          %dma_start3A_76 = tpu.memref_squeeze %dma_start3A_75 : memref<1x128xi32, #tpu.memory_space<vmem>> -> memref<128xi32, #tpu.memory_space<vmem>>
          %dma_start3A_77 = arith.constant 0 : i32
          %dma_start3A_78 = arith.constant 0 : i32
          %dma_start3A_79 = tpu.memref_slice %arg3[%dma_start3A_77, %dma_start3A_78] : memref<10000x32xf32, #tpu.memory_space<hbm>> -> memref<10000x32xf32, #tpu.memory_space<hbm>>
          tpu.enqueue_indirect_dma source(%dma_start3A_79 : memref<10000x32xf32, #tpu.memory_space<hbm>>) target(%arg10 : memref<128x32xf32, #tpu.memory_space<vmem>>) offsets(%dma_start3A_76 : memref<128xi32, #tpu.memory_space<vmem>>) semaphore(%arg13 : memref<!tpu.dma_semaphore, #tpu.memory_space<semaphore_mem>>)
        } else {
        }
        %add3A_51 = arith.constant 1 : i32
        %add3A_52 = arith.addi %add3A_33, %add3A_51 : i32
        %dma_wait3A_53 = arith.constant 0 : i32
        %dma_wait3A_54 = tpu.memref_slice %arg8[%add3A_52, %dma_wait3A_53] : memref<158x128xi32, #tpu.memory_space<vmem>> -> memref<1x128xi32, #tpu.memory_space<vmem>>
        %dma_wait3A_55 = tpu.memref_squeeze %dma_wait3A_54 : memref<1x128xi32, #tpu.memory_space<vmem>> -> memref<128xi32, #tpu.memory_space<vmem>>
        %dma_wait3A_56 = arith.constant 0 : i32
        %dma_wait3A_57 = arith.constant 0 : i32
        %dma_wait3A_58 = tpu.memref_slice %arg3[%dma_wait3A_56, %dma_wait3A_57] : memref<10000x32xf32, #tpu.memory_space<hbm>> -> memref<10000x32xf32, #tpu.memory_space<hbm>>
        tpu.wait_indirect_dma semaphore(%arg14 : memref<!tpu.dma_semaphore, #tpu.memory_space<semaphore_mem>>) src(%dma_wait3A_58 : memref<10000x32xf32, #tpu.memory_space<hbm>>) dst(%arg11 : memref<128x32xf32, #tpu.memory_space<vmem>>)
        %add3A_59 = arith.constant 1 : i32
        %add3A_60 = arith.addi %add3A_33, %add3A_59 : i32
        "tpu.region"() ({
          %run_scoped3A = tpu.sem_alloc : memref<!tpu.dma_semaphore, #tpu.memory_space<semaphore_mem>>
          %dma_start3A_70 = arith.constant 0 : i32
          %dma_start3A_71 = tpu.memref_slice %arg9[%add3A_60, %dma_start3A_70] : memref<158x128xi32, #tpu.memory_space<vmem>> -> memref<1x128xi32, #tpu.memory_space<vmem>>
          %dma_start3A_72 = tpu.memref_squeeze %dma_start3A_71 : memref<1x128xi32, #tpu.memory_space<vmem>> -> memref<128xi32, #tpu.memory_space<vmem>>
          %dma_start3A_73 = arith.constant 0 : i32
          %dma_start3A_74 = arith.constant 0 : i32
          %dma_start3A_75 = tpu.memref_slice %arg12[%dma_start3A_73, %dma_start3A_74] : memref<11024x32xf32, #tpu.memory_space<vmem_shared>> -> memref<11024x32xf32, #tpu.memory_space<vmem_shared>>
          tpu.enqueue_indirect_dma source(%arg11 : memref<128x32xf32, #tpu.memory_space<vmem>>) target(%dma_start3A_75 : memref<11024x32xf32, #tpu.memory_space<vmem_shared>>) offsets(%dma_start3A_72 : memref<128xi32, #tpu.memory_space<vmem>>) semaphore(%run_scoped3A : memref<!tpu.dma_semaphore, #tpu.memory_space<semaphore_mem>>) {add = true}
          %dma_wait3A_76 = arith.constant 0 : i32
          %dma_wait3A_77 = tpu.memref_slice %arg9[%add3A_60, %dma_wait3A_76] : memref<158x128xi32, #tpu.memory_space<vmem>> -> memref<1x128xi32, #tpu.memory_space<vmem>>
          %dma_wait3A_78 = tpu.memref_squeeze %dma_wait3A_77 : memref<1x128xi32, #tpu.memory_space<vmem>> -> memref<128xi32, #tpu.memory_space<vmem>>
          %dma_wait3A_79 = arith.constant 0 : i32
          %dma_wait3A_80 = arith.constant 0 : i32
          %dma_wait3A_81 = tpu.memref_slice %arg12[%dma_wait3A_79, %dma_wait3A_80] : memref<11024x32xf32, #tpu.memory_space<vmem_shared>> -> memref<11024x32xf32, #tpu.memory_space<vmem_shared>>
          tpu.wait_indirect_dma semaphore(%run_scoped3A : memref<!tpu.dma_semaphore, #tpu.memory_space<semaphore_mem>>) src(%arg11 : memref<128x32xf32, #tpu.memory_space<vmem>>) dst(%dma_wait3A_81 : memref<11024x32xf32, #tpu.memory_space<vmem_shared>>)
          tpu.yield
        }) : () -> ()
        %add3A_61 = arith.constant 1 : i32
        %add3A_62 = arith.addi %add3A_33, %add3A_61 : i32
        %add3A_63 = arith.constant 2 : i32
        %add3A_64 = arith.addi %add3A_62, %add3A_63 : i32
        %lt3A_65 = arith.constant 158 : i32
        %lt3A_66 = arith.cmpi slt, %add3A_64, %lt3A_65 : i32
        %convert_element_type3A_67 = arith.extui %lt3A_66 : i1 to i32
        %cond3A_68 = arith.constant 0 : i32
        %cond3A_69 = arith.cmpi ne, %convert_element_type3A_67, %cond3A_68 : i32
        scf.if %cond3A_69 {
          %add3A_70 = arith.constant 1 : i32
          %add3A_71 = arith.addi %add3A_33, %add3A_70 : i32
          %add3A_72 = arith.constant 2 : i32
          %add3A_73 = arith.addi %add3A_71, %add3A_72 : i32
          %dma_start3A_74 = arith.constant 0 : i32
          %dma_start3A_75 = tpu.memref_slice %arg8[%add3A_73, %dma_start3A_74] : memref<158x128xi32, #tpu.memory_space<vmem>> -> memref<1x128xi32, #tpu.memory_space<vmem>>
          %dma_start3A_76 = tpu.memref_squeeze %dma_start3A_75 : memref<1x128xi32, #tpu.memory_space<vmem>> -> memref<128xi32, #tpu.memory_space<vmem>>
          %dma_start3A_77 = arith.constant 0 : i32
          %dma_start3A_78 = arith.constant 0 : i32
          %dma_start3A_79 = tpu.memref_slice %arg3[%dma_start3A_77, %dma_start3A_78] : memref<10000x32xf32, #tpu.memory_space<hbm>> -> memref<10000x32xf32, #tpu.memory_space<hbm>>
          tpu.enqueue_indirect_dma source(%dma_start3A_79 : memref<10000x32xf32, #tpu.memory_space<hbm>>) target(%arg11 : memref<128x32xf32, #tpu.memory_space<vmem>>) offsets(%dma_start3A_76 : memref<128xi32, #tpu.memory_space<vmem>>) semaphore(%arg14 : memref<!tpu.dma_semaphore, #tpu.memory_space<semaphore_mem>>)
        } else {
        }
      }
      %scan3A_24 = arith.constant 79 : i32
      %barrier3A_25 = arith.constant 0 : index
      tpu.barrier barrier_id(%barrier3A_25)
      %mul3A_26 = arith.constant 625 : i32
      %mul3A_27 = arith.muli %arg1, %mul3A_26 : i32
      %mul3A_28 = arith.constant 625 : i32
      %mul3A_29 = arith.muli %arg1, %mul3A_28 : i32
      "tpu.region"() ({
        %run_scoped3A = tpu.sem_alloc : memref<!tpu.dma_semaphore, #tpu.memory_space<semaphore_mem>>
        %dma_start3A_30 = arith.constant 32 : i32
        %dma_start3A_31 = tpu.memref_slice %arg7[%mul3A_29, %dma_start3A_30] : memref<10000x64xf32, #tpu.memory_space<hbm>> -> memref<625x32xf32, #tpu.memory_space<hbm>>
        %dma_start3A_32 = arith.constant 0 : i32
        %dma_start3A_33 = tpu.memref_slice %arg12[%mul3A_27, %dma_start3A_32] : memref<11024x32xf32, #tpu.memory_space<vmem_shared>> -> memref<625x32xf32, #tpu.memory_space<vmem_shared>>
        tpu.enqueue_dma source(%dma_start3A_33 : memref<625x32xf32, #tpu.memory_space<vmem_shared>>) target(%dma_start3A_31 : memref<625x32xf32, #tpu.memory_space<hbm>>) target_semaphore(%run_scoped3A : memref<!tpu.dma_semaphore, #tpu.memory_space<semaphore_mem>>)
        %dma_wait3A = arith.constant 32 : i32
        %dma_wait3A_34 = tpu.memref_slice %arg7[%mul3A_29, %dma_wait3A] : memref<10000x64xf32, #tpu.memory_space<hbm>> -> memref<625x32xf32, #tpu.memory_space<hbm>>
        %dma_wait3A_35 = arith.constant 0 : i32
        %dma_wait3A_36 = tpu.memref_slice %arg12[%mul3A_27, %dma_wait3A_35] : memref<11024x32xf32, #tpu.memory_space<vmem_shared>> -> memref<625x32xf32, #tpu.memory_space<vmem_shared>>
        tpu.wait_dma2 semaphore(%run_scoped3A : memref<!tpu.dma_semaphore, #tpu.memory_space<semaphore_mem>>) src(%dma_wait3A_36 : memref<625x32xf32, #tpu.memory_space<vmem_shared>>) dst(%dma_wait3A_34 : memref<625x32xf32, #tpu.memory_space<hbm>>)
        tpu.yield
      }) : () -> ()
    } else {
    }
    return
  }
}

#map = affine_map<(d0, d1) -> (0, 0)>
#map1 = affine_map<(d0, d1) -> (0, 0, 0)>
module attributes {stable_mosaic.version = 14 : i64} {
  func.func @body(%arg0: i32, %arg1: i32, %arg2: memref<10000x64xf32, #tpu.memory_space<hbm>>, %arg3: memref<10000x64xf32, #tpu.memory_space<hbm>>, %arg4: memref<16x158x128xi32, #tpu.memory_space<hbm>>, %arg5: memref<16x158x128xi32, #tpu.memory_space<hbm>>, %arg6: memref<625x64xf32, #tpu.memory_space<hbm>>, %arg7: memref<10000x128xf32, #tpu.memory_space<hbm>>, %arg8: memref<158x128xi32, #tpu.memory_space<vmem>>, %arg9: memref<158x128xi32, #tpu.memory_space<vmem>>, %arg10: memref<128x64xf32, #tpu.memory_space<vmem>>, %arg11: memref<128x64xf32, #tpu.memory_space<vmem>>, %arg12: memref<11024x64xf32, #tpu.memory_space<vmem_shared>>, %arg13: memref<!tpu.dma_semaphore, #tpu.memory_space<semaphore_mem>>, %arg14: memref<!tpu.dma_semaphore, #tpu.memory_space<semaphore_mem>>, %arg15: memref<!tpu.dma_semaphore, #tpu.memory_space<semaphore_mem>>, %arg16: memref<!tpu.dma_semaphore, #tpu.memory_space<semaphore_mem>>) attributes {dimension_semantics = [#tpu.dimension_semantics<core_parallel>, #tpu.dimension_semantics<subcore_parallel>], iteration_bounds = array<i64: 2, 16>, scalar_prefetch = 0 : i64, scratch_operands = 9 : i64, tpu.core_type = #tpu.core_type<sc_vector_subcore>, window_params = [{transform_indices = #map}, {transform_indices = #map}, {transform_indices = #map1}, {transform_indices = #map1}, {transform_indices = #map}, {transform_indices = #map}]} {
    %eq3A = arith.constant 0 : i32
    %eq3A_0 = arith.cmpi eq, %arg0, %eq3A : i32
    %convert_element_type3A = arith.extui %eq3A_0 : i1 to i32
    %cond3A = arith.constant 0 : i32
    %cond3A_1 = arith.cmpi ne, %convert_element_type3A, %cond3A : i32
    scf.if %cond3A_1 {
      "tpu.region"() ({
        %run_scoped3A = tpu.sem_alloc : memref<!tpu.dma_semaphore, #tpu.memory_space<semaphore_mem>>
        %dma_start3A_30 = arith.constant 0 : i32
        %dma_start3A_31 = arith.constant 0 : i32
        %dma_start3A_32 = tpu.memref_slice %arg4[%arg1, %dma_start3A_30, %dma_start3A_31] : memref<16x158x128xi32, #tpu.memory_space<hbm>> -> memref<1x158x128xi32, #tpu.memory_space<hbm>>
        %dma_start3A_33 = tpu.memref_squeeze %dma_start3A_32 : memref<1x158x128xi32, #tpu.memory_space<hbm>> -> memref<158x128xi32, #tpu.memory_space<hbm>>
        %dma_start3A_34 = arith.constant 0 : i32
        %dma_start3A_35 = arith.constant 0 : i32
        %dma_start3A_36 = tpu.memref_slice %arg4[%arg1, %dma_start3A_34, %dma_start3A_35] : memref<16x158x128xi32, #tpu.memory_space<hbm>> -> memref<1x158x128xi32, #tpu.memory_space<hbm>>
        %dma_start3A_37 = tpu.memref_squeeze %dma_start3A_36 : memref<1x158x128xi32, #tpu.memory_space<hbm>> -> memref<158x128xi32, #tpu.memory_space<hbm>>
        tpu.enqueue_dma source(%dma_start3A_37 : memref<158x128xi32, #tpu.memory_space<hbm>>) target(%arg8 : memref<158x128xi32, #tpu.memory_space<vmem>>) target_semaphore(%run_scoped3A : memref<!tpu.dma_semaphore, #tpu.memory_space<semaphore_mem>>)
        %dma_wait3A = arith.constant 0 : i32
        %dma_wait3A_38 = arith.constant 0 : i32
        %dma_wait3A_39 = tpu.memref_slice %arg4[%arg1, %dma_wait3A, %dma_wait3A_38] : memref<16x158x128xi32, #tpu.memory_space<hbm>> -> memref<1x158x128xi32, #tpu.memory_space<hbm>>
        %dma_wait3A_40 = tpu.memref_squeeze %dma_wait3A_39 : memref<1x158x128xi32, #tpu.memory_space<hbm>> -> memref<158x128xi32, #tpu.memory_space<hbm>>
        %dma_wait3A_41 = arith.constant 0 : i32
        %dma_wait3A_42 = arith.constant 0 : i32
        %dma_wait3A_43 = tpu.memref_slice %arg4[%arg1, %dma_wait3A_41, %dma_wait3A_42] : memref<16x158x128xi32, #tpu.memory_space<hbm>> -> memref<1x158x128xi32, #tpu.memory_space<hbm>>
        %dma_wait3A_44 = tpu.memref_squeeze %dma_wait3A_43 : memref<1x158x128xi32, #tpu.memory_space<hbm>> -> memref<158x128xi32, #tpu.memory_space<hbm>>
        tpu.wait_dma2 semaphore(%run_scoped3A : memref<!tpu.dma_semaphore, #tpu.memory_space<semaphore_mem>>) src(%dma_wait3A_44 : memref<158x128xi32, #tpu.memory_space<hbm>>) dst(%arg8 : memref<158x128xi32, #tpu.memory_space<vmem>>)
        tpu.yield
      }) : () -> ()
      "tpu.region"() ({
        %run_scoped3A = tpu.sem_alloc : memref<!tpu.dma_semaphore, #tpu.memory_space<semaphore_mem>>
        %dma_start3A_30 = arith.constant 0 : i32
        %dma_start3A_31 = arith.constant 0 : i32
        %dma_start3A_32 = tpu.memref_slice %arg5[%arg1, %dma_start3A_30, %dma_start3A_31] : memref<16x158x128xi32, #tpu.memory_space<hbm>> -> memref<1x158x128xi32, #tpu.memory_space<hbm>>
        %dma_start3A_33 = tpu.memref_squeeze %dma_start3A_32 : memref<1x158x128xi32, #tpu.memory_space<hbm>> -> memref<158x128xi32, #tpu.memory_space<hbm>>
        %dma_start3A_34 = arith.constant 0 : i32
        %dma_start3A_35 = arith.constant 0 : i32
        %dma_start3A_36 = tpu.memref_slice %arg5[%arg1, %dma_start3A_34, %dma_start3A_35] : memref<16x158x128xi32, #tpu.memory_space<hbm>> -> memref<1x158x128xi32, #tpu.memory_space<hbm>>
        %dma_start3A_37 = tpu.memref_squeeze %dma_start3A_36 : memref<1x158x128xi32, #tpu.memory_space<hbm>> -> memref<158x128xi32, #tpu.memory_space<hbm>>
        tpu.enqueue_dma source(%dma_start3A_37 : memref<158x128xi32, #tpu.memory_space<hbm>>) target(%arg9 : memref<158x128xi32, #tpu.memory_space<vmem>>) target_semaphore(%run_scoped3A : memref<!tpu.dma_semaphore, #tpu.memory_space<semaphore_mem>>)
        %dma_wait3A = arith.constant 0 : i32
        %dma_wait3A_38 = arith.constant 0 : i32
        %dma_wait3A_39 = tpu.memref_slice %arg5[%arg1, %dma_wait3A, %dma_wait3A_38] : memref<16x158x128xi32, #tpu.memory_space<hbm>> -> memref<1x158x128xi32, #tpu.memory_space<hbm>>
        %dma_wait3A_40 = tpu.memref_squeeze %dma_wait3A_39 : memref<1x158x128xi32, #tpu.memory_space<hbm>> -> memref<158x128xi32, #tpu.memory_space<hbm>>
        %dma_wait3A_41 = arith.constant 0 : i32
        %dma_wait3A_42 = arith.constant 0 : i32
        %dma_wait3A_43 = tpu.memref_slice %arg5[%arg1, %dma_wait3A_41, %dma_wait3A_42] : memref<16x158x128xi32, #tpu.memory_space<hbm>> -> memref<1x158x128xi32, #tpu.memory_space<hbm>>
        %dma_wait3A_44 = tpu.memref_squeeze %dma_wait3A_43 : memref<1x158x128xi32, #tpu.memory_space<hbm>> -> memref<158x128xi32, #tpu.memory_space<hbm>>
        tpu.wait_dma2 semaphore(%run_scoped3A : memref<!tpu.dma_semaphore, #tpu.memory_space<semaphore_mem>>) src(%dma_wait3A_44 : memref<158x128xi32, #tpu.memory_space<hbm>>) dst(%arg9 : memref<158x128xi32, #tpu.memory_space<vmem>>)
        tpu.yield
      }) : () -> ()
      %mul3A = arith.constant 625 : i32
      %mul3A_7 = arith.muli %arg1, %mul3A : i32
      "tpu.region"() ({
        %run_scoped3A = tpu.sem_alloc : memref<!tpu.dma_semaphore, #tpu.memory_space<semaphore_mem>>
        %dma_start3A_30 = arith.constant 0 : i32
        %dma_start3A_31 = tpu.memref_slice %arg12[%mul3A_7, %dma_start3A_30] : memref<11024x64xf32, #tpu.memory_space<vmem_shared>> -> memref<625x64xf32, #tpu.memory_space<vmem_shared>>
        tpu.enqueue_dma source(%arg6 : memref<625x64xf32, #tpu.memory_space<hbm>>) target(%dma_start3A_31 : memref<625x64xf32, #tpu.memory_space<vmem_shared>>) target_semaphore(%run_scoped3A : memref<!tpu.dma_semaphore, #tpu.memory_space<semaphore_mem>>)
        %dma_wait3A = arith.constant 0 : i32
        %dma_wait3A_32 = tpu.memref_slice %arg12[%mul3A_7, %dma_wait3A] : memref<11024x64xf32, #tpu.memory_space<vmem_shared>> -> memref<625x64xf32, #tpu.memory_space<vmem_shared>>
        tpu.wait_dma2 semaphore(%run_scoped3A : memref<!tpu.dma_semaphore, #tpu.memory_space<semaphore_mem>>) src(%arg6 : memref<625x64xf32, #tpu.memory_space<hbm>>) dst(%dma_wait3A_32 : memref<625x64xf32, #tpu.memory_space<vmem_shared>>)
        tpu.yield
      }) : () -> ()
      %barrier3A = arith.constant 0 : index
      tpu.barrier barrier_id(%barrier3A)
      %dma_start3A = arith.constant 0 : i32
      %dma_start3A_8 = arith.constant 0 : i32
      %dma_start3A_9 = tpu.memref_slice %arg8[%dma_start3A, %dma_start3A_8] : memref<158x128xi32, #tpu.memory_space<vmem>> -> memref<1x128xi32, #tpu.memory_space<vmem>>
      %dma_start3A_10 = tpu.memref_squeeze %dma_start3A_9 : memref<1x128xi32, #tpu.memory_space<vmem>> -> memref<128xi32, #tpu.memory_space<vmem>>
      %dma_start3A_11 = arith.constant 0 : i32
      %dma_start3A_12 = arith.constant 0 : i32
      %dma_start3A_13 = tpu.memref_slice %arg2[%dma_start3A_11, %dma_start3A_12] : memref<10000x64xf32, #tpu.memory_space<hbm>> -> memref<10000x64xf32, #tpu.memory_space<hbm>>
      tpu.enqueue_indirect_dma source(%dma_start3A_13 : memref<10000x64xf32, #tpu.memory_space<hbm>>) target(%arg10 : memref<128x64xf32, #tpu.memory_space<vmem>>) offsets(%dma_start3A_10 : memref<128xi32, #tpu.memory_space<vmem>>) semaphore(%arg13 : memref<!tpu.dma_semaphore, #tpu.memory_space<semaphore_mem>>)
      %dma_start3A_14 = arith.constant 1 : i32
      %dma_start3A_15 = arith.constant 0 : i32
      %dma_start3A_16 = tpu.memref_slice %arg8[%dma_start3A_14, %dma_start3A_15] : memref<158x128xi32, #tpu.memory_space<vmem>> -> memref<1x128xi32, #tpu.memory_space<vmem>>
      %dma_start3A_17 = tpu.memref_squeeze %dma_start3A_16 : memref<1x128xi32, #tpu.memory_space<vmem>> -> memref<128xi32, #tpu.memory_space<vmem>>
      %dma_start3A_18 = arith.constant 0 : i32
      %dma_start3A_19 = arith.constant 0 : i32
      %dma_start3A_20 = tpu.memref_slice %arg2[%dma_start3A_18, %dma_start3A_19] : memref<10000x64xf32, #tpu.memory_space<hbm>> -> memref<10000x64xf32, #tpu.memory_space<hbm>>
      tpu.enqueue_indirect_dma source(%dma_start3A_20 : memref<10000x64xf32, #tpu.memory_space<hbm>>) target(%arg11 : memref<128x64xf32, #tpu.memory_space<vmem>>) offsets(%dma_start3A_17 : memref<128xi32, #tpu.memory_space<vmem>>) semaphore(%arg14 : memref<!tpu.dma_semaphore, #tpu.memory_space<semaphore_mem>>)
      %scan3A = arith.constant 0 : i32
      %scan3A_21 = arith.constant 79 : i32
      %scan3A_22 = arith.addi %scan3A, %scan3A_21 : i32
      %scan3A_23 = arith.constant 1 : i32
      scf.for %scan3A_30 = %scan3A to %scan3A_22 step %scan3A_23  : i32 {
        %mul3A_31 = arith.constant 2 : i32
        %mul3A_32 = arith.muli %scan3A_30, %mul3A_31 : i32
        %add3A = arith.constant 0 : i32
        %add3A_33 = arith.addi %add3A, %mul3A_32 : i32
        %add3A_34 = arith.constant 0 : i32
        %add3A_35 = arith.addi %add3A_33, %add3A_34 : i32
        %dma_wait3A = arith.constant 0 : i32
        %dma_wait3A_36 = tpu.memref_slice %arg8[%add3A_35, %dma_wait3A] : memref<158x128xi32, #tpu.memory_space<vmem>> -> memref<1x128xi32, #tpu.memory_space<vmem>>
        %dma_wait3A_37 = tpu.memref_squeeze %dma_wait3A_36 : memref<1x128xi32, #tpu.memory_space<vmem>> -> memref<128xi32, #tpu.memory_space<vmem>>
        %dma_wait3A_38 = arith.constant 0 : i32
        %dma_wait3A_39 = arith.constant 0 : i32
        %dma_wait3A_40 = tpu.memref_slice %arg2[%dma_wait3A_38, %dma_wait3A_39] : memref<10000x64xf32, #tpu.memory_space<hbm>> -> memref<10000x64xf32, #tpu.memory_space<hbm>>
        tpu.wait_indirect_dma semaphore(%arg13 : memref<!tpu.dma_semaphore, #tpu.memory_space<semaphore_mem>>) src(%dma_wait3A_40 : memref<10000x64xf32, #tpu.memory_space<hbm>>) dst(%arg10 : memref<128x64xf32, #tpu.memory_space<vmem>>)
        %add3A_41 = arith.constant 0 : i32
        %add3A_42 = arith.addi %add3A_33, %add3A_41 : i32
        "tpu.region"() ({
          %run_scoped3A = tpu.sem_alloc : memref<!tpu.dma_semaphore, #tpu.memory_space<semaphore_mem>>
          %dma_start3A_70 = arith.constant 0 : i32
          %dma_start3A_71 = tpu.memref_slice %arg9[%add3A_42, %dma_start3A_70] : memref<158x128xi32, #tpu.memory_space<vmem>> -> memref<1x128xi32, #tpu.memory_space<vmem>>
          %dma_start3A_72 = tpu.memref_squeeze %dma_start3A_71 : memref<1x128xi32, #tpu.memory_space<vmem>> -> memref<128xi32, #tpu.memory_space<vmem>>
          %dma_start3A_73 = arith.constant 0 : i32
          %dma_start3A_74 = arith.constant 0 : i32
          %dma_start3A_75 = tpu.memref_slice %arg12[%dma_start3A_73, %dma_start3A_74] : memref<11024x64xf32, #tpu.memory_space<vmem_shared>> -> memref<11024x64xf32, #tpu.memory_space<vmem_shared>>
          tpu.enqueue_indirect_dma source(%arg10 : memref<128x64xf32, #tpu.memory_space<vmem>>) target(%dma_start3A_75 : memref<11024x64xf32, #tpu.memory_space<vmem_shared>>) offsets(%dma_start3A_72 : memref<128xi32, #tpu.memory_space<vmem>>) semaphore(%run_scoped3A : memref<!tpu.dma_semaphore, #tpu.memory_space<semaphore_mem>>) {add = true}
          %dma_wait3A_76 = arith.constant 0 : i32
          %dma_wait3A_77 = tpu.memref_slice %arg9[%add3A_42, %dma_wait3A_76] : memref<158x128xi32, #tpu.memory_space<vmem>> -> memref<1x128xi32, #tpu.memory_space<vmem>>
          %dma_wait3A_78 = tpu.memref_squeeze %dma_wait3A_77 : memref<1x128xi32, #tpu.memory_space<vmem>> -> memref<128xi32, #tpu.memory_space<vmem>>
          %dma_wait3A_79 = arith.constant 0 : i32
          %dma_wait3A_80 = arith.constant 0 : i32
          %dma_wait3A_81 = tpu.memref_slice %arg12[%dma_wait3A_79, %dma_wait3A_80] : memref<11024x64xf32, #tpu.memory_space<vmem_shared>> -> memref<11024x64xf32, #tpu.memory_space<vmem_shared>>
          tpu.wait_indirect_dma semaphore(%run_scoped3A : memref<!tpu.dma_semaphore, #tpu.memory_space<semaphore_mem>>) src(%arg10 : memref<128x64xf32, #tpu.memory_space<vmem>>) dst(%dma_wait3A_81 : memref<11024x64xf32, #tpu.memory_space<vmem_shared>>)
          tpu.yield
        }) : () -> ()
        %add3A_43 = arith.constant 0 : i32
        %add3A_44 = arith.addi %add3A_33, %add3A_43 : i32
        %add3A_45 = arith.constant 2 : i32
        %add3A_46 = arith.addi %add3A_44, %add3A_45 : i32
        %lt3A = arith.constant 158 : i32
        %lt3A_47 = arith.cmpi slt, %add3A_46, %lt3A : i32
        %convert_element_type3A_48 = arith.extui %lt3A_47 : i1 to i32
        %cond3A_49 = arith.constant 0 : i32
        %cond3A_50 = arith.cmpi ne, %convert_element_type3A_48, %cond3A_49 : i32
        scf.if %cond3A_50 {
          %add3A_70 = arith.constant 0 : i32
          %add3A_71 = arith.addi %add3A_33, %add3A_70 : i32
          %add3A_72 = arith.constant 2 : i32
          %add3A_73 = arith.addi %add3A_71, %add3A_72 : i32
          %dma_start3A_74 = arith.constant 0 : i32
          %dma_start3A_75 = tpu.memref_slice %arg8[%add3A_73, %dma_start3A_74] : memref<158x128xi32, #tpu.memory_space<vmem>> -> memref<1x128xi32, #tpu.memory_space<vmem>>
          %dma_start3A_76 = tpu.memref_squeeze %dma_start3A_75 : memref<1x128xi32, #tpu.memory_space<vmem>> -> memref<128xi32, #tpu.memory_space<vmem>>
          %dma_start3A_77 = arith.constant 0 : i32
          %dma_start3A_78 = arith.constant 0 : i32
          %dma_start3A_79 = tpu.memref_slice %arg2[%dma_start3A_77, %dma_start3A_78] : memref<10000x64xf32, #tpu.memory_space<hbm>> -> memref<10000x64xf32, #tpu.memory_space<hbm>>
          tpu.enqueue_indirect_dma source(%dma_start3A_79 : memref<10000x64xf32, #tpu.memory_space<hbm>>) target(%arg10 : memref<128x64xf32, #tpu.memory_space<vmem>>) offsets(%dma_start3A_76 : memref<128xi32, #tpu.memory_space<vmem>>) semaphore(%arg13 : memref<!tpu.dma_semaphore, #tpu.memory_space<semaphore_mem>>)
        } else {
        }
        %add3A_51 = arith.constant 1 : i32
        %add3A_52 = arith.addi %add3A_33, %add3A_51 : i32
        %dma_wait3A_53 = arith.constant 0 : i32
        %dma_wait3A_54 = tpu.memref_slice %arg8[%add3A_52, %dma_wait3A_53] : memref<158x128xi32, #tpu.memory_space<vmem>> -> memref<1x128xi32, #tpu.memory_space<vmem>>
        %dma_wait3A_55 = tpu.memref_squeeze %dma_wait3A_54 : memref<1x128xi32, #tpu.memory_space<vmem>> -> memref<128xi32, #tpu.memory_space<vmem>>
        %dma_wait3A_56 = arith.constant 0 : i32
        %dma_wait3A_57 = arith.constant 0 : i32
        %dma_wait3A_58 = tpu.memref_slice %arg2[%dma_wait3A_56, %dma_wait3A_57] : memref<10000x64xf32, #tpu.memory_space<hbm>> -> memref<10000x64xf32, #tpu.memory_space<hbm>>
        tpu.wait_indirect_dma semaphore(%arg14 : memref<!tpu.dma_semaphore, #tpu.memory_space<semaphore_mem>>) src(%dma_wait3A_58 : memref<10000x64xf32, #tpu.memory_space<hbm>>) dst(%arg11 : memref<128x64xf32, #tpu.memory_space<vmem>>)
        %add3A_59 = arith.constant 1 : i32
        %add3A_60 = arith.addi %add3A_33, %add3A_59 : i32
        "tpu.region"() ({
          %run_scoped3A = tpu.sem_alloc : memref<!tpu.dma_semaphore, #tpu.memory_space<semaphore_mem>>
          %dma_start3A_70 = arith.constant 0 : i32
          %dma_start3A_71 = tpu.memref_slice %arg9[%add3A_60, %dma_start3A_70] : memref<158x128xi32, #tpu.memory_space<vmem>> -> memref<1x128xi32, #tpu.memory_space<vmem>>
          %dma_start3A_72 = tpu.memref_squeeze %dma_start3A_71 : memref<1x128xi32, #tpu.memory_space<vmem>> -> memref<128xi32, #tpu.memory_space<vmem>>
          %dma_start3A_73 = arith.constant 0 : i32
          %dma_start3A_74 = arith.constant 0 : i32
          %dma_start3A_75 = tpu.memref_slice %arg12[%dma_start3A_73, %dma_start3A_74] : memref<11024x64xf32, #tpu.memory_space<vmem_shared>> -> memref<11024x64xf32, #tpu.memory_space<vmem_shared>>
          tpu.enqueue_indirect_dma source(%arg11 : memref<128x64xf32, #tpu.memory_space<vmem>>) target(%dma_start3A_75 : memref<11024x64xf32, #tpu.memory_space<vmem_shared>>) offsets(%dma_start3A_72 : memref<128xi32, #tpu.memory_space<vmem>>) semaphore(%run_scoped3A : memref<!tpu.dma_semaphore, #tpu.memory_space<semaphore_mem>>) {add = true}
          %dma_wait3A_76 = arith.constant 0 : i32
          %dma_wait3A_77 = tpu.memref_slice %arg9[%add3A_60, %dma_wait3A_76] : memref<158x128xi32, #tpu.memory_space<vmem>> -> memref<1x128xi32, #tpu.memory_space<vmem>>
          %dma_wait3A_78 = tpu.memref_squeeze %dma_wait3A_77 : memref<1x128xi32, #tpu.memory_space<vmem>> -> memref<128xi32, #tpu.memory_space<vmem>>
          %dma_wait3A_79 = arith.constant 0 : i32
          %dma_wait3A_80 = arith.constant 0 : i32
          %dma_wait3A_81 = tpu.memref_slice %arg12[%dma_wait3A_79, %dma_wait3A_80] : memref<11024x64xf32, #tpu.memory_space<vmem_shared>> -> memref<11024x64xf32, #tpu.memory_space<vmem_shared>>
          tpu.wait_indirect_dma semaphore(%run_scoped3A : memref<!tpu.dma_semaphore, #tpu.memory_space<semaphore_mem>>) src(%arg11 : memref<128x64xf32, #tpu.memory_space<vmem>>) dst(%dma_wait3A_81 : memref<11024x64xf32, #tpu.memory_space<vmem_shared>>)
          tpu.yield
        }) : () -> ()
        %add3A_61 = arith.constant 1 : i32
        %add3A_62 = arith.addi %add3A_33, %add3A_61 : i32
        %add3A_63 = arith.constant 2 : i32
        %add3A_64 = arith.addi %add3A_62, %add3A_63 : i32
        %lt3A_65 = arith.constant 158 : i32
        %lt3A_66 = arith.cmpi slt, %add3A_64, %lt3A_65 : i32
        %convert_element_type3A_67 = arith.extui %lt3A_66 : i1 to i32
        %cond3A_68 = arith.constant 0 : i32
        %cond3A_69 = arith.cmpi ne, %convert_element_type3A_67, %cond3A_68 : i32
        scf.if %cond3A_69 {
          %add3A_70 = arith.constant 1 : i32
          %add3A_71 = arith.addi %add3A_33, %add3A_70 : i32
          %add3A_72 = arith.constant 2 : i32
          %add3A_73 = arith.addi %add3A_71, %add3A_72 : i32
          %dma_start3A_74 = arith.constant 0 : i32
          %dma_start3A_75 = tpu.memref_slice %arg8[%add3A_73, %dma_start3A_74] : memref<158x128xi32, #tpu.memory_space<vmem>> -> memref<1x128xi32, #tpu.memory_space<vmem>>
          %dma_start3A_76 = tpu.memref_squeeze %dma_start3A_75 : memref<1x128xi32, #tpu.memory_space<vmem>> -> memref<128xi32, #tpu.memory_space<vmem>>
          %dma_start3A_77 = arith.constant 0 : i32
          %dma_start3A_78 = arith.constant 0 : i32
          %dma_start3A_79 = tpu.memref_slice %arg2[%dma_start3A_77, %dma_start3A_78] : memref<10000x64xf32, #tpu.memory_space<hbm>> -> memref<10000x64xf32, #tpu.memory_space<hbm>>
          tpu.enqueue_indirect_dma source(%dma_start3A_79 : memref<10000x64xf32, #tpu.memory_space<hbm>>) target(%arg11 : memref<128x64xf32, #tpu.memory_space<vmem>>) offsets(%dma_start3A_76 : memref<128xi32, #tpu.memory_space<vmem>>) semaphore(%arg14 : memref<!tpu.dma_semaphore, #tpu.memory_space<semaphore_mem>>)
        } else {
        }
      }
      %scan3A_24 = arith.constant 79 : i32
      %barrier3A_25 = arith.constant 0 : index
      tpu.barrier barrier_id(%barrier3A_25)
      %mul3A_26 = arith.constant 625 : i32
      %mul3A_27 = arith.muli %arg1, %mul3A_26 : i32
      %mul3A_28 = arith.constant 625 : i32
      %mul3A_29 = arith.muli %arg1, %mul3A_28 : i32
      "tpu.region"() ({
        %run_scoped3A = tpu.sem_alloc : memref<!tpu.dma_semaphore, #tpu.memory_space<semaphore_mem>>
        %dma_start3A_30 = arith.constant 0 : i32
        %dma_start3A_31 = tpu.memref_slice %arg7[%mul3A_29, %dma_start3A_30] : memref<10000x128xf32, #tpu.memory_space<hbm>> -> memref<625x64xf32, #tpu.memory_space<hbm>>
        %dma_start3A_32 = arith.constant 0 : i32
        %dma_start3A_33 = tpu.memref_slice %arg12[%mul3A_27, %dma_start3A_32] : memref<11024x64xf32, #tpu.memory_space<vmem_shared>> -> memref<625x64xf32, #tpu.memory_space<vmem_shared>>
        tpu.enqueue_dma source(%dma_start3A_33 : memref<625x64xf32, #tpu.memory_space<vmem_shared>>) target(%dma_start3A_31 : memref<625x64xf32, #tpu.memory_space<hbm>>) target_semaphore(%run_scoped3A : memref<!tpu.dma_semaphore, #tpu.memory_space<semaphore_mem>>)
        %dma_wait3A = arith.constant 0 : i32
        %dma_wait3A_34 = tpu.memref_slice %arg7[%mul3A_29, %dma_wait3A] : memref<10000x128xf32, #tpu.memory_space<hbm>> -> memref<625x64xf32, #tpu.memory_space<hbm>>
        %dma_wait3A_35 = arith.constant 0 : i32
        %dma_wait3A_36 = tpu.memref_slice %arg12[%mul3A_27, %dma_wait3A_35] : memref<11024x64xf32, #tpu.memory_space<vmem_shared>> -> memref<625x64xf32, #tpu.memory_space<vmem_shared>>
        tpu.wait_dma2 semaphore(%run_scoped3A : memref<!tpu.dma_semaphore, #tpu.memory_space<semaphore_mem>>) src(%dma_wait3A_36 : memref<625x64xf32, #tpu.memory_space<vmem_shared>>) dst(%dma_wait3A_34 : memref<625x64xf32, #tpu.memory_space<hbm>>)
        tpu.yield
      }) : () -> ()
    } else {
    }
    %eq3A_2 = arith.constant 1 : i32
    %eq3A_3 = arith.cmpi eq, %arg0, %eq3A_2 : i32
    %convert_element_type3A_4 = arith.extui %eq3A_3 : i1 to i32
    %cond3A_5 = arith.constant 0 : i32
    %cond3A_6 = arith.cmpi ne, %convert_element_type3A_4, %cond3A_5 : i32
    scf.if %cond3A_6 {
      "tpu.region"() ({
        %run_scoped3A = tpu.sem_alloc : memref<!tpu.dma_semaphore, #tpu.memory_space<semaphore_mem>>
        %dma_start3A_30 = arith.constant 0 : i32
        %dma_start3A_31 = arith.constant 0 : i32
        %dma_start3A_32 = tpu.memref_slice %arg4[%arg1, %dma_start3A_30, %dma_start3A_31] : memref<16x158x128xi32, #tpu.memory_space<hbm>> -> memref<1x158x128xi32, #tpu.memory_space<hbm>>
        %dma_start3A_33 = tpu.memref_squeeze %dma_start3A_32 : memref<1x158x128xi32, #tpu.memory_space<hbm>> -> memref<158x128xi32, #tpu.memory_space<hbm>>
        %dma_start3A_34 = arith.constant 0 : i32
        %dma_start3A_35 = arith.constant 0 : i32
        %dma_start3A_36 = tpu.memref_slice %arg4[%arg1, %dma_start3A_34, %dma_start3A_35] : memref<16x158x128xi32, #tpu.memory_space<hbm>> -> memref<1x158x128xi32, #tpu.memory_space<hbm>>
        %dma_start3A_37 = tpu.memref_squeeze %dma_start3A_36 : memref<1x158x128xi32, #tpu.memory_space<hbm>> -> memref<158x128xi32, #tpu.memory_space<hbm>>
        tpu.enqueue_dma source(%dma_start3A_37 : memref<158x128xi32, #tpu.memory_space<hbm>>) target(%arg8 : memref<158x128xi32, #tpu.memory_space<vmem>>) target_semaphore(%run_scoped3A : memref<!tpu.dma_semaphore, #tpu.memory_space<semaphore_mem>>)
        %dma_wait3A = arith.constant 0 : i32
        %dma_wait3A_38 = arith.constant 0 : i32
        %dma_wait3A_39 = tpu.memref_slice %arg4[%arg1, %dma_wait3A, %dma_wait3A_38] : memref<16x158x128xi32, #tpu.memory_space<hbm>> -> memref<1x158x128xi32, #tpu.memory_space<hbm>>
        %dma_wait3A_40 = tpu.memref_squeeze %dma_wait3A_39 : memref<1x158x128xi32, #tpu.memory_space<hbm>> -> memref<158x128xi32, #tpu.memory_space<hbm>>
        %dma_wait3A_41 = arith.constant 0 : i32
        %dma_wait3A_42 = arith.constant 0 : i32
        %dma_wait3A_43 = tpu.memref_slice %arg4[%arg1, %dma_wait3A_41, %dma_wait3A_42] : memref<16x158x128xi32, #tpu.memory_space<hbm>> -> memref<1x158x128xi32, #tpu.memory_space<hbm>>
        %dma_wait3A_44 = tpu.memref_squeeze %dma_wait3A_43 : memref<1x158x128xi32, #tpu.memory_space<hbm>> -> memref<158x128xi32, #tpu.memory_space<hbm>>
        tpu.wait_dma2 semaphore(%run_scoped3A : memref<!tpu.dma_semaphore, #tpu.memory_space<semaphore_mem>>) src(%dma_wait3A_44 : memref<158x128xi32, #tpu.memory_space<hbm>>) dst(%arg8 : memref<158x128xi32, #tpu.memory_space<vmem>>)
        tpu.yield
      }) : () -> ()
      "tpu.region"() ({
        %run_scoped3A = tpu.sem_alloc : memref<!tpu.dma_semaphore, #tpu.memory_space<semaphore_mem>>
        %dma_start3A_30 = arith.constant 0 : i32
        %dma_start3A_31 = arith.constant 0 : i32
        %dma_start3A_32 = tpu.memref_slice %arg5[%arg1, %dma_start3A_30, %dma_start3A_31] : memref<16x158x128xi32, #tpu.memory_space<hbm>> -> memref<1x158x128xi32, #tpu.memory_space<hbm>>
        %dma_start3A_33 = tpu.memref_squeeze %dma_start3A_32 : memref<1x158x128xi32, #tpu.memory_space<hbm>> -> memref<158x128xi32, #tpu.memory_space<hbm>>
        %dma_start3A_34 = arith.constant 0 : i32
        %dma_start3A_35 = arith.constant 0 : i32
        %dma_start3A_36 = tpu.memref_slice %arg5[%arg1, %dma_start3A_34, %dma_start3A_35] : memref<16x158x128xi32, #tpu.memory_space<hbm>> -> memref<1x158x128xi32, #tpu.memory_space<hbm>>
        %dma_start3A_37 = tpu.memref_squeeze %dma_start3A_36 : memref<1x158x128xi32, #tpu.memory_space<hbm>> -> memref<158x128xi32, #tpu.memory_space<hbm>>
        tpu.enqueue_dma source(%dma_start3A_37 : memref<158x128xi32, #tpu.memory_space<hbm>>) target(%arg9 : memref<158x128xi32, #tpu.memory_space<vmem>>) target_semaphore(%run_scoped3A : memref<!tpu.dma_semaphore, #tpu.memory_space<semaphore_mem>>)
        %dma_wait3A = arith.constant 0 : i32
        %dma_wait3A_38 = arith.constant 0 : i32
        %dma_wait3A_39 = tpu.memref_slice %arg5[%arg1, %dma_wait3A, %dma_wait3A_38] : memref<16x158x128xi32, #tpu.memory_space<hbm>> -> memref<1x158x128xi32, #tpu.memory_space<hbm>>
        %dma_wait3A_40 = tpu.memref_squeeze %dma_wait3A_39 : memref<1x158x128xi32, #tpu.memory_space<hbm>> -> memref<158x128xi32, #tpu.memory_space<hbm>>
        %dma_wait3A_41 = arith.constant 0 : i32
        %dma_wait3A_42 = arith.constant 0 : i32
        %dma_wait3A_43 = tpu.memref_slice %arg5[%arg1, %dma_wait3A_41, %dma_wait3A_42] : memref<16x158x128xi32, #tpu.memory_space<hbm>> -> memref<1x158x128xi32, #tpu.memory_space<hbm>>
        %dma_wait3A_44 = tpu.memref_squeeze %dma_wait3A_43 : memref<1x158x128xi32, #tpu.memory_space<hbm>> -> memref<158x128xi32, #tpu.memory_space<hbm>>
        tpu.wait_dma2 semaphore(%run_scoped3A : memref<!tpu.dma_semaphore, #tpu.memory_space<semaphore_mem>>) src(%dma_wait3A_44 : memref<158x128xi32, #tpu.memory_space<hbm>>) dst(%arg9 : memref<158x128xi32, #tpu.memory_space<vmem>>)
        tpu.yield
      }) : () -> ()
      %mul3A = arith.constant 625 : i32
      %mul3A_7 = arith.muli %arg1, %mul3A : i32
      "tpu.region"() ({
        %run_scoped3A = tpu.sem_alloc : memref<!tpu.dma_semaphore, #tpu.memory_space<semaphore_mem>>
        %dma_start3A_30 = arith.constant 0 : i32
        %dma_start3A_31 = tpu.memref_slice %arg12[%mul3A_7, %dma_start3A_30] : memref<11024x64xf32, #tpu.memory_space<vmem_shared>> -> memref<625x64xf32, #tpu.memory_space<vmem_shared>>
        tpu.enqueue_dma source(%arg6 : memref<625x64xf32, #tpu.memory_space<hbm>>) target(%dma_start3A_31 : memref<625x64xf32, #tpu.memory_space<vmem_shared>>) target_semaphore(%run_scoped3A : memref<!tpu.dma_semaphore, #tpu.memory_space<semaphore_mem>>)
        %dma_wait3A = arith.constant 0 : i32
        %dma_wait3A_32 = tpu.memref_slice %arg12[%mul3A_7, %dma_wait3A] : memref<11024x64xf32, #tpu.memory_space<vmem_shared>> -> memref<625x64xf32, #tpu.memory_space<vmem_shared>>
        tpu.wait_dma2 semaphore(%run_scoped3A : memref<!tpu.dma_semaphore, #tpu.memory_space<semaphore_mem>>) src(%arg6 : memref<625x64xf32, #tpu.memory_space<hbm>>) dst(%dma_wait3A_32 : memref<625x64xf32, #tpu.memory_space<vmem_shared>>)
        tpu.yield
      }) : () -> ()
      %barrier3A = arith.constant 0 : index
      tpu.barrier barrier_id(%barrier3A)
      %dma_start3A = arith.constant 0 : i32
      %dma_start3A_8 = arith.constant 0 : i32
      %dma_start3A_9 = tpu.memref_slice %arg8[%dma_start3A, %dma_start3A_8] : memref<158x128xi32, #tpu.memory_space<vmem>> -> memref<1x128xi32, #tpu.memory_space<vmem>>
      %dma_start3A_10 = tpu.memref_squeeze %dma_start3A_9 : memref<1x128xi32, #tpu.memory_space<vmem>> -> memref<128xi32, #tpu.memory_space<vmem>>
      %dma_start3A_11 = arith.constant 0 : i32
      %dma_start3A_12 = arith.constant 0 : i32
      %dma_start3A_13 = tpu.memref_slice %arg3[%dma_start3A_11, %dma_start3A_12] : memref<10000x64xf32, #tpu.memory_space<hbm>> -> memref<10000x64xf32, #tpu.memory_space<hbm>>
      tpu.enqueue_indirect_dma source(%dma_start3A_13 : memref<10000x64xf32, #tpu.memory_space<hbm>>) target(%arg10 : memref<128x64xf32, #tpu.memory_space<vmem>>) offsets(%dma_start3A_10 : memref<128xi32, #tpu.memory_space<vmem>>) semaphore(%arg13 : memref<!tpu.dma_semaphore, #tpu.memory_space<semaphore_mem>>)
      %dma_start3A_14 = arith.constant 1 : i32
      %dma_start3A_15 = arith.constant 0 : i32
      %dma_start3A_16 = tpu.memref_slice %arg8[%dma_start3A_14, %dma_start3A_15] : memref<158x128xi32, #tpu.memory_space<vmem>> -> memref<1x128xi32, #tpu.memory_space<vmem>>
      %dma_start3A_17 = tpu.memref_squeeze %dma_start3A_16 : memref<1x128xi32, #tpu.memory_space<vmem>> -> memref<128xi32, #tpu.memory_space<vmem>>
      %dma_start3A_18 = arith.constant 0 : i32
      %dma_start3A_19 = arith.constant 0 : i32
      %dma_start3A_20 = tpu.memref_slice %arg3[%dma_start3A_18, %dma_start3A_19] : memref<10000x64xf32, #tpu.memory_space<hbm>> -> memref<10000x64xf32, #tpu.memory_space<hbm>>
      tpu.enqueue_indirect_dma source(%dma_start3A_20 : memref<10000x64xf32, #tpu.memory_space<hbm>>) target(%arg11 : memref<128x64xf32, #tpu.memory_space<vmem>>) offsets(%dma_start3A_17 : memref<128xi32, #tpu.memory_space<vmem>>) semaphore(%arg14 : memref<!tpu.dma_semaphore, #tpu.memory_space<semaphore_mem>>)
      %scan3A = arith.constant 0 : i32
      %scan3A_21 = arith.constant 79 : i32
      %scan3A_22 = arith.addi %scan3A, %scan3A_21 : i32
      %scan3A_23 = arith.constant 1 : i32
      scf.for %scan3A_30 = %scan3A to %scan3A_22 step %scan3A_23  : i32 {
        %mul3A_31 = arith.constant 2 : i32
        %mul3A_32 = arith.muli %scan3A_30, %mul3A_31 : i32
        %add3A = arith.constant 0 : i32
        %add3A_33 = arith.addi %add3A, %mul3A_32 : i32
        %add3A_34 = arith.constant 0 : i32
        %add3A_35 = arith.addi %add3A_33, %add3A_34 : i32
        %dma_wait3A = arith.constant 0 : i32
        %dma_wait3A_36 = tpu.memref_slice %arg8[%add3A_35, %dma_wait3A] : memref<158x128xi32, #tpu.memory_space<vmem>> -> memref<1x128xi32, #tpu.memory_space<vmem>>
        %dma_wait3A_37 = tpu.memref_squeeze %dma_wait3A_36 : memref<1x128xi32, #tpu.memory_space<vmem>> -> memref<128xi32, #tpu.memory_space<vmem>>
        %dma_wait3A_38 = arith.constant 0 : i32
        %dma_wait3A_39 = arith.constant 0 : i32
        %dma_wait3A_40 = tpu.memref_slice %arg3[%dma_wait3A_38, %dma_wait3A_39] : memref<10000x64xf32, #tpu.memory_space<hbm>> -> memref<10000x64xf32, #tpu.memory_space<hbm>>
        tpu.wait_indirect_dma semaphore(%arg13 : memref<!tpu.dma_semaphore, #tpu.memory_space<semaphore_mem>>) src(%dma_wait3A_40 : memref<10000x64xf32, #tpu.memory_space<hbm>>) dst(%arg10 : memref<128x64xf32, #tpu.memory_space<vmem>>)
        %add3A_41 = arith.constant 0 : i32
        %add3A_42 = arith.addi %add3A_33, %add3A_41 : i32
        "tpu.region"() ({
          %run_scoped3A = tpu.sem_alloc : memref<!tpu.dma_semaphore, #tpu.memory_space<semaphore_mem>>
          %dma_start3A_70 = arith.constant 0 : i32
          %dma_start3A_71 = tpu.memref_slice %arg9[%add3A_42, %dma_start3A_70] : memref<158x128xi32, #tpu.memory_space<vmem>> -> memref<1x128xi32, #tpu.memory_space<vmem>>
          %dma_start3A_72 = tpu.memref_squeeze %dma_start3A_71 : memref<1x128xi32, #tpu.memory_space<vmem>> -> memref<128xi32, #tpu.memory_space<vmem>>
          %dma_start3A_73 = arith.constant 0 : i32
          %dma_start3A_74 = arith.constant 0 : i32
          %dma_start3A_75 = tpu.memref_slice %arg12[%dma_start3A_73, %dma_start3A_74] : memref<11024x64xf32, #tpu.memory_space<vmem_shared>> -> memref<11024x64xf32, #tpu.memory_space<vmem_shared>>
          tpu.enqueue_indirect_dma source(%arg10 : memref<128x64xf32, #tpu.memory_space<vmem>>) target(%dma_start3A_75 : memref<11024x64xf32, #tpu.memory_space<vmem_shared>>) offsets(%dma_start3A_72 : memref<128xi32, #tpu.memory_space<vmem>>) semaphore(%run_scoped3A : memref<!tpu.dma_semaphore, #tpu.memory_space<semaphore_mem>>) {add = true}
          %dma_wait3A_76 = arith.constant 0 : i32
          %dma_wait3A_77 = tpu.memref_slice %arg9[%add3A_42, %dma_wait3A_76] : memref<158x128xi32, #tpu.memory_space<vmem>> -> memref<1x128xi32, #tpu.memory_space<vmem>>
          %dma_wait3A_78 = tpu.memref_squeeze %dma_wait3A_77 : memref<1x128xi32, #tpu.memory_space<vmem>> -> memref<128xi32, #tpu.memory_space<vmem>>
          %dma_wait3A_79 = arith.constant 0 : i32
          %dma_wait3A_80 = arith.constant 0 : i32
          %dma_wait3A_81 = tpu.memref_slice %arg12[%dma_wait3A_79, %dma_wait3A_80] : memref<11024x64xf32, #tpu.memory_space<vmem_shared>> -> memref<11024x64xf32, #tpu.memory_space<vmem_shared>>
          tpu.wait_indirect_dma semaphore(%run_scoped3A : memref<!tpu.dma_semaphore, #tpu.memory_space<semaphore_mem>>) src(%arg10 : memref<128x64xf32, #tpu.memory_space<vmem>>) dst(%dma_wait3A_81 : memref<11024x64xf32, #tpu.memory_space<vmem_shared>>)
          tpu.yield
        }) : () -> ()
        %add3A_43 = arith.constant 0 : i32
        %add3A_44 = arith.addi %add3A_33, %add3A_43 : i32
        %add3A_45 = arith.constant 2 : i32
        %add3A_46 = arith.addi %add3A_44, %add3A_45 : i32
        %lt3A = arith.constant 158 : i32
        %lt3A_47 = arith.cmpi slt, %add3A_46, %lt3A : i32
        %convert_element_type3A_48 = arith.extui %lt3A_47 : i1 to i32
        %cond3A_49 = arith.constant 0 : i32
        %cond3A_50 = arith.cmpi ne, %convert_element_type3A_48, %cond3A_49 : i32
        scf.if %cond3A_50 {
          %add3A_70 = arith.constant 0 : i32
          %add3A_71 = arith.addi %add3A_33, %add3A_70 : i32
          %add3A_72 = arith.constant 2 : i32
          %add3A_73 = arith.addi %add3A_71, %add3A_72 : i32
          %dma_start3A_74 = arith.constant 0 : i32
          %dma_start3A_75 = tpu.memref_slice %arg8[%add3A_73, %dma_start3A_74] : memref<158x128xi32, #tpu.memory_space<vmem>> -> memref<1x128xi32, #tpu.memory_space<vmem>>
          %dma_start3A_76 = tpu.memref_squeeze %dma_start3A_75 : memref<1x128xi32, #tpu.memory_space<vmem>> -> memref<128xi32, #tpu.memory_space<vmem>>
          %dma_start3A_77 = arith.constant 0 : i32
          %dma_start3A_78 = arith.constant 0 : i32
          %dma_start3A_79 = tpu.memref_slice %arg3[%dma_start3A_77, %dma_start3A_78] : memref<10000x64xf32, #tpu.memory_space<hbm>> -> memref<10000x64xf32, #tpu.memory_space<hbm>>
          tpu.enqueue_indirect_dma source(%dma_start3A_79 : memref<10000x64xf32, #tpu.memory_space<hbm>>) target(%arg10 : memref<128x64xf32, #tpu.memory_space<vmem>>) offsets(%dma_start3A_76 : memref<128xi32, #tpu.memory_space<vmem>>) semaphore(%arg13 : memref<!tpu.dma_semaphore, #tpu.memory_space<semaphore_mem>>)
        } else {
        }
        %add3A_51 = arith.constant 1 : i32
        %add3A_52 = arith.addi %add3A_33, %add3A_51 : i32
        %dma_wait3A_53 = arith.constant 0 : i32
        %dma_wait3A_54 = tpu.memref_slice %arg8[%add3A_52, %dma_wait3A_53] : memref<158x128xi32, #tpu.memory_space<vmem>> -> memref<1x128xi32, #tpu.memory_space<vmem>>
        %dma_wait3A_55 = tpu.memref_squeeze %dma_wait3A_54 : memref<1x128xi32, #tpu.memory_space<vmem>> -> memref<128xi32, #tpu.memory_space<vmem>>
        %dma_wait3A_56 = arith.constant 0 : i32
        %dma_wait3A_57 = arith.constant 0 : i32
        %dma_wait3A_58 = tpu.memref_slice %arg3[%dma_wait3A_56, %dma_wait3A_57] : memref<10000x64xf32, #tpu.memory_space<hbm>> -> memref<10000x64xf32, #tpu.memory_space<hbm>>
        tpu.wait_indirect_dma semaphore(%arg14 : memref<!tpu.dma_semaphore, #tpu.memory_space<semaphore_mem>>) src(%dma_wait3A_58 : memref<10000x64xf32, #tpu.memory_space<hbm>>) dst(%arg11 : memref<128x64xf32, #tpu.memory_space<vmem>>)
        %add3A_59 = arith.constant 1 : i32
        %add3A_60 = arith.addi %add3A_33, %add3A_59 : i32
        "tpu.region"() ({
          %run_scoped3A = tpu.sem_alloc : memref<!tpu.dma_semaphore, #tpu.memory_space<semaphore_mem>>
          %dma_start3A_70 = arith.constant 0 : i32
          %dma_start3A_71 = tpu.memref_slice %arg9[%add3A_60, %dma_start3A_70] : memref<158x128xi32, #tpu.memory_space<vmem>> -> memref<1x128xi32, #tpu.memory_space<vmem>>
          %dma_start3A_72 = tpu.memref_squeeze %dma_start3A_71 : memref<1x128xi32, #tpu.memory_space<vmem>> -> memref<128xi32, #tpu.memory_space<vmem>>
          %dma_start3A_73 = arith.constant 0 : i32
          %dma_start3A_74 = arith.constant 0 : i32
          %dma_start3A_75 = tpu.memref_slice %arg12[%dma_start3A_73, %dma_start3A_74] : memref<11024x64xf32, #tpu.memory_space<vmem_shared>> -> memref<11024x64xf32, #tpu.memory_space<vmem_shared>>
          tpu.enqueue_indirect_dma source(%arg11 : memref<128x64xf32, #tpu.memory_space<vmem>>) target(%dma_start3A_75 : memref<11024x64xf32, #tpu.memory_space<vmem_shared>>) offsets(%dma_start3A_72 : memref<128xi32, #tpu.memory_space<vmem>>) semaphore(%run_scoped3A : memref<!tpu.dma_semaphore, #tpu.memory_space<semaphore_mem>>) {add = true}
          %dma_wait3A_76 = arith.constant 0 : i32
          %dma_wait3A_77 = tpu.memref_slice %arg9[%add3A_60, %dma_wait3A_76] : memref<158x128xi32, #tpu.memory_space<vmem>> -> memref<1x128xi32, #tpu.memory_space<vmem>>
          %dma_wait3A_78 = tpu.memref_squeeze %dma_wait3A_77 : memref<1x128xi32, #tpu.memory_space<vmem>> -> memref<128xi32, #tpu.memory_space<vmem>>
          %dma_wait3A_79 = arith.constant 0 : i32
          %dma_wait3A_80 = arith.constant 0 : i32
          %dma_wait3A_81 = tpu.memref_slice %arg12[%dma_wait3A_79, %dma_wait3A_80] : memref<11024x64xf32, #tpu.memory_space<vmem_shared>> -> memref<11024x64xf32, #tpu.memory_space<vmem_shared>>
          tpu.wait_indirect_dma semaphore(%run_scoped3A : memref<!tpu.dma_semaphore, #tpu.memory_space<semaphore_mem>>) src(%arg11 : memref<128x64xf32, #tpu.memory_space<vmem>>) dst(%dma_wait3A_81 : memref<11024x64xf32, #tpu.memory_space<vmem_shared>>)
          tpu.yield
        }) : () -> ()
        %add3A_61 = arith.constant 1 : i32
        %add3A_62 = arith.addi %add3A_33, %add3A_61 : i32
        %add3A_63 = arith.constant 2 : i32
        %add3A_64 = arith.addi %add3A_62, %add3A_63 : i32
        %lt3A_65 = arith.constant 158 : i32
        %lt3A_66 = arith.cmpi slt, %add3A_64, %lt3A_65 : i32
        %convert_element_type3A_67 = arith.extui %lt3A_66 : i1 to i32
        %cond3A_68 = arith.constant 0 : i32
        %cond3A_69 = arith.cmpi ne, %convert_element_type3A_67, %cond3A_68 : i32
        scf.if %cond3A_69 {
          %add3A_70 = arith.constant 1 : i32
          %add3A_71 = arith.addi %add3A_33, %add3A_70 : i32
          %add3A_72 = arith.constant 2 : i32
          %add3A_73 = arith.addi %add3A_71, %add3A_72 : i32
          %dma_start3A_74 = arith.constant 0 : i32
          %dma_start3A_75 = tpu.memref_slice %arg8[%add3A_73, %dma_start3A_74] : memref<158x128xi32, #tpu.memory_space<vmem>> -> memref<1x128xi32, #tpu.memory_space<vmem>>
          %dma_start3A_76 = tpu.memref_squeeze %dma_start3A_75 : memref<1x128xi32, #tpu.memory_space<vmem>> -> memref<128xi32, #tpu.memory_space<vmem>>
          %dma_start3A_77 = arith.constant 0 : i32
          %dma_start3A_78 = arith.constant 0 : i32
          %dma_start3A_79 = tpu.memref_slice %arg3[%dma_start3A_77, %dma_start3A_78] : memref<10000x64xf32, #tpu.memory_space<hbm>> -> memref<10000x64xf32, #tpu.memory_space<hbm>>
          tpu.enqueue_indirect_dma source(%dma_start3A_79 : memref<10000x64xf32, #tpu.memory_space<hbm>>) target(%arg11 : memref<128x64xf32, #tpu.memory_space<vmem>>) offsets(%dma_start3A_76 : memref<128xi32, #tpu.memory_space<vmem>>) semaphore(%arg14 : memref<!tpu.dma_semaphore, #tpu.memory_space<semaphore_mem>>)
        } else {
        }
      }
      %scan3A_24 = arith.constant 79 : i32
      %barrier3A_25 = arith.constant 0 : index
      tpu.barrier barrier_id(%barrier3A_25)
      %mul3A_26 = arith.constant 625 : i32
      %mul3A_27 = arith.muli %arg1, %mul3A_26 : i32
      %mul3A_28 = arith.constant 625 : i32
      %mul3A_29 = arith.muli %arg1, %mul3A_28 : i32
      "tpu.region"() ({
        %run_scoped3A = tpu.sem_alloc : memref<!tpu.dma_semaphore, #tpu.memory_space<semaphore_mem>>
        %dma_start3A_30 = arith.constant 64 : i32
        %dma_start3A_31 = tpu.memref_slice %arg7[%mul3A_29, %dma_start3A_30] : memref<10000x128xf32, #tpu.memory_space<hbm>> -> memref<625x64xf32, #tpu.memory_space<hbm>>
        %dma_start3A_32 = arith.constant 0 : i32
        %dma_start3A_33 = tpu.memref_slice %arg12[%mul3A_27, %dma_start3A_32] : memref<11024x64xf32, #tpu.memory_space<vmem_shared>> -> memref<625x64xf32, #tpu.memory_space<vmem_shared>>
        tpu.enqueue_dma source(%dma_start3A_33 : memref<625x64xf32, #tpu.memory_space<vmem_shared>>) target(%dma_start3A_31 : memref<625x64xf32, #tpu.memory_space<hbm>>) target_semaphore(%run_scoped3A : memref<!tpu.dma_semaphore, #tpu.memory_space<semaphore_mem>>)
        %dma_wait3A = arith.constant 64 : i32
        %dma_wait3A_34 = tpu.memref_slice %arg7[%mul3A_29, %dma_wait3A] : memref<10000x128xf32, #tpu.memory_space<hbm>> -> memref<625x64xf32, #tpu.memory_space<hbm>>
        %dma_wait3A_35 = arith.constant 0 : i32
        %dma_wait3A_36 = tpu.memref_slice %arg12[%mul3A_27, %dma_wait3A_35] : memref<11024x64xf32, #tpu.memory_space<vmem_shared>> -> memref<625x64xf32, #tpu.memory_space<vmem_shared>>
        tpu.wait_dma2 semaphore(%run_scoped3A : memref<!tpu.dma_semaphore, #tpu.memory_space<semaphore_mem>>) src(%dma_wait3A_36 : memref<625x64xf32, #tpu.memory_space<vmem_shared>>) dst(%dma_wait3A_34 : memref<625x64xf32, #tpu.memory_space<hbm>>)
        tpu.yield
      }) : () -> ()
    } else {
    }
    return
  }
}

#map = affine_map<(d0, d1) -> (0, 0)>
#map1 = affine_map<(d0, d1) -> (0, 0, 0)>
module attributes {stable_mosaic.version = 14 : i64} {
  func.func @body(%arg0: i32, %arg1: i32, %arg2: memref<10000x64xf32, #tpu.memory_space<hbm>>, %arg3: memref<10000x64xf32, #tpu.memory_space<hbm>>, %arg4: memref<16x158x128xi32, #tpu.memory_space<hbm>>, %arg5: memref<16x158x128xi32, #tpu.memory_space<hbm>>, %arg6: memref<625x64xf32, #tpu.memory_space<hbm>>, %arg7: memref<128x16xf32, #tpu.memory_space<hbm>>, %arg8: memref<625x16xf32, #tpu.memory_space<hbm>>, %arg9: memref<10000x128xf32, #tpu.memory_space<hbm>>, %arg10: memref<2x10000x16xf32, #tpu.memory_space<hbm>>, %arg11: memref<158x128xi32, #tpu.memory_space<vmem>>, %arg12: memref<158x128xi32, #tpu.memory_space<vmem>>, %arg13: memref<128x64xf32, #tpu.memory_space<vmem>>, %arg14: memref<128x64xf32, #tpu.memory_space<vmem>>, %arg15: memref<11024x64xf32, #tpu.memory_space<vmem_shared>>, %arg16: memref<!tpu.dma_semaphore, #tpu.memory_space<semaphore_mem>>, %arg17: memref<!tpu.dma_semaphore, #tpu.memory_space<semaphore_mem>>, %arg18: memref<!tpu.dma_semaphore, #tpu.memory_space<semaphore_mem>>, %arg19: memref<!tpu.dma_semaphore, #tpu.memory_space<semaphore_mem>>, %arg20: memref<128x16xf32, #tpu.memory_space<vmem>>, %arg21: memref<11024x16xf32, #tpu.memory_space<vmem_shared>>) attributes {dimension_semantics = [#tpu.dimension_semantics<core_parallel>, #tpu.dimension_semantics<subcore_parallel>], iteration_bounds = array<i64: 2, 16>, scalar_prefetch = 0 : i64, scratch_operands = 11 : i64, tpu.core_type = #tpu.core_type<sc_vector_subcore>, window_params = [{transform_indices = #map}, {transform_indices = #map}, {transform_indices = #map1}, {transform_indices = #map1}, {transform_indices = #map}, {transform_indices = #map}, {transform_indices = #map}, {transform_indices = #map}, {transform_indices = #map1}]} {
    %eq3A = arith.constant 0 : i32
    %eq3A_0 = arith.cmpi eq, %arg0, %eq3A : i32
    %convert_element_type3A = arith.extui %eq3A_0 : i1 to i32
    %cond3A = arith.constant 0 : i32
    %cond3A_1 = arith.cmpi ne, %convert_element_type3A, %cond3A : i32
    scf.if %cond3A_1 {
      "tpu.region"() ({
        %run_scoped3A_36 = tpu.sem_alloc : memref<!tpu.dma_semaphore, #tpu.memory_space<semaphore_mem>>
        %dma_start3A_37 = arith.constant 0 : i32
        %dma_start3A_38 = arith.constant 0 : i32
        %dma_start3A_39 = tpu.memref_slice %arg4[%arg1, %dma_start3A_37, %dma_start3A_38] : memref<16x158x128xi32, #tpu.memory_space<hbm>> -> memref<1x158x128xi32, #tpu.memory_space<hbm>>
        %dma_start3A_40 = tpu.memref_squeeze %dma_start3A_39 : memref<1x158x128xi32, #tpu.memory_space<hbm>> -> memref<158x128xi32, #tpu.memory_space<hbm>>
        %dma_start3A_41 = arith.constant 0 : i32
        %dma_start3A_42 = arith.constant 0 : i32
        %dma_start3A_43 = tpu.memref_slice %arg4[%arg1, %dma_start3A_41, %dma_start3A_42] : memref<16x158x128xi32, #tpu.memory_space<hbm>> -> memref<1x158x128xi32, #tpu.memory_space<hbm>>
        %dma_start3A_44 = tpu.memref_squeeze %dma_start3A_43 : memref<1x158x128xi32, #tpu.memory_space<hbm>> -> memref<158x128xi32, #tpu.memory_space<hbm>>
        tpu.enqueue_dma source(%dma_start3A_44 : memref<158x128xi32, #tpu.memory_space<hbm>>) target(%arg11 : memref<158x128xi32, #tpu.memory_space<vmem>>) target_semaphore(%run_scoped3A_36 : memref<!tpu.dma_semaphore, #tpu.memory_space<semaphore_mem>>)
        %dma_wait3A = arith.constant 0 : i32
        %dma_wait3A_45 = arith.constant 0 : i32
        %dma_wait3A_46 = tpu.memref_slice %arg4[%arg1, %dma_wait3A, %dma_wait3A_45] : memref<16x158x128xi32, #tpu.memory_space<hbm>> -> memref<1x158x128xi32, #tpu.memory_space<hbm>>
        %dma_wait3A_47 = tpu.memref_squeeze %dma_wait3A_46 : memref<1x158x128xi32, #tpu.memory_space<hbm>> -> memref<158x128xi32, #tpu.memory_space<hbm>>
        %dma_wait3A_48 = arith.constant 0 : i32
        %dma_wait3A_49 = arith.constant 0 : i32
        %dma_wait3A_50 = tpu.memref_slice %arg4[%arg1, %dma_wait3A_48, %dma_wait3A_49] : memref<16x158x128xi32, #tpu.memory_space<hbm>> -> memref<1x158x128xi32, #tpu.memory_space<hbm>>
        %dma_wait3A_51 = tpu.memref_squeeze %dma_wait3A_50 : memref<1x158x128xi32, #tpu.memory_space<hbm>> -> memref<158x128xi32, #tpu.memory_space<hbm>>
        tpu.wait_dma2 semaphore(%run_scoped3A_36 : memref<!tpu.dma_semaphore, #tpu.memory_space<semaphore_mem>>) src(%dma_wait3A_51 : memref<158x128xi32, #tpu.memory_space<hbm>>) dst(%arg11 : memref<158x128xi32, #tpu.memory_space<vmem>>)
        tpu.yield
      }) : () -> ()
      "tpu.region"() ({
        %run_scoped3A_36 = tpu.sem_alloc : memref<!tpu.dma_semaphore, #tpu.memory_space<semaphore_mem>>
        %dma_start3A_37 = arith.constant 0 : i32
        %dma_start3A_38 = arith.constant 0 : i32
        %dma_start3A_39 = tpu.memref_slice %arg5[%arg1, %dma_start3A_37, %dma_start3A_38] : memref<16x158x128xi32, #tpu.memory_space<hbm>> -> memref<1x158x128xi32, #tpu.memory_space<hbm>>
        %dma_start3A_40 = tpu.memref_squeeze %dma_start3A_39 : memref<1x158x128xi32, #tpu.memory_space<hbm>> -> memref<158x128xi32, #tpu.memory_space<hbm>>
        %dma_start3A_41 = arith.constant 0 : i32
        %dma_start3A_42 = arith.constant 0 : i32
        %dma_start3A_43 = tpu.memref_slice %arg5[%arg1, %dma_start3A_41, %dma_start3A_42] : memref<16x158x128xi32, #tpu.memory_space<hbm>> -> memref<1x158x128xi32, #tpu.memory_space<hbm>>
        %dma_start3A_44 = tpu.memref_squeeze %dma_start3A_43 : memref<1x158x128xi32, #tpu.memory_space<hbm>> -> memref<158x128xi32, #tpu.memory_space<hbm>>
        tpu.enqueue_dma source(%dma_start3A_44 : memref<158x128xi32, #tpu.memory_space<hbm>>) target(%arg12 : memref<158x128xi32, #tpu.memory_space<vmem>>) target_semaphore(%run_scoped3A_36 : memref<!tpu.dma_semaphore, #tpu.memory_space<semaphore_mem>>)
        %dma_wait3A = arith.constant 0 : i32
        %dma_wait3A_45 = arith.constant 0 : i32
        %dma_wait3A_46 = tpu.memref_slice %arg5[%arg1, %dma_wait3A, %dma_wait3A_45] : memref<16x158x128xi32, #tpu.memory_space<hbm>> -> memref<1x158x128xi32, #tpu.memory_space<hbm>>
        %dma_wait3A_47 = tpu.memref_squeeze %dma_wait3A_46 : memref<1x158x128xi32, #tpu.memory_space<hbm>> -> memref<158x128xi32, #tpu.memory_space<hbm>>
        %dma_wait3A_48 = arith.constant 0 : i32
        %dma_wait3A_49 = arith.constant 0 : i32
        %dma_wait3A_50 = tpu.memref_slice %arg5[%arg1, %dma_wait3A_48, %dma_wait3A_49] : memref<16x158x128xi32, #tpu.memory_space<hbm>> -> memref<1x158x128xi32, #tpu.memory_space<hbm>>
        %dma_wait3A_51 = tpu.memref_squeeze %dma_wait3A_50 : memref<1x158x128xi32, #tpu.memory_space<hbm>> -> memref<158x128xi32, #tpu.memory_space<hbm>>
        tpu.wait_dma2 semaphore(%run_scoped3A_36 : memref<!tpu.dma_semaphore, #tpu.memory_space<semaphore_mem>>) src(%dma_wait3A_51 : memref<158x128xi32, #tpu.memory_space<hbm>>) dst(%arg12 : memref<158x128xi32, #tpu.memory_space<vmem>>)
        tpu.yield
      }) : () -> ()
      %mul3A = arith.constant 625 : i32
      %mul3A_7 = arith.muli %arg1, %mul3A : i32
      "tpu.region"() ({
        %run_scoped3A_36 = tpu.sem_alloc : memref<!tpu.dma_semaphore, #tpu.memory_space<semaphore_mem>>
        %dma_start3A_37 = arith.constant 0 : i32
        %dma_start3A_38 = tpu.memref_slice %arg15[%mul3A_7, %dma_start3A_37] : memref<11024x64xf32, #tpu.memory_space<vmem_shared>> -> memref<625x64xf32, #tpu.memory_space<vmem_shared>>
        tpu.enqueue_dma source(%arg6 : memref<625x64xf32, #tpu.memory_space<hbm>>) target(%dma_start3A_38 : memref<625x64xf32, #tpu.memory_space<vmem_shared>>) target_semaphore(%run_scoped3A_36 : memref<!tpu.dma_semaphore, #tpu.memory_space<semaphore_mem>>)
        %dma_wait3A = arith.constant 0 : i32
        %dma_wait3A_39 = tpu.memref_slice %arg15[%mul3A_7, %dma_wait3A] : memref<11024x64xf32, #tpu.memory_space<vmem_shared>> -> memref<625x64xf32, #tpu.memory_space<vmem_shared>>
        tpu.wait_dma2 semaphore(%run_scoped3A_36 : memref<!tpu.dma_semaphore, #tpu.memory_space<semaphore_mem>>) src(%arg6 : memref<625x64xf32, #tpu.memory_space<hbm>>) dst(%dma_wait3A_39 : memref<625x64xf32, #tpu.memory_space<vmem_shared>>)
        tpu.yield
      }) : () -> ()
      %mul3A_8 = arith.constant 625 : i32
      %mul3A_9 = arith.muli %arg1, %mul3A_8 : i32
      "tpu.region"() ({
        %run_scoped3A_36 = tpu.sem_alloc : memref<!tpu.dma_semaphore, #tpu.memory_space<semaphore_mem>>
        %dma_start3A_37 = arith.constant 0 : i32
        %dma_start3A_38 = tpu.memref_slice %arg21[%mul3A_9, %dma_start3A_37] : memref<11024x16xf32, #tpu.memory_space<vmem_shared>> -> memref<625x16xf32, #tpu.memory_space<vmem_shared>>
        tpu.enqueue_dma source(%arg8 : memref<625x16xf32, #tpu.memory_space<hbm>>) target(%dma_start3A_38 : memref<625x16xf32, #tpu.memory_space<vmem_shared>>) target_semaphore(%run_scoped3A_36 : memref<!tpu.dma_semaphore, #tpu.memory_space<semaphore_mem>>)
        %dma_wait3A = arith.constant 0 : i32
        %dma_wait3A_39 = tpu.memref_slice %arg21[%mul3A_9, %dma_wait3A] : memref<11024x16xf32, #tpu.memory_space<vmem_shared>> -> memref<625x16xf32, #tpu.memory_space<vmem_shared>>
        tpu.wait_dma2 semaphore(%run_scoped3A_36 : memref<!tpu.dma_semaphore, #tpu.memory_space<semaphore_mem>>) src(%arg8 : memref<625x16xf32, #tpu.memory_space<hbm>>) dst(%dma_wait3A_39 : memref<625x16xf32, #tpu.memory_space<vmem_shared>>)
        tpu.yield
      }) : () -> ()
      "tpu.region"() ({
        %run_scoped3A_36 = tpu.sem_alloc : memref<!tpu.dma_semaphore, #tpu.memory_space<semaphore_mem>>
        tpu.enqueue_dma source(%arg7 : memref<128x16xf32, #tpu.memory_space<hbm>>) target(%arg20 : memref<128x16xf32, #tpu.memory_space<vmem>>) target_semaphore(%run_scoped3A_36 : memref<!tpu.dma_semaphore, #tpu.memory_space<semaphore_mem>>)
        tpu.wait_dma2 semaphore(%run_scoped3A_36 : memref<!tpu.dma_semaphore, #tpu.memory_space<semaphore_mem>>) src(%arg7 : memref<128x16xf32, #tpu.memory_space<hbm>>) dst(%arg20 : memref<128x16xf32, #tpu.memory_space<vmem>>)
        tpu.yield
      }) : () -> ()
      %barrier3A = arith.constant 0 : index
      tpu.barrier barrier_id(%barrier3A)
      %dma_start3A = arith.constant 0 : i32
      %dma_start3A_10 = arith.constant 0 : i32
      %dma_start3A_11 = tpu.memref_slice %arg11[%dma_start3A, %dma_start3A_10] : memref<158x128xi32, #tpu.memory_space<vmem>> -> memref<1x128xi32, #tpu.memory_space<vmem>>
      %dma_start3A_12 = tpu.memref_squeeze %dma_start3A_11 : memref<1x128xi32, #tpu.memory_space<vmem>> -> memref<128xi32, #tpu.memory_space<vmem>>
      %dma_start3A_13 = arith.constant 0 : i32
      %dma_start3A_14 = arith.constant 0 : i32
      %dma_start3A_15 = tpu.memref_slice %arg2[%dma_start3A_13, %dma_start3A_14] : memref<10000x64xf32, #tpu.memory_space<hbm>> -> memref<10000x64xf32, #tpu.memory_space<hbm>>
      tpu.enqueue_indirect_dma source(%dma_start3A_15 : memref<10000x64xf32, #tpu.memory_space<hbm>>) target(%arg13 : memref<128x64xf32, #tpu.memory_space<vmem>>) offsets(%dma_start3A_12 : memref<128xi32, #tpu.memory_space<vmem>>) semaphore(%arg16 : memref<!tpu.dma_semaphore, #tpu.memory_space<semaphore_mem>>)
      %dma_start3A_16 = arith.constant 1 : i32
      %dma_start3A_17 = arith.constant 0 : i32
      %dma_start3A_18 = tpu.memref_slice %arg11[%dma_start3A_16, %dma_start3A_17] : memref<158x128xi32, #tpu.memory_space<vmem>> -> memref<1x128xi32, #tpu.memory_space<vmem>>
      %dma_start3A_19 = tpu.memref_squeeze %dma_start3A_18 : memref<1x128xi32, #tpu.memory_space<vmem>> -> memref<128xi32, #tpu.memory_space<vmem>>
      %dma_start3A_20 = arith.constant 0 : i32
      %dma_start3A_21 = arith.constant 0 : i32
      %dma_start3A_22 = tpu.memref_slice %arg2[%dma_start3A_20, %dma_start3A_21] : memref<10000x64xf32, #tpu.memory_space<hbm>> -> memref<10000x64xf32, #tpu.memory_space<hbm>>
      tpu.enqueue_indirect_dma source(%dma_start3A_22 : memref<10000x64xf32, #tpu.memory_space<hbm>>) target(%arg14 : memref<128x64xf32, #tpu.memory_space<vmem>>) offsets(%dma_start3A_19 : memref<128xi32, #tpu.memory_space<vmem>>) semaphore(%arg17 : memref<!tpu.dma_semaphore, #tpu.memory_space<semaphore_mem>>)
      %scan3A = arith.constant 0 : i32
      %scan3A_23 = arith.constant 79 : i32
      %scan3A_24 = arith.addi %scan3A, %scan3A_23 : i32
      %scan3A_25 = arith.constant 1 : i32
      scf.for %scan3A_36 = %scan3A to %scan3A_24 step %scan3A_25  : i32 {
        %mul3A_37 = arith.constant 2 : i32
        %mul3A_38 = arith.muli %scan3A_36, %mul3A_37 : i32
        %add3A = arith.constant 0 : i32
        %add3A_39 = arith.addi %add3A, %mul3A_38 : i32
        %add3A_40 = arith.constant 0 : i32
        %add3A_41 = arith.addi %add3A_39, %add3A_40 : i32
        %dma_wait3A = arith.constant 0 : i32
        %dma_wait3A_42 = tpu.memref_slice %arg11[%add3A_41, %dma_wait3A] : memref<158x128xi32, #tpu.memory_space<vmem>> -> memref<1x128xi32, #tpu.memory_space<vmem>>
        %dma_wait3A_43 = tpu.memref_squeeze %dma_wait3A_42 : memref<1x128xi32, #tpu.memory_space<vmem>> -> memref<128xi32, #tpu.memory_space<vmem>>
        %dma_wait3A_44 = arith.constant 0 : i32
        %dma_wait3A_45 = arith.constant 0 : i32
        %dma_wait3A_46 = tpu.memref_slice %arg2[%dma_wait3A_44, %dma_wait3A_45] : memref<10000x64xf32, #tpu.memory_space<hbm>> -> memref<10000x64xf32, #tpu.memory_space<hbm>>
        tpu.wait_indirect_dma semaphore(%arg16 : memref<!tpu.dma_semaphore, #tpu.memory_space<semaphore_mem>>) src(%dma_wait3A_46 : memref<10000x64xf32, #tpu.memory_space<hbm>>) dst(%arg13 : memref<128x64xf32, #tpu.memory_space<vmem>>)
        %add3A_47 = arith.constant 0 : i32
        %add3A_48 = arith.addi %add3A_39, %add3A_47 : i32
        "tpu.region"() ({
          %run_scoped3A_98 = tpu.sem_alloc : memref<!tpu.dma_semaphore, #tpu.memory_space<semaphore_mem>>
          %dma_start3A_99 = arith.constant 0 : i32
          %dma_start3A_100 = tpu.memref_slice %arg12[%add3A_48, %dma_start3A_99] : memref<158x128xi32, #tpu.memory_space<vmem>> -> memref<1x128xi32, #tpu.memory_space<vmem>>
          %dma_start3A_101 = tpu.memref_squeeze %dma_start3A_100 : memref<1x128xi32, #tpu.memory_space<vmem>> -> memref<128xi32, #tpu.memory_space<vmem>>
          %dma_start3A_102 = arith.constant 0 : i32
          %dma_start3A_103 = arith.constant 0 : i32
          %dma_start3A_104 = tpu.memref_slice %arg15[%dma_start3A_102, %dma_start3A_103] : memref<11024x64xf32, #tpu.memory_space<vmem_shared>> -> memref<11024x64xf32, #tpu.memory_space<vmem_shared>>
          tpu.enqueue_indirect_dma source(%arg13 : memref<128x64xf32, #tpu.memory_space<vmem>>) target(%dma_start3A_104 : memref<11024x64xf32, #tpu.memory_space<vmem_shared>>) offsets(%dma_start3A_101 : memref<128xi32, #tpu.memory_space<vmem>>) semaphore(%run_scoped3A_98 : memref<!tpu.dma_semaphore, #tpu.memory_space<semaphore_mem>>) {add = true}
          %dma_wait3A_105 = arith.constant 0 : i32
          %dma_wait3A_106 = tpu.memref_slice %arg12[%add3A_48, %dma_wait3A_105] : memref<158x128xi32, #tpu.memory_space<vmem>> -> memref<1x128xi32, #tpu.memory_space<vmem>>
          %dma_wait3A_107 = tpu.memref_squeeze %dma_wait3A_106 : memref<1x128xi32, #tpu.memory_space<vmem>> -> memref<128xi32, #tpu.memory_space<vmem>>
          %dma_wait3A_108 = arith.constant 0 : i32
          %dma_wait3A_109 = arith.constant 0 : i32
          %dma_wait3A_110 = tpu.memref_slice %arg15[%dma_wait3A_108, %dma_wait3A_109] : memref<11024x64xf32, #tpu.memory_space<vmem_shared>> -> memref<11024x64xf32, #tpu.memory_space<vmem_shared>>
          tpu.wait_indirect_dma semaphore(%run_scoped3A_98 : memref<!tpu.dma_semaphore, #tpu.memory_space<semaphore_mem>>) src(%arg13 : memref<128x64xf32, #tpu.memory_space<vmem>>) dst(%dma_wait3A_110 : memref<11024x64xf32, #tpu.memory_space<vmem_shared>>)
          tpu.yield
        }) : () -> ()
        %add3A_49 = arith.constant 0 : i32
        %add3A_50 = arith.addi %add3A_39, %add3A_49 : i32
        %ge3A = arith.constant 0 : i32
        %ge3A_51 = arith.cmpi sge, %add3A_50, %ge3A : i32
        %add3A_52 = arith.constant 0 : i32
        %add3A_53 = arith.addi %add3A_39, %add3A_52 : i32
        %lt3A = arith.constant 79 : i32
        %lt3A_54 = arith.cmpi slt, %add3A_53, %lt3A : i32
        %and3A = arith.andi %ge3A_51, %lt3A_54 : i1
        %convert_element_type3A_55 = arith.extui %and3A : i1 to i32
        %cond3A_56 = arith.constant 0 : i32
        %cond3A_57 = arith.cmpi ne, %convert_element_type3A_55, %cond3A_56 : i32
        scf.if %cond3A_57 {
          %add3A_98 = arith.constant 0 : i32
          %add3A_99 = arith.addi %add3A_39, %add3A_98 : i32
          "tpu.region"() ({
            %run_scoped3A_100 = tpu.sem_alloc : memref<!tpu.dma_semaphore, #tpu.memory_space<semaphore_mem>>
            %dma_start3A_101 = arith.constant 0 : i32
            %dma_start3A_102 = tpu.memref_slice %arg12[%add3A_99, %dma_start3A_101] : memref<158x128xi32, #tpu.memory_space<vmem>> -> memref<1x128xi32, #tpu.memory_space<vmem>>
            %dma_start3A_103 = tpu.memref_squeeze %dma_start3A_102 : memref<1x128xi32, #tpu.memory_space<vmem>> -> memref<128xi32, #tpu.memory_space<vmem>>
            %dma_start3A_104 = arith.constant 0 : i32
            %dma_start3A_105 = arith.constant 0 : i32
            %dma_start3A_106 = tpu.memref_slice %arg21[%dma_start3A_104, %dma_start3A_105] : memref<11024x16xf32, #tpu.memory_space<vmem_shared>> -> memref<11024x16xf32, #tpu.memory_space<vmem_shared>>
            tpu.enqueue_indirect_dma source(%arg20 : memref<128x16xf32, #tpu.memory_space<vmem>>) target(%dma_start3A_106 : memref<11024x16xf32, #tpu.memory_space<vmem_shared>>) offsets(%dma_start3A_103 : memref<128xi32, #tpu.memory_space<vmem>>) semaphore(%run_scoped3A_100 : memref<!tpu.dma_semaphore, #tpu.memory_space<semaphore_mem>>) {add = true}
            %dma_wait3A_107 = arith.constant 0 : i32
            %dma_wait3A_108 = tpu.memref_slice %arg12[%add3A_99, %dma_wait3A_107] : memref<158x128xi32, #tpu.memory_space<vmem>> -> memref<1x128xi32, #tpu.memory_space<vmem>>
            %dma_wait3A_109 = tpu.memref_squeeze %dma_wait3A_108 : memref<1x128xi32, #tpu.memory_space<vmem>> -> memref<128xi32, #tpu.memory_space<vmem>>
            %dma_wait3A_110 = arith.constant 0 : i32
            %dma_wait3A_111 = arith.constant 0 : i32
            %dma_wait3A_112 = tpu.memref_slice %arg21[%dma_wait3A_110, %dma_wait3A_111] : memref<11024x16xf32, #tpu.memory_space<vmem_shared>> -> memref<11024x16xf32, #tpu.memory_space<vmem_shared>>
            tpu.wait_indirect_dma semaphore(%run_scoped3A_100 : memref<!tpu.dma_semaphore, #tpu.memory_space<semaphore_mem>>) src(%arg20 : memref<128x16xf32, #tpu.memory_space<vmem>>) dst(%dma_wait3A_112 : memref<11024x16xf32, #tpu.memory_space<vmem_shared>>)
            tpu.yield
          }) : () -> ()
        } else {
        }
        %add3A_58 = arith.constant 0 : i32
        %add3A_59 = arith.addi %add3A_39, %add3A_58 : i32
        %add3A_60 = arith.constant 2 : i32
        %add3A_61 = arith.addi %add3A_59, %add3A_60 : i32
        %lt3A_62 = arith.constant 158 : i32
        %lt3A_63 = arith.cmpi slt, %add3A_61, %lt3A_62 : i32
        %convert_element_type3A_64 = arith.extui %lt3A_63 : i1 to i32
        %cond3A_65 = arith.constant 0 : i32
        %cond3A_66 = arith.cmpi ne, %convert_element_type3A_64, %cond3A_65 : i32
        scf.if %cond3A_66 {
          %add3A_98 = arith.constant 0 : i32
          %add3A_99 = arith.addi %add3A_39, %add3A_98 : i32
          %add3A_100 = arith.constant 2 : i32
          %add3A_101 = arith.addi %add3A_99, %add3A_100 : i32
          %dma_start3A_102 = arith.constant 0 : i32
          %dma_start3A_103 = tpu.memref_slice %arg11[%add3A_101, %dma_start3A_102] : memref<158x128xi32, #tpu.memory_space<vmem>> -> memref<1x128xi32, #tpu.memory_space<vmem>>
          %dma_start3A_104 = tpu.memref_squeeze %dma_start3A_103 : memref<1x128xi32, #tpu.memory_space<vmem>> -> memref<128xi32, #tpu.memory_space<vmem>>
          %dma_start3A_105 = arith.constant 0 : i32
          %dma_start3A_106 = arith.constant 0 : i32
          %dma_start3A_107 = tpu.memref_slice %arg2[%dma_start3A_105, %dma_start3A_106] : memref<10000x64xf32, #tpu.memory_space<hbm>> -> memref<10000x64xf32, #tpu.memory_space<hbm>>
          tpu.enqueue_indirect_dma source(%dma_start3A_107 : memref<10000x64xf32, #tpu.memory_space<hbm>>) target(%arg13 : memref<128x64xf32, #tpu.memory_space<vmem>>) offsets(%dma_start3A_104 : memref<128xi32, #tpu.memory_space<vmem>>) semaphore(%arg16 : memref<!tpu.dma_semaphore, #tpu.memory_space<semaphore_mem>>)
        } else {
        }
        %add3A_67 = arith.constant 1 : i32
        %add3A_68 = arith.addi %add3A_39, %add3A_67 : i32
        %dma_wait3A_69 = arith.constant 0 : i32
        %dma_wait3A_70 = tpu.memref_slice %arg11[%add3A_68, %dma_wait3A_69] : memref<158x128xi32, #tpu.memory_space<vmem>> -> memref<1x128xi32, #tpu.memory_space<vmem>>
        %dma_wait3A_71 = tpu.memref_squeeze %dma_wait3A_70 : memref<1x128xi32, #tpu.memory_space<vmem>> -> memref<128xi32, #tpu.memory_space<vmem>>
        %dma_wait3A_72 = arith.constant 0 : i32
        %dma_wait3A_73 = arith.constant 0 : i32
        %dma_wait3A_74 = tpu.memref_slice %arg2[%dma_wait3A_72, %dma_wait3A_73] : memref<10000x64xf32, #tpu.memory_space<hbm>> -> memref<10000x64xf32, #tpu.memory_space<hbm>>
        tpu.wait_indirect_dma semaphore(%arg17 : memref<!tpu.dma_semaphore, #tpu.memory_space<semaphore_mem>>) src(%dma_wait3A_74 : memref<10000x64xf32, #tpu.memory_space<hbm>>) dst(%arg14 : memref<128x64xf32, #tpu.memory_space<vmem>>)
        %add3A_75 = arith.constant 1 : i32
        %add3A_76 = arith.addi %add3A_39, %add3A_75 : i32
        "tpu.region"() ({
          %run_scoped3A_98 = tpu.sem_alloc : memref<!tpu.dma_semaphore, #tpu.memory_space<semaphore_mem>>
          %dma_start3A_99 = arith.constant 0 : i32
          %dma_start3A_100 = tpu.memref_slice %arg12[%add3A_76, %dma_start3A_99] : memref<158x128xi32, #tpu.memory_space<vmem>> -> memref<1x128xi32, #tpu.memory_space<vmem>>
          %dma_start3A_101 = tpu.memref_squeeze %dma_start3A_100 : memref<1x128xi32, #tpu.memory_space<vmem>> -> memref<128xi32, #tpu.memory_space<vmem>>
          %dma_start3A_102 = arith.constant 0 : i32
          %dma_start3A_103 = arith.constant 0 : i32
          %dma_start3A_104 = tpu.memref_slice %arg15[%dma_start3A_102, %dma_start3A_103] : memref<11024x64xf32, #tpu.memory_space<vmem_shared>> -> memref<11024x64xf32, #tpu.memory_space<vmem_shared>>
          tpu.enqueue_indirect_dma source(%arg14 : memref<128x64xf32, #tpu.memory_space<vmem>>) target(%dma_start3A_104 : memref<11024x64xf32, #tpu.memory_space<vmem_shared>>) offsets(%dma_start3A_101 : memref<128xi32, #tpu.memory_space<vmem>>) semaphore(%run_scoped3A_98 : memref<!tpu.dma_semaphore, #tpu.memory_space<semaphore_mem>>) {add = true}
          %dma_wait3A_105 = arith.constant 0 : i32
          %dma_wait3A_106 = tpu.memref_slice %arg12[%add3A_76, %dma_wait3A_105] : memref<158x128xi32, #tpu.memory_space<vmem>> -> memref<1x128xi32, #tpu.memory_space<vmem>>
          %dma_wait3A_107 = tpu.memref_squeeze %dma_wait3A_106 : memref<1x128xi32, #tpu.memory_space<vmem>> -> memref<128xi32, #tpu.memory_space<vmem>>
          %dma_wait3A_108 = arith.constant 0 : i32
          %dma_wait3A_109 = arith.constant 0 : i32
          %dma_wait3A_110 = tpu.memref_slice %arg15[%dma_wait3A_108, %dma_wait3A_109] : memref<11024x64xf32, #tpu.memory_space<vmem_shared>> -> memref<11024x64xf32, #tpu.memory_space<vmem_shared>>
          tpu.wait_indirect_dma semaphore(%run_scoped3A_98 : memref<!tpu.dma_semaphore, #tpu.memory_space<semaphore_mem>>) src(%arg14 : memref<128x64xf32, #tpu.memory_space<vmem>>) dst(%dma_wait3A_110 : memref<11024x64xf32, #tpu.memory_space<vmem_shared>>)
          tpu.yield
        }) : () -> ()
        %add3A_77 = arith.constant 1 : i32
        %add3A_78 = arith.addi %add3A_39, %add3A_77 : i32
        %ge3A_79 = arith.constant 0 : i32
        %ge3A_80 = arith.cmpi sge, %add3A_78, %ge3A_79 : i32
        %add3A_81 = arith.constant 1 : i32
        %add3A_82 = arith.addi %add3A_39, %add3A_81 : i32
        %lt3A_83 = arith.constant 79 : i32
        %lt3A_84 = arith.cmpi slt, %add3A_82, %lt3A_83 : i32
        %and3A_85 = arith.andi %ge3A_80, %lt3A_84 : i1
        %convert_element_type3A_86 = arith.extui %and3A_85 : i1 to i32
        %cond3A_87 = arith.constant 0 : i32
        %cond3A_88 = arith.cmpi ne, %convert_element_type3A_86, %cond3A_87 : i32
        scf.if %cond3A_88 {
          %add3A_98 = arith.constant 1 : i32
          %add3A_99 = arith.addi %add3A_39, %add3A_98 : i32
          "tpu.region"() ({
            %run_scoped3A_100 = tpu.sem_alloc : memref<!tpu.dma_semaphore, #tpu.memory_space<semaphore_mem>>
            %dma_start3A_101 = arith.constant 0 : i32
            %dma_start3A_102 = tpu.memref_slice %arg12[%add3A_99, %dma_start3A_101] : memref<158x128xi32, #tpu.memory_space<vmem>> -> memref<1x128xi32, #tpu.memory_space<vmem>>
            %dma_start3A_103 = tpu.memref_squeeze %dma_start3A_102 : memref<1x128xi32, #tpu.memory_space<vmem>> -> memref<128xi32, #tpu.memory_space<vmem>>
            %dma_start3A_104 = arith.constant 0 : i32
            %dma_start3A_105 = arith.constant 0 : i32
            %dma_start3A_106 = tpu.memref_slice %arg21[%dma_start3A_104, %dma_start3A_105] : memref<11024x16xf32, #tpu.memory_space<vmem_shared>> -> memref<11024x16xf32, #tpu.memory_space<vmem_shared>>
            tpu.enqueue_indirect_dma source(%arg20 : memref<128x16xf32, #tpu.memory_space<vmem>>) target(%dma_start3A_106 : memref<11024x16xf32, #tpu.memory_space<vmem_shared>>) offsets(%dma_start3A_103 : memref<128xi32, #tpu.memory_space<vmem>>) semaphore(%run_scoped3A_100 : memref<!tpu.dma_semaphore, #tpu.memory_space<semaphore_mem>>) {add = true}
            %dma_wait3A_107 = arith.constant 0 : i32
            %dma_wait3A_108 = tpu.memref_slice %arg12[%add3A_99, %dma_wait3A_107] : memref<158x128xi32, #tpu.memory_space<vmem>> -> memref<1x128xi32, #tpu.memory_space<vmem>>
            %dma_wait3A_109 = tpu.memref_squeeze %dma_wait3A_108 : memref<1x128xi32, #tpu.memory_space<vmem>> -> memref<128xi32, #tpu.memory_space<vmem>>
            %dma_wait3A_110 = arith.constant 0 : i32
            %dma_wait3A_111 = arith.constant 0 : i32
            %dma_wait3A_112 = tpu.memref_slice %arg21[%dma_wait3A_110, %dma_wait3A_111] : memref<11024x16xf32, #tpu.memory_space<vmem_shared>> -> memref<11024x16xf32, #tpu.memory_space<vmem_shared>>
            tpu.wait_indirect_dma semaphore(%run_scoped3A_100 : memref<!tpu.dma_semaphore, #tpu.memory_space<semaphore_mem>>) src(%arg20 : memref<128x16xf32, #tpu.memory_space<vmem>>) dst(%dma_wait3A_112 : memref<11024x16xf32, #tpu.memory_space<vmem_shared>>)
            tpu.yield
          }) : () -> ()
        } else {
        }
        %add3A_89 = arith.constant 1 : i32
        %add3A_90 = arith.addi %add3A_39, %add3A_89 : i32
        %add3A_91 = arith.constant 2 : i32
        %add3A_92 = arith.addi %add3A_90, %add3A_91 : i32
        %lt3A_93 = arith.constant 158 : i32
        %lt3A_94 = arith.cmpi slt, %add3A_92, %lt3A_93 : i32
        %convert_element_type3A_95 = arith.extui %lt3A_94 : i1 to i32
        %cond3A_96 = arith.constant 0 : i32
        %cond3A_97 = arith.cmpi ne, %convert_element_type3A_95, %cond3A_96 : i32
        scf.if %cond3A_97 {
          %add3A_98 = arith.constant 1 : i32
          %add3A_99 = arith.addi %add3A_39, %add3A_98 : i32
          %add3A_100 = arith.constant 2 : i32
          %add3A_101 = arith.addi %add3A_99, %add3A_100 : i32
          %dma_start3A_102 = arith.constant 0 : i32
          %dma_start3A_103 = tpu.memref_slice %arg11[%add3A_101, %dma_start3A_102] : memref<158x128xi32, #tpu.memory_space<vmem>> -> memref<1x128xi32, #tpu.memory_space<vmem>>
          %dma_start3A_104 = tpu.memref_squeeze %dma_start3A_103 : memref<1x128xi32, #tpu.memory_space<vmem>> -> memref<128xi32, #tpu.memory_space<vmem>>
          %dma_start3A_105 = arith.constant 0 : i32
          %dma_start3A_106 = arith.constant 0 : i32
          %dma_start3A_107 = tpu.memref_slice %arg2[%dma_start3A_105, %dma_start3A_106] : memref<10000x64xf32, #tpu.memory_space<hbm>> -> memref<10000x64xf32, #tpu.memory_space<hbm>>
          tpu.enqueue_indirect_dma source(%dma_start3A_107 : memref<10000x64xf32, #tpu.memory_space<hbm>>) target(%arg14 : memref<128x64xf32, #tpu.memory_space<vmem>>) offsets(%dma_start3A_104 : memref<128xi32, #tpu.memory_space<vmem>>) semaphore(%arg17 : memref<!tpu.dma_semaphore, #tpu.memory_space<semaphore_mem>>)
        } else {
        }
      }
      %scan3A_26 = arith.constant 79 : i32
      %barrier3A_27 = arith.constant 0 : index
      tpu.barrier barrier_id(%barrier3A_27)
      %mul3A_28 = arith.constant 625 : i32
      %mul3A_29 = arith.muli %arg1, %mul3A_28 : i32
      %mul3A_30 = arith.constant 625 : i32
      %mul3A_31 = arith.muli %arg1, %mul3A_30 : i32
      "tpu.region"() ({
        %run_scoped3A_36 = tpu.sem_alloc : memref<!tpu.dma_semaphore, #tpu.memory_space<semaphore_mem>>
        %dma_start3A_37 = arith.constant 0 : i32
        %dma_start3A_38 = tpu.memref_slice %arg9[%mul3A_31, %dma_start3A_37] : memref<10000x128xf32, #tpu.memory_space<hbm>> -> memref<625x64xf32, #tpu.memory_space<hbm>>
        %dma_start3A_39 = arith.constant 0 : i32
        %dma_start3A_40 = tpu.memref_slice %arg15[%mul3A_29, %dma_start3A_39] : memref<11024x64xf32, #tpu.memory_space<vmem_shared>> -> memref<625x64xf32, #tpu.memory_space<vmem_shared>>
        tpu.enqueue_dma source(%dma_start3A_40 : memref<625x64xf32, #tpu.memory_space<vmem_shared>>) target(%dma_start3A_38 : memref<625x64xf32, #tpu.memory_space<hbm>>) target_semaphore(%run_scoped3A_36 : memref<!tpu.dma_semaphore, #tpu.memory_space<semaphore_mem>>)
        %dma_wait3A = arith.constant 0 : i32
        %dma_wait3A_41 = tpu.memref_slice %arg9[%mul3A_31, %dma_wait3A] : memref<10000x128xf32, #tpu.memory_space<hbm>> -> memref<625x64xf32, #tpu.memory_space<hbm>>
        %dma_wait3A_42 = arith.constant 0 : i32
        %dma_wait3A_43 = tpu.memref_slice %arg15[%mul3A_29, %dma_wait3A_42] : memref<11024x64xf32, #tpu.memory_space<vmem_shared>> -> memref<625x64xf32, #tpu.memory_space<vmem_shared>>
        tpu.wait_dma2 semaphore(%run_scoped3A_36 : memref<!tpu.dma_semaphore, #tpu.memory_space<semaphore_mem>>) src(%dma_wait3A_43 : memref<625x64xf32, #tpu.memory_space<vmem_shared>>) dst(%dma_wait3A_41 : memref<625x64xf32, #tpu.memory_space<hbm>>)
        tpu.yield
      }) : () -> ()
      %mul3A_32 = arith.constant 625 : i32
      %mul3A_33 = arith.muli %arg1, %mul3A_32 : i32
      %mul3A_34 = arith.constant 625 : i32
      %mul3A_35 = arith.muli %arg1, %mul3A_34 : i32
      %run_scoped3A = arith.constant 0 : i32
      "tpu.region"() ({
        %run_scoped3A_36 = tpu.sem_alloc : memref<!tpu.dma_semaphore, #tpu.memory_space<semaphore_mem>>
        %dma_start3A_37 = arith.constant 0 : i32
        %dma_start3A_38 = tpu.memref_slice %arg10[%run_scoped3A, %mul3A_35, %dma_start3A_37] : memref<2x10000x16xf32, #tpu.memory_space<hbm>> -> memref<1x625x16xf32, #tpu.memory_space<hbm>>
        %dma_start3A_39 = tpu.memref_squeeze %dma_start3A_38 : memref<1x625x16xf32, #tpu.memory_space<hbm>> -> memref<625x16xf32, #tpu.memory_space<hbm>>
        %dma_start3A_40 = arith.constant 0 : i32
        %dma_start3A_41 = tpu.memref_slice %arg21[%mul3A_33, %dma_start3A_40] : memref<11024x16xf32, #tpu.memory_space<vmem_shared>> -> memref<625x16xf32, #tpu.memory_space<vmem_shared>>
        tpu.enqueue_dma source(%dma_start3A_41 : memref<625x16xf32, #tpu.memory_space<vmem_shared>>) target(%dma_start3A_39 : memref<625x16xf32, #tpu.memory_space<hbm>>) target_semaphore(%run_scoped3A_36 : memref<!tpu.dma_semaphore, #tpu.memory_space<semaphore_mem>>)
        %dma_wait3A = arith.constant 0 : i32
        %dma_wait3A_42 = tpu.memref_slice %arg10[%run_scoped3A, %mul3A_35, %dma_wait3A] : memref<2x10000x16xf32, #tpu.memory_space<hbm>> -> memref<1x625x16xf32, #tpu.memory_space<hbm>>
        %dma_wait3A_43 = tpu.memref_squeeze %dma_wait3A_42 : memref<1x625x16xf32, #tpu.memory_space<hbm>> -> memref<625x16xf32, #tpu.memory_space<hbm>>
        %dma_wait3A_44 = arith.constant 0 : i32
        %dma_wait3A_45 = tpu.memref_slice %arg21[%mul3A_33, %dma_wait3A_44] : memref<11024x16xf32, #tpu.memory_space<vmem_shared>> -> memref<625x16xf32, #tpu.memory_space<vmem_shared>>
        tpu.wait_dma2 semaphore(%run_scoped3A_36 : memref<!tpu.dma_semaphore, #tpu.memory_space<semaphore_mem>>) src(%dma_wait3A_45 : memref<625x16xf32, #tpu.memory_space<vmem_shared>>) dst(%dma_wait3A_43 : memref<625x16xf32, #tpu.memory_space<hbm>>)
        tpu.yield
      }) : () -> ()
    } else {
    }
    %eq3A_2 = arith.constant 1 : i32
    %eq3A_3 = arith.cmpi eq, %arg0, %eq3A_2 : i32
    %convert_element_type3A_4 = arith.extui %eq3A_3 : i1 to i32
    %cond3A_5 = arith.constant 0 : i32
    %cond3A_6 = arith.cmpi ne, %convert_element_type3A_4, %cond3A_5 : i32
    scf.if %cond3A_6 {
      "tpu.region"() ({
        %run_scoped3A_36 = tpu.sem_alloc : memref<!tpu.dma_semaphore, #tpu.memory_space<semaphore_mem>>
        %dma_start3A_37 = arith.constant 0 : i32
        %dma_start3A_38 = arith.constant 0 : i32
        %dma_start3A_39 = tpu.memref_slice %arg4[%arg1, %dma_start3A_37, %dma_start3A_38] : memref<16x158x128xi32, #tpu.memory_space<hbm>> -> memref<1x158x128xi32, #tpu.memory_space<hbm>>
        %dma_start3A_40 = tpu.memref_squeeze %dma_start3A_39 : memref<1x158x128xi32, #tpu.memory_space<hbm>> -> memref<158x128xi32, #tpu.memory_space<hbm>>
        %dma_start3A_41 = arith.constant 0 : i32
        %dma_start3A_42 = arith.constant 0 : i32
        %dma_start3A_43 = tpu.memref_slice %arg4[%arg1, %dma_start3A_41, %dma_start3A_42] : memref<16x158x128xi32, #tpu.memory_space<hbm>> -> memref<1x158x128xi32, #tpu.memory_space<hbm>>
        %dma_start3A_44 = tpu.memref_squeeze %dma_start3A_43 : memref<1x158x128xi32, #tpu.memory_space<hbm>> -> memref<158x128xi32, #tpu.memory_space<hbm>>
        tpu.enqueue_dma source(%dma_start3A_44 : memref<158x128xi32, #tpu.memory_space<hbm>>) target(%arg11 : memref<158x128xi32, #tpu.memory_space<vmem>>) target_semaphore(%run_scoped3A_36 : memref<!tpu.dma_semaphore, #tpu.memory_space<semaphore_mem>>)
        %dma_wait3A = arith.constant 0 : i32
        %dma_wait3A_45 = arith.constant 0 : i32
        %dma_wait3A_46 = tpu.memref_slice %arg4[%arg1, %dma_wait3A, %dma_wait3A_45] : memref<16x158x128xi32, #tpu.memory_space<hbm>> -> memref<1x158x128xi32, #tpu.memory_space<hbm>>
        %dma_wait3A_47 = tpu.memref_squeeze %dma_wait3A_46 : memref<1x158x128xi32, #tpu.memory_space<hbm>> -> memref<158x128xi32, #tpu.memory_space<hbm>>
        %dma_wait3A_48 = arith.constant 0 : i32
        %dma_wait3A_49 = arith.constant 0 : i32
        %dma_wait3A_50 = tpu.memref_slice %arg4[%arg1, %dma_wait3A_48, %dma_wait3A_49] : memref<16x158x128xi32, #tpu.memory_space<hbm>> -> memref<1x158x128xi32, #tpu.memory_space<hbm>>
        %dma_wait3A_51 = tpu.memref_squeeze %dma_wait3A_50 : memref<1x158x128xi32, #tpu.memory_space<hbm>> -> memref<158x128xi32, #tpu.memory_space<hbm>>
        tpu.wait_dma2 semaphore(%run_scoped3A_36 : memref<!tpu.dma_semaphore, #tpu.memory_space<semaphore_mem>>) src(%dma_wait3A_51 : memref<158x128xi32, #tpu.memory_space<hbm>>) dst(%arg11 : memref<158x128xi32, #tpu.memory_space<vmem>>)
        tpu.yield
      }) : () -> ()
      "tpu.region"() ({
        %run_scoped3A_36 = tpu.sem_alloc : memref<!tpu.dma_semaphore, #tpu.memory_space<semaphore_mem>>
        %dma_start3A_37 = arith.constant 0 : i32
        %dma_start3A_38 = arith.constant 0 : i32
        %dma_start3A_39 = tpu.memref_slice %arg5[%arg1, %dma_start3A_37, %dma_start3A_38] : memref<16x158x128xi32, #tpu.memory_space<hbm>> -> memref<1x158x128xi32, #tpu.memory_space<hbm>>
        %dma_start3A_40 = tpu.memref_squeeze %dma_start3A_39 : memref<1x158x128xi32, #tpu.memory_space<hbm>> -> memref<158x128xi32, #tpu.memory_space<hbm>>
        %dma_start3A_41 = arith.constant 0 : i32
        %dma_start3A_42 = arith.constant 0 : i32
        %dma_start3A_43 = tpu.memref_slice %arg5[%arg1, %dma_start3A_41, %dma_start3A_42] : memref<16x158x128xi32, #tpu.memory_space<hbm>> -> memref<1x158x128xi32, #tpu.memory_space<hbm>>
        %dma_start3A_44 = tpu.memref_squeeze %dma_start3A_43 : memref<1x158x128xi32, #tpu.memory_space<hbm>> -> memref<158x128xi32, #tpu.memory_space<hbm>>
        tpu.enqueue_dma source(%dma_start3A_44 : memref<158x128xi32, #tpu.memory_space<hbm>>) target(%arg12 : memref<158x128xi32, #tpu.memory_space<vmem>>) target_semaphore(%run_scoped3A_36 : memref<!tpu.dma_semaphore, #tpu.memory_space<semaphore_mem>>)
        %dma_wait3A = arith.constant 0 : i32
        %dma_wait3A_45 = arith.constant 0 : i32
        %dma_wait3A_46 = tpu.memref_slice %arg5[%arg1, %dma_wait3A, %dma_wait3A_45] : memref<16x158x128xi32, #tpu.memory_space<hbm>> -> memref<1x158x128xi32, #tpu.memory_space<hbm>>
        %dma_wait3A_47 = tpu.memref_squeeze %dma_wait3A_46 : memref<1x158x128xi32, #tpu.memory_space<hbm>> -> memref<158x128xi32, #tpu.memory_space<hbm>>
        %dma_wait3A_48 = arith.constant 0 : i32
        %dma_wait3A_49 = arith.constant 0 : i32
        %dma_wait3A_50 = tpu.memref_slice %arg5[%arg1, %dma_wait3A_48, %dma_wait3A_49] : memref<16x158x128xi32, #tpu.memory_space<hbm>> -> memref<1x158x128xi32, #tpu.memory_space<hbm>>
        %dma_wait3A_51 = tpu.memref_squeeze %dma_wait3A_50 : memref<1x158x128xi32, #tpu.memory_space<hbm>> -> memref<158x128xi32, #tpu.memory_space<hbm>>
        tpu.wait_dma2 semaphore(%run_scoped3A_36 : memref<!tpu.dma_semaphore, #tpu.memory_space<semaphore_mem>>) src(%dma_wait3A_51 : memref<158x128xi32, #tpu.memory_space<hbm>>) dst(%arg12 : memref<158x128xi32, #tpu.memory_space<vmem>>)
        tpu.yield
      }) : () -> ()
      %mul3A = arith.constant 625 : i32
      %mul3A_7 = arith.muli %arg1, %mul3A : i32
      "tpu.region"() ({
        %run_scoped3A_36 = tpu.sem_alloc : memref<!tpu.dma_semaphore, #tpu.memory_space<semaphore_mem>>
        %dma_start3A_37 = arith.constant 0 : i32
        %dma_start3A_38 = tpu.memref_slice %arg15[%mul3A_7, %dma_start3A_37] : memref<11024x64xf32, #tpu.memory_space<vmem_shared>> -> memref<625x64xf32, #tpu.memory_space<vmem_shared>>
        tpu.enqueue_dma source(%arg6 : memref<625x64xf32, #tpu.memory_space<hbm>>) target(%dma_start3A_38 : memref<625x64xf32, #tpu.memory_space<vmem_shared>>) target_semaphore(%run_scoped3A_36 : memref<!tpu.dma_semaphore, #tpu.memory_space<semaphore_mem>>)
        %dma_wait3A = arith.constant 0 : i32
        %dma_wait3A_39 = tpu.memref_slice %arg15[%mul3A_7, %dma_wait3A] : memref<11024x64xf32, #tpu.memory_space<vmem_shared>> -> memref<625x64xf32, #tpu.memory_space<vmem_shared>>
        tpu.wait_dma2 semaphore(%run_scoped3A_36 : memref<!tpu.dma_semaphore, #tpu.memory_space<semaphore_mem>>) src(%arg6 : memref<625x64xf32, #tpu.memory_space<hbm>>) dst(%dma_wait3A_39 : memref<625x64xf32, #tpu.memory_space<vmem_shared>>)
        tpu.yield
      }) : () -> ()
      %mul3A_8 = arith.constant 625 : i32
      %mul3A_9 = arith.muli %arg1, %mul3A_8 : i32
      "tpu.region"() ({
        %run_scoped3A_36 = tpu.sem_alloc : memref<!tpu.dma_semaphore, #tpu.memory_space<semaphore_mem>>
        %dma_start3A_37 = arith.constant 0 : i32
        %dma_start3A_38 = tpu.memref_slice %arg21[%mul3A_9, %dma_start3A_37] : memref<11024x16xf32, #tpu.memory_space<vmem_shared>> -> memref<625x16xf32, #tpu.memory_space<vmem_shared>>
        tpu.enqueue_dma source(%arg8 : memref<625x16xf32, #tpu.memory_space<hbm>>) target(%dma_start3A_38 : memref<625x16xf32, #tpu.memory_space<vmem_shared>>) target_semaphore(%run_scoped3A_36 : memref<!tpu.dma_semaphore, #tpu.memory_space<semaphore_mem>>)
        %dma_wait3A = arith.constant 0 : i32
        %dma_wait3A_39 = tpu.memref_slice %arg21[%mul3A_9, %dma_wait3A] : memref<11024x16xf32, #tpu.memory_space<vmem_shared>> -> memref<625x16xf32, #tpu.memory_space<vmem_shared>>
        tpu.wait_dma2 semaphore(%run_scoped3A_36 : memref<!tpu.dma_semaphore, #tpu.memory_space<semaphore_mem>>) src(%arg8 : memref<625x16xf32, #tpu.memory_space<hbm>>) dst(%dma_wait3A_39 : memref<625x16xf32, #tpu.memory_space<vmem_shared>>)
        tpu.yield
      }) : () -> ()
      "tpu.region"() ({
        %run_scoped3A_36 = tpu.sem_alloc : memref<!tpu.dma_semaphore, #tpu.memory_space<semaphore_mem>>
        tpu.enqueue_dma source(%arg7 : memref<128x16xf32, #tpu.memory_space<hbm>>) target(%arg20 : memref<128x16xf32, #tpu.memory_space<vmem>>) target_semaphore(%run_scoped3A_36 : memref<!tpu.dma_semaphore, #tpu.memory_space<semaphore_mem>>)
        tpu.wait_dma2 semaphore(%run_scoped3A_36 : memref<!tpu.dma_semaphore, #tpu.memory_space<semaphore_mem>>) src(%arg7 : memref<128x16xf32, #tpu.memory_space<hbm>>) dst(%arg20 : memref<128x16xf32, #tpu.memory_space<vmem>>)
        tpu.yield
      }) : () -> ()
      %barrier3A = arith.constant 0 : index
      tpu.barrier barrier_id(%barrier3A)
      %dma_start3A = arith.constant 0 : i32
      %dma_start3A_10 = arith.constant 0 : i32
      %dma_start3A_11 = tpu.memref_slice %arg11[%dma_start3A, %dma_start3A_10] : memref<158x128xi32, #tpu.memory_space<vmem>> -> memref<1x128xi32, #tpu.memory_space<vmem>>
      %dma_start3A_12 = tpu.memref_squeeze %dma_start3A_11 : memref<1x128xi32, #tpu.memory_space<vmem>> -> memref<128xi32, #tpu.memory_space<vmem>>
      %dma_start3A_13 = arith.constant 0 : i32
      %dma_start3A_14 = arith.constant 0 : i32
      %dma_start3A_15 = tpu.memref_slice %arg3[%dma_start3A_13, %dma_start3A_14] : memref<10000x64xf32, #tpu.memory_space<hbm>> -> memref<10000x64xf32, #tpu.memory_space<hbm>>
      tpu.enqueue_indirect_dma source(%dma_start3A_15 : memref<10000x64xf32, #tpu.memory_space<hbm>>) target(%arg13 : memref<128x64xf32, #tpu.memory_space<vmem>>) offsets(%dma_start3A_12 : memref<128xi32, #tpu.memory_space<vmem>>) semaphore(%arg16 : memref<!tpu.dma_semaphore, #tpu.memory_space<semaphore_mem>>)
      %dma_start3A_16 = arith.constant 1 : i32
      %dma_start3A_17 = arith.constant 0 : i32
      %dma_start3A_18 = tpu.memref_slice %arg11[%dma_start3A_16, %dma_start3A_17] : memref<158x128xi32, #tpu.memory_space<vmem>> -> memref<1x128xi32, #tpu.memory_space<vmem>>
      %dma_start3A_19 = tpu.memref_squeeze %dma_start3A_18 : memref<1x128xi32, #tpu.memory_space<vmem>> -> memref<128xi32, #tpu.memory_space<vmem>>
      %dma_start3A_20 = arith.constant 0 : i32
      %dma_start3A_21 = arith.constant 0 : i32
      %dma_start3A_22 = tpu.memref_slice %arg3[%dma_start3A_20, %dma_start3A_21] : memref<10000x64xf32, #tpu.memory_space<hbm>> -> memref<10000x64xf32, #tpu.memory_space<hbm>>
      tpu.enqueue_indirect_dma source(%dma_start3A_22 : memref<10000x64xf32, #tpu.memory_space<hbm>>) target(%arg14 : memref<128x64xf32, #tpu.memory_space<vmem>>) offsets(%dma_start3A_19 : memref<128xi32, #tpu.memory_space<vmem>>) semaphore(%arg17 : memref<!tpu.dma_semaphore, #tpu.memory_space<semaphore_mem>>)
      %scan3A = arith.constant 0 : i32
      %scan3A_23 = arith.constant 79 : i32
      %scan3A_24 = arith.addi %scan3A, %scan3A_23 : i32
      %scan3A_25 = arith.constant 1 : i32
      scf.for %scan3A_36 = %scan3A to %scan3A_24 step %scan3A_25  : i32 {
        %mul3A_37 = arith.constant 2 : i32
        %mul3A_38 = arith.muli %scan3A_36, %mul3A_37 : i32
        %add3A = arith.constant 0 : i32
        %add3A_39 = arith.addi %add3A, %mul3A_38 : i32
        %add3A_40 = arith.constant 0 : i32
        %add3A_41 = arith.addi %add3A_39, %add3A_40 : i32
        %dma_wait3A = arith.constant 0 : i32
        %dma_wait3A_42 = tpu.memref_slice %arg11[%add3A_41, %dma_wait3A] : memref<158x128xi32, #tpu.memory_space<vmem>> -> memref<1x128xi32, #tpu.memory_space<vmem>>
        %dma_wait3A_43 = tpu.memref_squeeze %dma_wait3A_42 : memref<1x128xi32, #tpu.memory_space<vmem>> -> memref<128xi32, #tpu.memory_space<vmem>>
        %dma_wait3A_44 = arith.constant 0 : i32
        %dma_wait3A_45 = arith.constant 0 : i32
        %dma_wait3A_46 = tpu.memref_slice %arg3[%dma_wait3A_44, %dma_wait3A_45] : memref<10000x64xf32, #tpu.memory_space<hbm>> -> memref<10000x64xf32, #tpu.memory_space<hbm>>
        tpu.wait_indirect_dma semaphore(%arg16 : memref<!tpu.dma_semaphore, #tpu.memory_space<semaphore_mem>>) src(%dma_wait3A_46 : memref<10000x64xf32, #tpu.memory_space<hbm>>) dst(%arg13 : memref<128x64xf32, #tpu.memory_space<vmem>>)
        %add3A_47 = arith.constant 0 : i32
        %add3A_48 = arith.addi %add3A_39, %add3A_47 : i32
        "tpu.region"() ({
          %run_scoped3A_98 = tpu.sem_alloc : memref<!tpu.dma_semaphore, #tpu.memory_space<semaphore_mem>>
          %dma_start3A_99 = arith.constant 0 : i32
          %dma_start3A_100 = tpu.memref_slice %arg12[%add3A_48, %dma_start3A_99] : memref<158x128xi32, #tpu.memory_space<vmem>> -> memref<1x128xi32, #tpu.memory_space<vmem>>
          %dma_start3A_101 = tpu.memref_squeeze %dma_start3A_100 : memref<1x128xi32, #tpu.memory_space<vmem>> -> memref<128xi32, #tpu.memory_space<vmem>>
          %dma_start3A_102 = arith.constant 0 : i32
          %dma_start3A_103 = arith.constant 0 : i32
          %dma_start3A_104 = tpu.memref_slice %arg15[%dma_start3A_102, %dma_start3A_103] : memref<11024x64xf32, #tpu.memory_space<vmem_shared>> -> memref<11024x64xf32, #tpu.memory_space<vmem_shared>>
          tpu.enqueue_indirect_dma source(%arg13 : memref<128x64xf32, #tpu.memory_space<vmem>>) target(%dma_start3A_104 : memref<11024x64xf32, #tpu.memory_space<vmem_shared>>) offsets(%dma_start3A_101 : memref<128xi32, #tpu.memory_space<vmem>>) semaphore(%run_scoped3A_98 : memref<!tpu.dma_semaphore, #tpu.memory_space<semaphore_mem>>) {add = true}
          %dma_wait3A_105 = arith.constant 0 : i32
          %dma_wait3A_106 = tpu.memref_slice %arg12[%add3A_48, %dma_wait3A_105] : memref<158x128xi32, #tpu.memory_space<vmem>> -> memref<1x128xi32, #tpu.memory_space<vmem>>
          %dma_wait3A_107 = tpu.memref_squeeze %dma_wait3A_106 : memref<1x128xi32, #tpu.memory_space<vmem>> -> memref<128xi32, #tpu.memory_space<vmem>>
          %dma_wait3A_108 = arith.constant 0 : i32
          %dma_wait3A_109 = arith.constant 0 : i32
          %dma_wait3A_110 = tpu.memref_slice %arg15[%dma_wait3A_108, %dma_wait3A_109] : memref<11024x64xf32, #tpu.memory_space<vmem_shared>> -> memref<11024x64xf32, #tpu.memory_space<vmem_shared>>
          tpu.wait_indirect_dma semaphore(%run_scoped3A_98 : memref<!tpu.dma_semaphore, #tpu.memory_space<semaphore_mem>>) src(%arg13 : memref<128x64xf32, #tpu.memory_space<vmem>>) dst(%dma_wait3A_110 : memref<11024x64xf32, #tpu.memory_space<vmem_shared>>)
          tpu.yield
        }) : () -> ()
        %add3A_49 = arith.constant 0 : i32
        %add3A_50 = arith.addi %add3A_39, %add3A_49 : i32
        %ge3A = arith.constant 79 : i32
        %ge3A_51 = arith.cmpi sge, %add3A_50, %ge3A : i32
        %add3A_52 = arith.constant 0 : i32
        %add3A_53 = arith.addi %add3A_39, %add3A_52 : i32
        %lt3A = arith.constant 158 : i32
        %lt3A_54 = arith.cmpi slt, %add3A_53, %lt3A : i32
        %and3A = arith.andi %ge3A_51, %lt3A_54 : i1
        %convert_element_type3A_55 = arith.extui %and3A : i1 to i32
        %cond3A_56 = arith.constant 0 : i32
        %cond3A_57 = arith.cmpi ne, %convert_element_type3A_55, %cond3A_56 : i32
        scf.if %cond3A_57 {
          %add3A_98 = arith.constant 0 : i32
          %add3A_99 = arith.addi %add3A_39, %add3A_98 : i32
          "tpu.region"() ({
            %run_scoped3A_100 = tpu.sem_alloc : memref<!tpu.dma_semaphore, #tpu.memory_space<semaphore_mem>>
            %dma_start3A_101 = arith.constant 0 : i32
            %dma_start3A_102 = tpu.memref_slice %arg12[%add3A_99, %dma_start3A_101] : memref<158x128xi32, #tpu.memory_space<vmem>> -> memref<1x128xi32, #tpu.memory_space<vmem>>
            %dma_start3A_103 = tpu.memref_squeeze %dma_start3A_102 : memref<1x128xi32, #tpu.memory_space<vmem>> -> memref<128xi32, #tpu.memory_space<vmem>>
            %dma_start3A_104 = arith.constant 0 : i32
            %dma_start3A_105 = arith.constant 0 : i32
            %dma_start3A_106 = tpu.memref_slice %arg21[%dma_start3A_104, %dma_start3A_105] : memref<11024x16xf32, #tpu.memory_space<vmem_shared>> -> memref<11024x16xf32, #tpu.memory_space<vmem_shared>>
            tpu.enqueue_indirect_dma source(%arg20 : memref<128x16xf32, #tpu.memory_space<vmem>>) target(%dma_start3A_106 : memref<11024x16xf32, #tpu.memory_space<vmem_shared>>) offsets(%dma_start3A_103 : memref<128xi32, #tpu.memory_space<vmem>>) semaphore(%run_scoped3A_100 : memref<!tpu.dma_semaphore, #tpu.memory_space<semaphore_mem>>) {add = true}
            %dma_wait3A_107 = arith.constant 0 : i32
            %dma_wait3A_108 = tpu.memref_slice %arg12[%add3A_99, %dma_wait3A_107] : memref<158x128xi32, #tpu.memory_space<vmem>> -> memref<1x128xi32, #tpu.memory_space<vmem>>
            %dma_wait3A_109 = tpu.memref_squeeze %dma_wait3A_108 : memref<1x128xi32, #tpu.memory_space<vmem>> -> memref<128xi32, #tpu.memory_space<vmem>>
            %dma_wait3A_110 = arith.constant 0 : i32
            %dma_wait3A_111 = arith.constant 0 : i32
            %dma_wait3A_112 = tpu.memref_slice %arg21[%dma_wait3A_110, %dma_wait3A_111] : memref<11024x16xf32, #tpu.memory_space<vmem_shared>> -> memref<11024x16xf32, #tpu.memory_space<vmem_shared>>
            tpu.wait_indirect_dma semaphore(%run_scoped3A_100 : memref<!tpu.dma_semaphore, #tpu.memory_space<semaphore_mem>>) src(%arg20 : memref<128x16xf32, #tpu.memory_space<vmem>>) dst(%dma_wait3A_112 : memref<11024x16xf32, #tpu.memory_space<vmem_shared>>)
            tpu.yield
          }) : () -> ()
        } else {
        }
        %add3A_58 = arith.constant 0 : i32
        %add3A_59 = arith.addi %add3A_39, %add3A_58 : i32
        %add3A_60 = arith.constant 2 : i32
        %add3A_61 = arith.addi %add3A_59, %add3A_60 : i32
        %lt3A_62 = arith.constant 158 : i32
        %lt3A_63 = arith.cmpi slt, %add3A_61, %lt3A_62 : i32
        %convert_element_type3A_64 = arith.extui %lt3A_63 : i1 to i32
        %cond3A_65 = arith.constant 0 : i32
        %cond3A_66 = arith.cmpi ne, %convert_element_type3A_64, %cond3A_65 : i32
        scf.if %cond3A_66 {
          %add3A_98 = arith.constant 0 : i32
          %add3A_99 = arith.addi %add3A_39, %add3A_98 : i32
          %add3A_100 = arith.constant 2 : i32
          %add3A_101 = arith.addi %add3A_99, %add3A_100 : i32
          %dma_start3A_102 = arith.constant 0 : i32
          %dma_start3A_103 = tpu.memref_slice %arg11[%add3A_101, %dma_start3A_102] : memref<158x128xi32, #tpu.memory_space<vmem>> -> memref<1x128xi32, #tpu.memory_space<vmem>>
          %dma_start3A_104 = tpu.memref_squeeze %dma_start3A_103 : memref<1x128xi32, #tpu.memory_space<vmem>> -> memref<128xi32, #tpu.memory_space<vmem>>
          %dma_start3A_105 = arith.constant 0 : i32
          %dma_start3A_106 = arith.constant 0 : i32
          %dma_start3A_107 = tpu.memref_slice %arg3[%dma_start3A_105, %dma_start3A_106] : memref<10000x64xf32, #tpu.memory_space<hbm>> -> memref<10000x64xf32, #tpu.memory_space<hbm>>
          tpu.enqueue_indirect_dma source(%dma_start3A_107 : memref<10000x64xf32, #tpu.memory_space<hbm>>) target(%arg13 : memref<128x64xf32, #tpu.memory_space<vmem>>) offsets(%dma_start3A_104 : memref<128xi32, #tpu.memory_space<vmem>>) semaphore(%arg16 : memref<!tpu.dma_semaphore, #tpu.memory_space<semaphore_mem>>)
        } else {
        }
        %add3A_67 = arith.constant 1 : i32
        %add3A_68 = arith.addi %add3A_39, %add3A_67 : i32
        %dma_wait3A_69 = arith.constant 0 : i32
        %dma_wait3A_70 = tpu.memref_slice %arg11[%add3A_68, %dma_wait3A_69] : memref<158x128xi32, #tpu.memory_space<vmem>> -> memref<1x128xi32, #tpu.memory_space<vmem>>
        %dma_wait3A_71 = tpu.memref_squeeze %dma_wait3A_70 : memref<1x128xi32, #tpu.memory_space<vmem>> -> memref<128xi32, #tpu.memory_space<vmem>>
        %dma_wait3A_72 = arith.constant 0 : i32
        %dma_wait3A_73 = arith.constant 0 : i32
        %dma_wait3A_74 = tpu.memref_slice %arg3[%dma_wait3A_72, %dma_wait3A_73] : memref<10000x64xf32, #tpu.memory_space<hbm>> -> memref<10000x64xf32, #tpu.memory_space<hbm>>
        tpu.wait_indirect_dma semaphore(%arg17 : memref<!tpu.dma_semaphore, #tpu.memory_space<semaphore_mem>>) src(%dma_wait3A_74 : memref<10000x64xf32, #tpu.memory_space<hbm>>) dst(%arg14 : memref<128x64xf32, #tpu.memory_space<vmem>>)
        %add3A_75 = arith.constant 1 : i32
        %add3A_76 = arith.addi %add3A_39, %add3A_75 : i32
        "tpu.region"() ({
          %run_scoped3A_98 = tpu.sem_alloc : memref<!tpu.dma_semaphore, #tpu.memory_space<semaphore_mem>>
          %dma_start3A_99 = arith.constant 0 : i32
          %dma_start3A_100 = tpu.memref_slice %arg12[%add3A_76, %dma_start3A_99] : memref<158x128xi32, #tpu.memory_space<vmem>> -> memref<1x128xi32, #tpu.memory_space<vmem>>
          %dma_start3A_101 = tpu.memref_squeeze %dma_start3A_100 : memref<1x128xi32, #tpu.memory_space<vmem>> -> memref<128xi32, #tpu.memory_space<vmem>>
          %dma_start3A_102 = arith.constant 0 : i32
          %dma_start3A_103 = arith.constant 0 : i32
          %dma_start3A_104 = tpu.memref_slice %arg15[%dma_start3A_102, %dma_start3A_103] : memref<11024x64xf32, #tpu.memory_space<vmem_shared>> -> memref<11024x64xf32, #tpu.memory_space<vmem_shared>>
          tpu.enqueue_indirect_dma source(%arg14 : memref<128x64xf32, #tpu.memory_space<vmem>>) target(%dma_start3A_104 : memref<11024x64xf32, #tpu.memory_space<vmem_shared>>) offsets(%dma_start3A_101 : memref<128xi32, #tpu.memory_space<vmem>>) semaphore(%run_scoped3A_98 : memref<!tpu.dma_semaphore, #tpu.memory_space<semaphore_mem>>) {add = true}
          %dma_wait3A_105 = arith.constant 0 : i32
          %dma_wait3A_106 = tpu.memref_slice %arg12[%add3A_76, %dma_wait3A_105] : memref<158x128xi32, #tpu.memory_space<vmem>> -> memref<1x128xi32, #tpu.memory_space<vmem>>
          %dma_wait3A_107 = tpu.memref_squeeze %dma_wait3A_106 : memref<1x128xi32, #tpu.memory_space<vmem>> -> memref<128xi32, #tpu.memory_space<vmem>>
          %dma_wait3A_108 = arith.constant 0 : i32
          %dma_wait3A_109 = arith.constant 0 : i32
          %dma_wait3A_110 = tpu.memref_slice %arg15[%dma_wait3A_108, %dma_wait3A_109] : memref<11024x64xf32, #tpu.memory_space<vmem_shared>> -> memref<11024x64xf32, #tpu.memory_space<vmem_shared>>
          tpu.wait_indirect_dma semaphore(%run_scoped3A_98 : memref<!tpu.dma_semaphore, #tpu.memory_space<semaphore_mem>>) src(%arg14 : memref<128x64xf32, #tpu.memory_space<vmem>>) dst(%dma_wait3A_110 : memref<11024x64xf32, #tpu.memory_space<vmem_shared>>)
          tpu.yield
        }) : () -> ()
        %add3A_77 = arith.constant 1 : i32
        %add3A_78 = arith.addi %add3A_39, %add3A_77 : i32
        %ge3A_79 = arith.constant 79 : i32
        %ge3A_80 = arith.cmpi sge, %add3A_78, %ge3A_79 : i32
        %add3A_81 = arith.constant 1 : i32
        %add3A_82 = arith.addi %add3A_39, %add3A_81 : i32
        %lt3A_83 = arith.constant 158 : i32
        %lt3A_84 = arith.cmpi slt, %add3A_82, %lt3A_83 : i32
        %and3A_85 = arith.andi %ge3A_80, %lt3A_84 : i1
        %convert_element_type3A_86 = arith.extui %and3A_85 : i1 to i32
        %cond3A_87 = arith.constant 0 : i32
        %cond3A_88 = arith.cmpi ne, %convert_element_type3A_86, %cond3A_87 : i32
        scf.if %cond3A_88 {
          %add3A_98 = arith.constant 1 : i32
          %add3A_99 = arith.addi %add3A_39, %add3A_98 : i32
          "tpu.region"() ({
            %run_scoped3A_100 = tpu.sem_alloc : memref<!tpu.dma_semaphore, #tpu.memory_space<semaphore_mem>>
            %dma_start3A_101 = arith.constant 0 : i32
            %dma_start3A_102 = tpu.memref_slice %arg12[%add3A_99, %dma_start3A_101] : memref<158x128xi32, #tpu.memory_space<vmem>> -> memref<1x128xi32, #tpu.memory_space<vmem>>
            %dma_start3A_103 = tpu.memref_squeeze %dma_start3A_102 : memref<1x128xi32, #tpu.memory_space<vmem>> -> memref<128xi32, #tpu.memory_space<vmem>>
            %dma_start3A_104 = arith.constant 0 : i32
            %dma_start3A_105 = arith.constant 0 : i32
            %dma_start3A_106 = tpu.memref_slice %arg21[%dma_start3A_104, %dma_start3A_105] : memref<11024x16xf32, #tpu.memory_space<vmem_shared>> -> memref<11024x16xf32, #tpu.memory_space<vmem_shared>>
            tpu.enqueue_indirect_dma source(%arg20 : memref<128x16xf32, #tpu.memory_space<vmem>>) target(%dma_start3A_106 : memref<11024x16xf32, #tpu.memory_space<vmem_shared>>) offsets(%dma_start3A_103 : memref<128xi32, #tpu.memory_space<vmem>>) semaphore(%run_scoped3A_100 : memref<!tpu.dma_semaphore, #tpu.memory_space<semaphore_mem>>) {add = true}
            %dma_wait3A_107 = arith.constant 0 : i32
            %dma_wait3A_108 = tpu.memref_slice %arg12[%add3A_99, %dma_wait3A_107] : memref<158x128xi32, #tpu.memory_space<vmem>> -> memref<1x128xi32, #tpu.memory_space<vmem>>
            %dma_wait3A_109 = tpu.memref_squeeze %dma_wait3A_108 : memref<1x128xi32, #tpu.memory_space<vmem>> -> memref<128xi32, #tpu.memory_space<vmem>>
            %dma_wait3A_110 = arith.constant 0 : i32
            %dma_wait3A_111 = arith.constant 0 : i32
            %dma_wait3A_112 = tpu.memref_slice %arg21[%dma_wait3A_110, %dma_wait3A_111] : memref<11024x16xf32, #tpu.memory_space<vmem_shared>> -> memref<11024x16xf32, #tpu.memory_space<vmem_shared>>
            tpu.wait_indirect_dma semaphore(%run_scoped3A_100 : memref<!tpu.dma_semaphore, #tpu.memory_space<semaphore_mem>>) src(%arg20 : memref<128x16xf32, #tpu.memory_space<vmem>>) dst(%dma_wait3A_112 : memref<11024x16xf32, #tpu.memory_space<vmem_shared>>)
            tpu.yield
          }) : () -> ()
        } else {
        }
        %add3A_89 = arith.constant 1 : i32
        %add3A_90 = arith.addi %add3A_39, %add3A_89 : i32
        %add3A_91 = arith.constant 2 : i32
        %add3A_92 = arith.addi %add3A_90, %add3A_91 : i32
        %lt3A_93 = arith.constant 158 : i32
        %lt3A_94 = arith.cmpi slt, %add3A_92, %lt3A_93 : i32
        %convert_element_type3A_95 = arith.extui %lt3A_94 : i1 to i32
        %cond3A_96 = arith.constant 0 : i32
        %cond3A_97 = arith.cmpi ne, %convert_element_type3A_95, %cond3A_96 : i32
        scf.if %cond3A_97 {
          %add3A_98 = arith.constant 1 : i32
          %add3A_99 = arith.addi %add3A_39, %add3A_98 : i32
          %add3A_100 = arith.constant 2 : i32
          %add3A_101 = arith.addi %add3A_99, %add3A_100 : i32
          %dma_start3A_102 = arith.constant 0 : i32
          %dma_start3A_103 = tpu.memref_slice %arg11[%add3A_101, %dma_start3A_102] : memref<158x128xi32, #tpu.memory_space<vmem>> -> memref<1x128xi32, #tpu.memory_space<vmem>>
          %dma_start3A_104 = tpu.memref_squeeze %dma_start3A_103 : memref<1x128xi32, #tpu.memory_space<vmem>> -> memref<128xi32, #tpu.memory_space<vmem>>
          %dma_start3A_105 = arith.constant 0 : i32
          %dma_start3A_106 = arith.constant 0 : i32
          %dma_start3A_107 = tpu.memref_slice %arg3[%dma_start3A_105, %dma_start3A_106] : memref<10000x64xf32, #tpu.memory_space<hbm>> -> memref<10000x64xf32, #tpu.memory_space<hbm>>
          tpu.enqueue_indirect_dma source(%dma_start3A_107 : memref<10000x64xf32, #tpu.memory_space<hbm>>) target(%arg14 : memref<128x64xf32, #tpu.memory_space<vmem>>) offsets(%dma_start3A_104 : memref<128xi32, #tpu.memory_space<vmem>>) semaphore(%arg17 : memref<!tpu.dma_semaphore, #tpu.memory_space<semaphore_mem>>)
        } else {
        }
      }
      %scan3A_26 = arith.constant 79 : i32
      %barrier3A_27 = arith.constant 0 : index
      tpu.barrier barrier_id(%barrier3A_27)
      %mul3A_28 = arith.constant 625 : i32
      %mul3A_29 = arith.muli %arg1, %mul3A_28 : i32
      %mul3A_30 = arith.constant 625 : i32
      %mul3A_31 = arith.muli %arg1, %mul3A_30 : i32
      "tpu.region"() ({
        %run_scoped3A_36 = tpu.sem_alloc : memref<!tpu.dma_semaphore, #tpu.memory_space<semaphore_mem>>
        %dma_start3A_37 = arith.constant 64 : i32
        %dma_start3A_38 = tpu.memref_slice %arg9[%mul3A_31, %dma_start3A_37] : memref<10000x128xf32, #tpu.memory_space<hbm>> -> memref<625x64xf32, #tpu.memory_space<hbm>>
        %dma_start3A_39 = arith.constant 0 : i32
        %dma_start3A_40 = tpu.memref_slice %arg15[%mul3A_29, %dma_start3A_39] : memref<11024x64xf32, #tpu.memory_space<vmem_shared>> -> memref<625x64xf32, #tpu.memory_space<vmem_shared>>
        tpu.enqueue_dma source(%dma_start3A_40 : memref<625x64xf32, #tpu.memory_space<vmem_shared>>) target(%dma_start3A_38 : memref<625x64xf32, #tpu.memory_space<hbm>>) target_semaphore(%run_scoped3A_36 : memref<!tpu.dma_semaphore, #tpu.memory_space<semaphore_mem>>)
        %dma_wait3A = arith.constant 64 : i32
        %dma_wait3A_41 = tpu.memref_slice %arg9[%mul3A_31, %dma_wait3A] : memref<10000x128xf32, #tpu.memory_space<hbm>> -> memref<625x64xf32, #tpu.memory_space<hbm>>
        %dma_wait3A_42 = arith.constant 0 : i32
        %dma_wait3A_43 = tpu.memref_slice %arg15[%mul3A_29, %dma_wait3A_42] : memref<11024x64xf32, #tpu.memory_space<vmem_shared>> -> memref<625x64xf32, #tpu.memory_space<vmem_shared>>
        tpu.wait_dma2 semaphore(%run_scoped3A_36 : memref<!tpu.dma_semaphore, #tpu.memory_space<semaphore_mem>>) src(%dma_wait3A_43 : memref<625x64xf32, #tpu.memory_space<vmem_shared>>) dst(%dma_wait3A_41 : memref<625x64xf32, #tpu.memory_space<hbm>>)
        tpu.yield
      }) : () -> ()
      %mul3A_32 = arith.constant 625 : i32
      %mul3A_33 = arith.muli %arg1, %mul3A_32 : i32
      %mul3A_34 = arith.constant 625 : i32
      %mul3A_35 = arith.muli %arg1, %mul3A_34 : i32
      %run_scoped3A = arith.constant 1 : i32
      "tpu.region"() ({
        %run_scoped3A_36 = tpu.sem_alloc : memref<!tpu.dma_semaphore, #tpu.memory_space<semaphore_mem>>
        %dma_start3A_37 = arith.constant 0 : i32
        %dma_start3A_38 = tpu.memref_slice %arg10[%run_scoped3A, %mul3A_35, %dma_start3A_37] : memref<2x10000x16xf32, #tpu.memory_space<hbm>> -> memref<1x625x16xf32, #tpu.memory_space<hbm>>
        %dma_start3A_39 = tpu.memref_squeeze %dma_start3A_38 : memref<1x625x16xf32, #tpu.memory_space<hbm>> -> memref<625x16xf32, #tpu.memory_space<hbm>>
        %dma_start3A_40 = arith.constant 0 : i32
        %dma_start3A_41 = tpu.memref_slice %arg21[%mul3A_33, %dma_start3A_40] : memref<11024x16xf32, #tpu.memory_space<vmem_shared>> -> memref<625x16xf32, #tpu.memory_space<vmem_shared>>
        tpu.enqueue_dma source(%dma_start3A_41 : memref<625x16xf32, #tpu.memory_space<vmem_shared>>) target(%dma_start3A_39 : memref<625x16xf32, #tpu.memory_space<hbm>>) target_semaphore(%run_scoped3A_36 : memref<!tpu.dma_semaphore, #tpu.memory_space<semaphore_mem>>)
        %dma_wait3A = arith.constant 0 : i32
        %dma_wait3A_42 = tpu.memref_slice %arg10[%run_scoped3A, %mul3A_35, %dma_wait3A] : memref<2x10000x16xf32, #tpu.memory_space<hbm>> -> memref<1x625x16xf32, #tpu.memory_space<hbm>>
        %dma_wait3A_43 = tpu.memref_squeeze %dma_wait3A_42 : memref<1x625x16xf32, #tpu.memory_space<hbm>> -> memref<625x16xf32, #tpu.memory_space<hbm>>
        %dma_wait3A_44 = arith.constant 0 : i32
        %dma_wait3A_45 = tpu.memref_slice %arg21[%mul3A_33, %dma_wait3A_44] : memref<11024x16xf32, #tpu.memory_space<vmem_shared>> -> memref<625x16xf32, #tpu.memory_space<vmem_shared>>
        tpu.wait_dma2 semaphore(%run_scoped3A_36 : memref<!tpu.dma_semaphore, #tpu.memory_space<semaphore_mem>>) src(%dma_wait3A_45 : memref<625x16xf32, #tpu.memory_space<vmem_shared>>) dst(%dma_wait3A_43 : memref<625x16xf32, #tpu.memory_space<hbm>>)
        tpu.yield
      }) : () -> ()
    } else {
    }
    return
  }
}

module attributes {stable_mosaic.version = 14 : i64} {
  func.func @body(%arg0: i32, %arg1: memref<1000x128xf32, #tpu.memory_space<vmem>>, %arg2: memref<128x256xf32, #tpu.memory_space<vmem>>, %arg3: memref<1x256xf32, #tpu.memory_space<vmem>>, %arg4: memref<1000x256xf32, #tpu.memory_space<vmem>>) attributes {dimension_semantics = [#tpu.dimension_semantics<arbitrary>], iteration_bounds = array<i64: 10>, scalar_prefetch = 0 : i64, scratch_operands = 0 : i64, tpu.core_type = #tpu.core_type<tc>, window_params = [{transform_indices = @transform_0, window_bounds = array<i64: 1000, 128>}, {pipeline_mode = #tpu.pipeline_mode<synchronous>, transform_indices = @transform_1, window_bounds = array<i64: 128, 256>}, {pipeline_mode = #tpu.pipeline_mode<synchronous>, transform_indices = @transform_2, window_bounds = array<i64: 1, 256>}, {transform_indices = @transform_3, window_bounds = array<i64: 1000, 256>}]} {
    %get3A = arith.constant 0 : index
    %get3A_0 = arith.constant 0 : index
    %get3A_1 = vector.load %arg1[%get3A, %get3A_0] : memref<1000x128xf32, #tpu.memory_space<vmem>>, vector<1000x128xf32>
    %get3A_2 = arith.constant 0 : index
    %get3A_3 = arith.constant 0 : index
    %get3A_4 = vector.load %arg2[%get3A_2, %get3A_3] : memref<128x256xf32, #tpu.memory_space<vmem>>, vector<128x256xf32>
    %dot_general3A = arith.constant dense<0.000000e+00> : vector<1000x256xf32>
    %dot_general3A_5 = tpu.matmul %get3A_1, %get3A_4, %dot_general3A {dimension_numbers = #tpu.dot_dimension_numbers<[1], [0], [0], [1], [0, 0, 1, 1], [], []>, transpose_lhs_hint = false} : vector<1000x128xf32>, vector<128x256xf32>, vector<1000x256xf32> -> vector<1000x256xf32>
    %get3A_6 = arith.constant 0 : index
    %get3A_7 = arith.constant 0 : index
    %get3A_8 = vector.load %arg3[%get3A_6, %get3A_7] : memref<1x256xf32, #tpu.memory_space<vmem>>, vector<1x256xf32>
    %add3A = vector.broadcast %get3A_8 : vector<1x256xf32> to vector<1000x256xf32>
    %add3A_9 = arith.addf %dot_general3A_5, %add3A : vector<1000x256xf32>
    %swap3A = arith.constant 0 : index
    %swap3A_10 = arith.constant 0 : index
    %swap3A_11 = vector.load %arg4[%swap3A, %swap3A_10] : memref<1000x256xf32, #tpu.memory_space<vmem>>, vector<1000x256xf32>
    tpu.vector_store %arg4[%swap3A, %swap3A_10], %add3A_9 {strides = array<i32>} : memref<1000x256xf32, #tpu.memory_space<vmem>>, vector<1000x256xf32>,
    return
  }
  func.func @transform_0(%arg0: i32) -> (i32, i32) {
    %c0_i32 = arith.constant 0 : i32
    %c0_i32_0 = arith.constant 0 : i32
    return %arg0, %c0_i32 : i32, i32
  }
  func.func @transform_1(%arg0: i32) -> (i32, i32) {
    %c0_i32 = arith.constant 0 : i32
    %c0_i32_0 = arith.constant 0 : i32
    %c0_i32_1 = arith.constant 0 : i32
    return %c0_i32, %c0_i32_0 : i32, i32
  }
  func.func @transform_2(%arg0: i32) -> (i32, i32) {
    %c0_i32 = arith.constant 0 : i32
    %c0_i32_0 = arith.constant 0 : i32
    %c0_i32_1 = arith.constant 0 : i32
    return %c0_i32, %c0_i32_0 : i32, i32
  }
  func.func @transform_3(%arg0: i32) -> (i32, i32) {
    %c0_i32 = arith.constant 0 : i32
    %c0_i32_0 = arith.constant 0 : i32
    return %arg0, %c0_i32 : i32, i32
  }
}

module attributes {stable_mosaic.version = 14 : i64} {
  func.func @body(%arg0: i32, %arg1: memref<1000x256xf32, #tpu.memory_space<vmem>>, %arg2: memref<1000x128xf32, #tpu.memory_space<vmem>>, %arg3: memref<1x1000x16xf32, #tpu.memory_space<vmem>>, %arg4: memref<1x1000x16xf32, #tpu.memory_space<vmem>>, %arg5: memref<128x256xf32, #tpu.memory_space<vmem>>, %arg6: memref<256x256xf32, #tpu.memory_space<vmem>>, %arg7: memref<1x256xf32, #tpu.memory_space<vmem>>, %arg8: memref<2x1000x128xf32, #tpu.memory_space<vmem>>, %arg9: memref<1000x256xf32, #tpu.memory_space<vmem>>) attributes {dimension_semantics = [#tpu.dimension_semantics<arbitrary>], iteration_bounds = array<i64: 10>, scalar_prefetch = 0 : i64, scratch_operands = 0 : i64, tpu.core_type = #tpu.core_type<tc>, window_params = [{transform_indices = @transform_0, window_bounds = array<i64: 1000, 256>}, {transform_indices = @transform_1, window_bounds = array<i64: 1000, 128>}, {transform_indices = @transform_2, window_bounds = array<i64: 1, 1000, 16>}, {transform_indices = @transform_3, window_bounds = array<i64: 1, 1000, 16>}, {pipeline_mode = #tpu.pipeline_mode<synchronous>, transform_indices = @transform_4, window_bounds = array<i64: 128, 256>}, {pipeline_mode = #tpu.pipeline_mode<synchronous>, transform_indices = @transform_5, window_bounds = array<i64: 256, 256>}, {pipeline_mode = #tpu.pipeline_mode<synchronous>, transform_indices = @transform_6, window_bounds = array<i64: 1, 256>}, {transform_indices = @transform_7, window_bounds = array<i64: 2, 1000, 128>}, {transform_indices = @transform_8, window_bounds = array<i64: 1000, 256>}]} {
    %get3A = arith.constant 0 : index
    %get3A_0 = arith.constant 0 : index
    %get3A_1 = arith.constant 0 : index
    %get3A_2 = vector.load %arg3[%get3A, %get3A_0, %get3A_1] : memref<1x1000x16xf32, #tpu.memory_space<vmem>>, vector<1x1000x16xf32>
    %slice3A = vector.extract_strided_slice %get3A_2 {offsets = [0, 0, 0], sizes = [1, 1000, 1], strides = [1, 1, 1]} : vector<1x1000x16xf32> to vector<1x1000x1xf32>
    %squeeze3A = vector.shape_cast %slice3A : vector<1x1000x1xf32> to vector<1000x1xf32>
    %get3A_3 = arith.constant 0 : index
    %get3A_4 = arith.constant 0 : index
    %get3A_5 = arith.constant 0 : index
    %get3A_6 = vector.load %arg4[%get3A_3, %get3A_4, %get3A_5] : memref<1x1000x16xf32, #tpu.memory_space<vmem>>, vector<1x1000x16xf32>
    %slice3A_7 = vector.extract_strided_slice %get3A_6 {offsets = [0, 0, 0], sizes = [1, 1000, 1], strides = [1, 1, 1]} : vector<1x1000x16xf32> to vector<1x1000x1xf32>
    %squeeze3A_8 = vector.shape_cast %slice3A_7 : vector<1x1000x1xf32> to vector<1000x1xf32>
    %add3A = arith.addf %squeeze3A, %squeeze3A_8 : vector<1000x1xf32>
    %max3A = arith.constant 1.000000e+00 : f32
    %max3A_9 = vector.broadcast %max3A : f32 to vector<1000x1xf32>
    %max3A_10 = arith.maximumf %add3A, %max3A_9 : vector<1000x1xf32>
    %div3A = arith.constant 1.000000e+00 : f32
    %div3A_11 = vector.broadcast %div3A : f32 to vector<1000x1xf32>
    %div3A_12 = arith.divf %div3A_11, %max3A_10 : vector<1000x1xf32>
    %get3A_13 = arith.constant 0 : index
    %get3A_14 = arith.constant 0 : index
    %get3A_15 = vector.load %arg1[%get3A_13, %get3A_14] : memref<1000x256xf32, #tpu.memory_space<vmem>>, vector<1000x256xf32>
    %get3A_16 = arith.constant 0 : index
    %get3A_17 = arith.constant 0 : index
    %get3A_18 = vector.load %arg2[%get3A_16, %get3A_17] : memref<1000x128xf32, #tpu.memory_space<vmem>>, vector<1000x128xf32>
    %mul3A = vector.broadcast %div3A_12 : vector<1000x1xf32> to vector<1000x128xf32>
    %mul3A_19 = arith.mulf %get3A_18, %mul3A : vector<1000x128xf32>
    %get3A_20 = arith.constant 0 : index
    %get3A_21 = arith.constant 0 : index
    %get3A_22 = vector.load %arg5[%get3A_20, %get3A_21] : memref<128x256xf32, #tpu.memory_space<vmem>>, vector<128x256xf32>
    %dot_general3A = arith.constant dense<0.000000e+00> : vector<1000x256xf32>
    %dot_general3A_23 = tpu.matmul %mul3A_19, %get3A_22, %dot_general3A {dimension_numbers = #tpu.dot_dimension_numbers<[1], [0], [0], [1], [0, 0, 1, 1], [], []>, transpose_lhs_hint = false} : vector<1000x128xf32>, vector<128x256xf32>, vector<1000x256xf32> -> vector<1000x256xf32>
    %add3A_24 = arith.addf %get3A_15, %dot_general3A_23 : vector<1000x256xf32>
    %max3A_25 = arith.constant 0.000000e+00 : f32
    %max3A_26 = vector.broadcast %max3A_25 : f32 to vector<1000x256xf32>
    %max3A_27 = arith.maximumf %add3A_24, %max3A_26 : vector<1000x256xf32>
    %slice3A_28 = vector.extract_strided_slice %max3A_27 {offsets = [0, 0], sizes = [1000, 128], strides = [1, 1]} : vector<1000x256xf32> to vector<1000x128xf32>
    %swap3A = arith.constant 0 : index
    %swap3A_29 = arith.constant 0 : index
    %swap3A_30 = arith.constant 0 : index
    %swap3A_31 = vector.load %arg8[%swap3A, %swap3A_29, %swap3A_30] : memref<2x1000x128xf32, #tpu.memory_space<vmem>>, vector<1x1000x128xf32>
    %swap3A_32 = vector.shape_cast %swap3A_31 : vector<1x1000x128xf32> to vector<1000x128xf32>
    %swap3A_33 = vector.shape_cast %slice3A_28 : vector<1000x128xf32> to vector<1x1000x128xf32>
    tpu.vector_store %arg8[%swap3A, %swap3A_29, %swap3A_30], %swap3A_33 {strides = array<i32>} : memref<2x1000x128xf32, #tpu.memory_space<vmem>>, vector<1x1000x128xf32>,
    %slice3A_34 = vector.extract_strided_slice %max3A_27 {offsets = [0, 128], sizes = [1000, 128], strides = [1, 1]} : vector<1000x256xf32> to vector<1000x128xf32>
    %swap3A_35 = arith.constant 1 : index
    %swap3A_36 = arith.constant 0 : index
    %swap3A_37 = arith.constant 0 : index
    %swap3A_38 = vector.load %arg8[%swap3A_35, %swap3A_36, %swap3A_37] : memref<2x1000x128xf32, #tpu.memory_space<vmem>>, vector<1x1000x128xf32>
    %swap3A_39 = vector.shape_cast %swap3A_38 : vector<1x1000x128xf32> to vector<1000x128xf32>
    %swap3A_40 = vector.shape_cast %slice3A_34 : vector<1000x128xf32> to vector<1x1000x128xf32>
    tpu.vector_store %arg8[%swap3A_35, %swap3A_36, %swap3A_37], %swap3A_40 {strides = array<i32>} : memref<2x1000x128xf32, #tpu.memory_space<vmem>>, vector<1x1000x128xf32>,
    %get3A_41 = arith.constant 0 : index
    %get3A_42 = arith.constant 0 : index
    %get3A_43 = vector.load %arg6[%get3A_41, %get3A_42] : memref<256x256xf32, #tpu.memory_space<vmem>>, vector<256x256xf32>
    %dot_general3A_44 = arith.constant dense<0.000000e+00> : vector<1000x256xf32>
    %dot_general3A_45 = tpu.matmul %max3A_27, %get3A_43, %dot_general3A_44 {dimension_numbers = #tpu.dot_dimension_numbers<[1], [0], [0], [1], [0, 0, 1, 1], [], []>, transpose_lhs_hint = false} : vector<1000x256xf32>, vector<256x256xf32>, vector<1000x256xf32> -> vector<1000x256xf32>
    %get3A_46 = arith.constant 0 : index
    %get3A_47 = arith.constant 0 : index
    %get3A_48 = vector.load %arg7[%get3A_46, %get3A_47] : memref<1x256xf32, #tpu.memory_space<vmem>>, vector<1x256xf32>
    %add3A_49 = vector.broadcast %get3A_48 : vector<1x256xf32> to vector<1000x256xf32>
    %add3A_50 = arith.addf %dot_general3A_45, %add3A_49 : vector<1000x256xf32>
    %swap3A_51 = arith.constant 0 : index
    %swap3A_52 = arith.constant 0 : index
    %swap3A_53 = vector.load %arg9[%swap3A_51, %swap3A_52] : memref<1000x256xf32, #tpu.memory_space<vmem>>, vector<1000x256xf32>
    tpu.vector_store %arg9[%swap3A_51, %swap3A_52], %add3A_50 {strides = array<i32>} : memref<1000x256xf32, #tpu.memory_space<vmem>>, vector<1000x256xf32>,
    return
  }
  func.func @transform_0(%arg0: i32) -> (i32, i32) {
    %c0_i32 = arith.constant 0 : i32
    %c0_i32_0 = arith.constant 0 : i32
    return %arg0, %c0_i32 : i32, i32
  }
  func.func @transform_1(%arg0: i32) -> (i32, i32) {
    %c0_i32 = arith.constant 0 : i32
    %c0_i32_0 = arith.constant 0 : i32
    return %arg0, %c0_i32 : i32, i32
  }
  func.func @transform_2(%arg0: i32) -> (i32, i32, i32) {
    %c0_i32 = arith.constant 0 : i32
    %c0_i32_0 = arith.constant 0 : i32
    %c0_i32_1 = arith.constant 0 : i32
    return %c0_i32, %arg0, %c0_i32_0 : i32, i32, i32
  }
  func.func @transform_3(%arg0: i32) -> (i32, i32, i32) {
    %c1_i32 = arith.constant 1 : i32
    %c0_i32 = arith.constant 0 : i32
    %c0_i32_0 = arith.constant 0 : i32
    return %c1_i32, %arg0, %c0_i32 : i32, i32, i32
  }
  func.func @transform_4(%arg0: i32) -> (i32, i32) {
    %c0_i32 = arith.constant 0 : i32
    %c0_i32_0 = arith.constant 0 : i32
    %c0_i32_1 = arith.constant 0 : i32
    return %c0_i32, %c0_i32_0 : i32, i32
  }
  func.func @transform_5(%arg0: i32) -> (i32, i32) {
    %c0_i32 = arith.constant 0 : i32
    %c0_i32_0 = arith.constant 0 : i32
    %c0_i32_1 = arith.constant 0 : i32
    return %c0_i32, %c0_i32_0 : i32, i32
  }
  func.func @transform_6(%arg0: i32) -> (i32, i32) {
    %c0_i32 = arith.constant 0 : i32
    %c0_i32_0 = arith.constant 0 : i32
    %c0_i32_1 = arith.constant 0 : i32
    return %c0_i32, %c0_i32_0 : i32, i32
  }
  func.func @transform_7(%arg0: i32) -> (i32, i32, i32) {
    %c0_i32 = arith.constant 0 : i32
    %c0_i32_0 = arith.constant 0 : i32
    %c0_i32_1 = arith.constant 0 : i32
    return %c0_i32, %arg0, %c0_i32_0 : i32, i32, i32
  }
  func.func @transform_8(%arg0: i32) -> (i32, i32) {
    %c0_i32 = arith.constant 0 : i32
    %c0_i32_0 = arith.constant 0 : i32
    return %arg0, %c0_i32 : i32, i32
  }
}

module attributes {stable_mosaic.version = 14 : i64} {
  func.func @body(%arg0: i32, %arg1: memref<1000x256xf32, #tpu.memory_space<vmem>>, %arg2: memref<2x1000x128xf32, #tpu.memory_space<vmem>>, %arg3: memref<1x1000x16xf32, #tpu.memory_space<vmem>>, %arg4: memref<1x1000x16xf32, #tpu.memory_space<vmem>>, %arg5: memref<256x256xf32, #tpu.memory_space<vmem>>, %arg6: memref<256x64xf32, #tpu.memory_space<vmem>>, %arg7: memref<256x64xf32, #tpu.memory_space<vmem>>, %arg8: memref<1x64xf32, #tpu.memory_space<vmem>>, %arg9: memref<1000x64xf32, #tpu.memory_space<vmem>>, %arg10: memref<1000x64xf32, #tpu.memory_space<vmem>>) attributes {dimension_semantics = [#tpu.dimension_semantics<arbitrary>], iteration_bounds = array<i64: 10>, scalar_prefetch = 0 : i64, scratch_operands = 0 : i64, tpu.core_type = #tpu.core_type<tc>, window_params = [{transform_indices = @transform_0, window_bounds = array<i64: 1000, 256>}, {transform_indices = @transform_1, window_bounds = array<i64: 2, 1000, 128>}, {transform_indices = @transform_2, window_bounds = array<i64: 1, 1000, 16>}, {transform_indices = @transform_3, window_bounds = array<i64: 1, 1000, 16>}, {pipeline_mode = #tpu.pipeline_mode<synchronous>, transform_indices = @transform_4, window_bounds = array<i64: 256, 256>}, {pipeline_mode = #tpu.pipeline_mode<synchronous>, transform_indices = @transform_5, window_bounds = array<i64: 256, 64>}, {pipeline_mode = #tpu.pipeline_mode<synchronous>, transform_indices = @transform_6, window_bounds = array<i64: 256, 64>}, {pipeline_mode = #tpu.pipeline_mode<synchronous>, transform_indices = @transform_7, window_bounds = array<i64: 1, 64>}, {transform_indices = @transform_8, window_bounds = array<i64: 1000, 64>}, {transform_indices = @transform_9, window_bounds = array<i64: 1000, 64>}]} {
    %get3A = arith.constant 0 : index
    %get3A_0 = arith.constant 0 : index
    %get3A_1 = arith.constant 0 : index
    %get3A_2 = vector.load %arg3[%get3A, %get3A_0, %get3A_1] : memref<1x1000x16xf32, #tpu.memory_space<vmem>>, vector<1x1000x16xf32>
    %slice3A = vector.extract_strided_slice %get3A_2 {offsets = [0, 0, 0], sizes = [1, 1000, 1], strides = [1, 1, 1]} : vector<1x1000x16xf32> to vector<1x1000x1xf32>
    %squeeze3A = vector.shape_cast %slice3A : vector<1x1000x1xf32> to vector<1000x1xf32>
    %get3A_3 = arith.constant 0 : index
    %get3A_4 = arith.constant 0 : index
    %get3A_5 = arith.constant 0 : index
    %get3A_6 = vector.load %arg4[%get3A_3, %get3A_4, %get3A_5] : memref<1x1000x16xf32, #tpu.memory_space<vmem>>, vector<1x1000x16xf32>
    %slice3A_7 = vector.extract_strided_slice %get3A_6 {offsets = [0, 0, 0], sizes = [1, 1000, 1], strides = [1, 1, 1]} : vector<1x1000x16xf32> to vector<1x1000x1xf32>
    %squeeze3A_8 = vector.shape_cast %slice3A_7 : vector<1x1000x1xf32> to vector<1000x1xf32>
    %add3A = arith.addf %squeeze3A, %squeeze3A_8 : vector<1000x1xf32>
    %max3A = arith.constant 1.000000e+00 : f32
    %max3A_9 = vector.broadcast %max3A : f32 to vector<1000x1xf32>
    %max3A_10 = arith.maximumf %add3A, %max3A_9 : vector<1000x1xf32>
    %div3A = arith.constant 1.000000e+00 : f32
    %div3A_11 = vector.broadcast %div3A : f32 to vector<1000x1xf32>
    %div3A_12 = arith.divf %div3A_11, %max3A_10 : vector<1000x1xf32>
    %get3A_13 = arith.constant 0 : index
    %get3A_14 = arith.constant 0 : index
    %get3A_15 = arith.constant 0 : index
    %get3A_16 = vector.load %arg2[%get3A_13, %get3A_14, %get3A_15] : memref<2x1000x128xf32, #tpu.memory_space<vmem>>, vector<1x1000x128xf32>
    %get3A_17 = vector.shape_cast %get3A_16 : vector<1x1000x128xf32> to vector<1000x128xf32>
    %get3A_18 = arith.constant 1 : index
    %get3A_19 = arith.constant 0 : index
    %get3A_20 = arith.constant 0 : index
    %get3A_21 = vector.load %arg2[%get3A_18, %get3A_19, %get3A_20] : memref<2x1000x128xf32, #tpu.memory_space<vmem>>, vector<1x1000x128xf32>
    %get3A_22 = vector.shape_cast %get3A_21 : vector<1x1000x128xf32> to vector<1000x128xf32>
    %concatenate3A = tpu.concatenate %get3A_17, %get3A_22 in 1 : vector<1000x128xf32>, vector<1000x128xf32> -> vector<1000x256xf32>
    %mul3A = vector.broadcast %div3A_12 : vector<1000x1xf32> to vector<1000x256xf32>
    %mul3A_23 = arith.mulf %concatenate3A, %mul3A : vector<1000x256xf32>
    %get3A_24 = arith.constant 0 : index
    %get3A_25 = arith.constant 0 : index
    %get3A_26 = vector.load %arg1[%get3A_24, %get3A_25] : memref<1000x256xf32, #tpu.memory_space<vmem>>, vector<1000x256xf32>
    %get3A_27 = arith.constant 0 : index
    %get3A_28 = arith.constant 0 : index
    %get3A_29 = vector.load %arg5[%get3A_27, %get3A_28] : memref<256x256xf32, #tpu.memory_space<vmem>>, vector<256x256xf32>
    %dot_general3A = arith.constant dense<0.000000e+00> : vector<1000x256xf32>
    %dot_general3A_30 = tpu.matmul %mul3A_23, %get3A_29, %dot_general3A {dimension_numbers = #tpu.dot_dimension_numbers<[1], [0], [0], [1], [0, 0, 1, 1], [], []>, transpose_lhs_hint = false} : vector<1000x256xf32>, vector<256x256xf32>, vector<1000x256xf32> -> vector<1000x256xf32>
    %add3A_31 = arith.addf %get3A_26, %dot_general3A_30 : vector<1000x256xf32>
    %max3A_32 = arith.constant 0.000000e+00 : f32
    %max3A_33 = vector.broadcast %max3A_32 : f32 to vector<1000x256xf32>
    %max3A_34 = arith.maximumf %add3A_31, %max3A_33 : vector<1000x256xf32>
    %get3A_35 = arith.constant 0 : index
    %get3A_36 = arith.constant 0 : index
    %get3A_37 = vector.load %arg6[%get3A_35, %get3A_36] : memref<256x64xf32, #tpu.memory_space<vmem>>, vector<256x64xf32>
    %dot_general3A_38 = arith.constant dense<0.000000e+00> : vector<1000x64xf32>
    %dot_general3A_39 = tpu.matmul %max3A_34, %get3A_37, %dot_general3A_38 {dimension_numbers = #tpu.dot_dimension_numbers<[1], [0], [0], [1], [0, 0, 1, 1], [], []>, transpose_lhs_hint = false} : vector<1000x256xf32>, vector<256x64xf32>, vector<1000x64xf32> -> vector<1000x64xf32>
    %swap3A = arith.constant 0 : index
    %swap3A_40 = arith.constant 0 : index
    %swap3A_41 = vector.load %arg9[%swap3A, %swap3A_40] : memref<1000x64xf32, #tpu.memory_space<vmem>>, vector<1000x64xf32>
    tpu.vector_store %arg9[%swap3A, %swap3A_40], %dot_general3A_39 {strides = array<i32>} : memref<1000x64xf32, #tpu.memory_space<vmem>>, vector<1000x64xf32>,
    %get3A_42 = arith.constant 0 : index
    %get3A_43 = arith.constant 0 : index
    %get3A_44 = vector.load %arg7[%get3A_42, %get3A_43] : memref<256x64xf32, #tpu.memory_space<vmem>>, vector<256x64xf32>
    %dot_general3A_45 = arith.constant dense<0.000000e+00> : vector<1000x64xf32>
    %dot_general3A_46 = tpu.matmul %max3A_34, %get3A_44, %dot_general3A_45 {dimension_numbers = #tpu.dot_dimension_numbers<[1], [0], [0], [1], [0, 0, 1, 1], [], []>, transpose_lhs_hint = false} : vector<1000x256xf32>, vector<256x64xf32>, vector<1000x64xf32> -> vector<1000x64xf32>
    %get3A_47 = arith.constant 0 : index
    %get3A_48 = arith.constant 0 : index
    %get3A_49 = vector.load %arg8[%get3A_47, %get3A_48] : memref<1x64xf32, #tpu.memory_space<vmem>>, vector<1x64xf32>
    %add3A_50 = vector.broadcast %get3A_49 : vector<1x64xf32> to vector<1000x64xf32>
    %add3A_51 = arith.addf %dot_general3A_46, %add3A_50 : vector<1000x64xf32>
    %swap3A_52 = arith.constant 0 : index
    %swap3A_53 = arith.constant 0 : index
    %swap3A_54 = vector.load %arg10[%swap3A_52, %swap3A_53] : memref<1000x64xf32, #tpu.memory_space<vmem>>, vector<1000x64xf32>
    tpu.vector_store %arg10[%swap3A_52, %swap3A_53], %add3A_51 {strides = array<i32>} : memref<1000x64xf32, #tpu.memory_space<vmem>>, vector<1000x64xf32>,
    return
  }
  func.func @transform_0(%arg0: i32) -> (i32, i32) {
    %c0_i32 = arith.constant 0 : i32
    %c0_i32_0 = arith.constant 0 : i32
    return %arg0, %c0_i32 : i32, i32
  }
  func.func @transform_1(%arg0: i32) -> (i32, i32, i32) {
    %c0_i32 = arith.constant 0 : i32
    %c0_i32_0 = arith.constant 0 : i32
    %c0_i32_1 = arith.constant 0 : i32
    return %c0_i32, %arg0, %c0_i32_0 : i32, i32, i32
  }
  func.func @transform_2(%arg0: i32) -> (i32, i32, i32) {
    %c0_i32 = arith.constant 0 : i32
    %c0_i32_0 = arith.constant 0 : i32
    %c0_i32_1 = arith.constant 0 : i32
    return %c0_i32, %arg0, %c0_i32_0 : i32, i32, i32
  }
  func.func @transform_3(%arg0: i32) -> (i32, i32, i32) {
    %c1_i32 = arith.constant 1 : i32
    %c0_i32 = arith.constant 0 : i32
    %c0_i32_0 = arith.constant 0 : i32
    return %c1_i32, %arg0, %c0_i32 : i32, i32, i32
  }
  func.func @transform_4(%arg0: i32) -> (i32, i32) {
    %c0_i32 = arith.constant 0 : i32
    %c0_i32_0 = arith.constant 0 : i32
    %c0_i32_1 = arith.constant 0 : i32
    return %c0_i32, %c0_i32_0 : i32, i32
  }
  func.func @transform_5(%arg0: i32) -> (i32, i32) {
    %c0_i32 = arith.constant 0 : i32
    %c0_i32_0 = arith.constant 0 : i32
    %c0_i32_1 = arith.constant 0 : i32
    return %c0_i32, %c0_i32_0 : i32, i32
  }
  func.func @transform_6(%arg0: i32) -> (i32, i32) {
    %c0_i32 = arith.constant 0 : i32
    %c0_i32_0 = arith.constant 0 : i32
    %c0_i32_1 = arith.constant 0 : i32
    return %c0_i32, %c0_i32_0 : i32, i32
  }
  func.func @transform_7(%arg0: i32) -> (i32, i32) {
    %c0_i32 = arith.constant 0 : i32
    %c0_i32_0 = arith.constant 0 : i32
    %c0_i32_1 = arith.constant 0 : i32
    return %c0_i32, %c0_i32_0 : i32, i32
  }
  func.func @transform_8(%arg0: i32) -> (i32, i32) {
    %c0_i32 = arith.constant 0 : i32
    %c0_i32_0 = arith.constant 0 : i32
    return %arg0, %c0_i32 : i32, i32
  }
  func.func @transform_9(%arg0: i32) -> (i32, i32) {
    %c0_i32 = arith.constant 0 : i32
    %c0_i32_0 = arith.constant 0 : i32
    return %arg0, %c0_i32 : i32, i32
  }
}

module attributes {stable_mosaic.version = 14 : i64} {
  func.func @body(%arg0: i32, %arg1: memref<1000x64xf32, #tpu.memory_space<vmem>>, %arg2: memref<1000x64xf32, #tpu.memory_space<vmem>>, %arg3: memref<1x1000x16xf32, #tpu.memory_space<vmem>>, %arg4: memref<1x1000x16xf32, #tpu.memory_space<vmem>>, %arg5: memref<1000x64xf32, #tpu.memory_space<vmem>>) attributes {dimension_semantics = [#tpu.dimension_semantics<arbitrary>], iteration_bounds = array<i64: 10>, scalar_prefetch = 0 : i64, scratch_operands = 0 : i64, tpu.core_type = #tpu.core_type<tc>, window_params = [{transform_indices = @transform_0, window_bounds = array<i64: 1000, 64>}, {transform_indices = @transform_1, window_bounds = array<i64: 1000, 64>}, {transform_indices = @transform_2, window_bounds = array<i64: 1, 1000, 16>}, {transform_indices = @transform_3, window_bounds = array<i64: 1, 1000, 16>}, {transform_indices = @transform_4, window_bounds = array<i64: 1000, 64>}]} {
    %get3A = arith.constant 0 : index
    %get3A_0 = arith.constant 0 : index
    %get3A_1 = arith.constant 0 : index
    %get3A_2 = vector.load %arg3[%get3A, %get3A_0, %get3A_1] : memref<1x1000x16xf32, #tpu.memory_space<vmem>>, vector<1x1000x16xf32>
    %slice3A = vector.extract_strided_slice %get3A_2 {offsets = [0, 0, 0], sizes = [1, 1000, 1], strides = [1, 1, 1]} : vector<1x1000x16xf32> to vector<1x1000x1xf32>
    %squeeze3A = vector.shape_cast %slice3A : vector<1x1000x1xf32> to vector<1000x1xf32>
    %get3A_3 = arith.constant 0 : index
    %get3A_4 = arith.constant 0 : index
    %get3A_5 = arith.constant 0 : index
    %get3A_6 = vector.load %arg4[%get3A_3, %get3A_4, %get3A_5] : memref<1x1000x16xf32, #tpu.memory_space<vmem>>, vector<1x1000x16xf32>
    %slice3A_7 = vector.extract_strided_slice %get3A_6 {offsets = [0, 0, 0], sizes = [1, 1000, 1], strides = [1, 1, 1]} : vector<1x1000x16xf32> to vector<1x1000x1xf32>
    %squeeze3A_8 = vector.shape_cast %slice3A_7 : vector<1x1000x1xf32> to vector<1000x1xf32>
    %add3A = arith.addf %squeeze3A, %squeeze3A_8 : vector<1000x1xf32>
    %max3A = arith.constant 1.000000e+00 : f32
    %max3A_9 = vector.broadcast %max3A : f32 to vector<1000x1xf32>
    %max3A_10 = arith.maximumf %add3A, %max3A_9 : vector<1000x1xf32>
    %div3A = arith.constant 1.000000e+00 : f32
    %div3A_11 = vector.broadcast %div3A : f32 to vector<1000x1xf32>
    %div3A_12 = arith.divf %div3A_11, %max3A_10 : vector<1000x1xf32>
    %get3A_13 = arith.constant 0 : index
    %get3A_14 = arith.constant 0 : index
    %get3A_15 = vector.load %arg1[%get3A_13, %get3A_14] : memref<1000x64xf32, #tpu.memory_space<vmem>>, vector<1000x64xf32>
    %get3A_16 = arith.constant 0 : index
    %get3A_17 = arith.constant 0 : index
    %get3A_18 = vector.load %arg2[%get3A_16, %get3A_17] : memref<1000x64xf32, #tpu.memory_space<vmem>>, vector<1000x64xf32>
    %mul3A = vector.broadcast %div3A_12 : vector<1000x1xf32> to vector<1000x64xf32>
    %mul3A_19 = arith.mulf %get3A_18, %mul3A : vector<1000x64xf32>
    %add3A_20 = arith.addf %get3A_15, %mul3A_19 : vector<1000x64xf32>
    %swap3A = arith.constant 0 : index
    %swap3A_21 = arith.constant 0 : index
    %swap3A_22 = vector.load %arg5[%swap3A, %swap3A_21] : memref<1000x64xf32, #tpu.memory_space<vmem>>, vector<1000x64xf32>
    tpu.vector_store %arg5[%swap3A, %swap3A_21], %add3A_20 {strides = array<i32>} : memref<1000x64xf32, #tpu.memory_space<vmem>>, vector<1000x64xf32>,
    return
  }
  func.func @transform_0(%arg0: i32) -> (i32, i32) {
    %c0_i32 = arith.constant 0 : i32
    %c0_i32_0 = arith.constant 0 : i32
    return %arg0, %c0_i32 : i32, i32
  }
  func.func @transform_1(%arg0: i32) -> (i32, i32) {
    %c0_i32 = arith.constant 0 : i32
    %c0_i32_0 = arith.constant 0 : i32
    return %arg0, %c0_i32 : i32, i32
  }
  func.func @transform_2(%arg0: i32) -> (i32, i32, i32) {
    %c0_i32 = arith.constant 0 : i32
    %c0_i32_0 = arith.constant 0 : i32
    %c0_i32_1 = arith.constant 0 : i32
    return %c0_i32, %arg0, %c0_i32_0 : i32, i32, i32
  }
  func.func @transform_3(%arg0: i32) -> (i32, i32, i32) {
    %c1_i32 = arith.constant 1 : i32
    %c0_i32 = arith.constant 0 : i32
    %c0_i32_0 = arith.constant 0 : i32
    return %c1_i32, %arg0, %c0_i32 : i32, i32, i32
  }
  func.func @transform_4(%arg0: i32) -> (i32, i32) {
    %c0_i32 = arith.constant 0 : i32
    %c0_i32_0 = arith.constant 0 : i32
    return %arg0, %c0_i32 : i32, i32
  }
}

</mosaic_0001>

<sc_bundles>
// kernel: closed_call.7.cloned.1.call-start
scs
__scs_entry_jumppad:
0x0: {  	(pc) =	sbr.rel $0x88, $3  }
0x1: {  	(tag) =	ssettag $0x0;
	lr =	simm.s32 $0x1  }
0x2: {  	[smem:$0x3F96] =	sst lr;
	_ =	strace $0xD0000000  }
0x3: {  	_ = 	snop  }
0x4: {  	_ = 	snop  }
0x5: {  	_ = 	snop  }
0x6: {  	_ = 	snop  }
0x7: {  	_ = 	snop  }
__scs_overlays_trampoline_lowered:
0x8: {  	[smem:$0x3FA5] =	sst s0  }
0x9: {  	[smem:$0x3FA6] =	sst s1  }
0xa: {  	[smem:$0x3FA7] =	sst s2  }
0xb: {  	[smem:$0x3FA8] =	sst s3  }
0xc: {  	[smem:$0x3FA9] =	sst s4  }
0xd: {  	[smem:$0x3FAA] =	sst s5  }
0xe: {  	[smem:$0x3FAB] =	sst s6  }
0xf: {  	[smem:$0x3FAC] =	sst s7  }
0x10: {  	[smem:$0x3FAD] =	sst s8  }
0x11: {  	[smem:$0x3FAE] =	sst s9;
	s0 =	simm.s32 @!p0 $0x0  }
0x12: {  	s1 =	sld [smem:$0x3F94];
	s0 =	simm.s32 @p0 $0x1  }
0x13: {  	[smem:$0x3FAF] =	sst s0;
	s0 =	simm.s32 @!p1 $0x0  }
0x14: {  	s2 =	sld [smem:$0x3F93];
	s0 =	simm.s32 @p1 $0x1  }
0x15: {  	[smem:$0x3FB0] =	sst s0;
	s0 =	simm.s32 @!p2 $0x0  }
0x16: {  	s3 =	sld [smem:$0x3FDB];
	s0 =	simm.s32 @p2 $0x1  }
0x17: {  	s4 =	simm.s32 $0x1BF5;
	[smem:$0x3FB2] =	sst s0  }
0x18: {  	s0 =	sld [smem:$0x3F95];
	_ =	swait.ge [sflag:s4], $0x0  }
0x19: {  	s7 =	sld [smem:$0x3F96]  }
0x1a: {  	s8 =	sadd.s32 $0xFFFFE003, lr  }
0x1b: {  	s9 =	sadd.s32 $0xFFFFFEF7, lr;
	s5 =	simm.s32 $0xFFFFFFFF;
	p2 =	slt.u32 s8, $0xFFFFF086  }
0x1c: {  	p1 =	slt.u32 s9, $0xF7A;
	s5 =	simm.s32 @!p2 $0x0  }
0x1d: {  	s5 =	simm.s32 @p1 $0x1;
	p0 =	seq.s32 s7, s2  }
0x1e: {  	s7 =	smul.u32 @!p0 $0xF7A, s2;
	p2 =	seq.s32 @!p0 s5, $0x0  }
0x1f: {  	s9 =	smul.u32 $0xF7A, s1;
	s8 =	simm.s32 @!p0 $0x1BF5;
	p2 =	por !p2, p0  }
0x20: {  	[sflag:s8] =	ssyncset.s32 @!p0 $0xFFFFF086;
	s6 =	sadd.s32 @!p0 s3, s7;
	s7 =	simm.s32 @!p0 $0x108  }
0x21: {  	s3 =	sadd.s32 s3, s9;
	s6 =	sadd.s32 @!p0 $0x88, s6;
	s7 =	simm.s32 @p2 $0x1082  }
0x22: {  	[simem:s7], [sflag:s8] =	dma.local @!p0 [hbm:s6], $0xF7A  }
0x23: {  	s9 =	sor.u32 $0xD0000000, s2;
	s6 =	simm.s32 $0x108;
	_ =	swait.ge @!p0 [sflag:s8], $0x0  }
0x24: {  	s3 =	sadd.s32 $0x88, s3;
	s6 =	simm.s32 @!p1 $0x1082;
	[sflag:s4] =	ssyncset.s32 $0xFFFFF086  }
0x25: {  	[simem:s6], [sflag:s4] =	dma.local [hbm:s3], $0xF7A  }
0x26: {  	[smem:$0x3F96] =	sst s1;
	(tag) =	ssettag s2;
	_ =	strace s9  }
0x27: {  	s1 =	sld [smem:$0x3FA6]  }
0x28: {  	s2 =	sld [smem:$0x3FA7]  }
0x29: {  	s4 =	sld [smem:$0x3FA9]  }
0x2a: {  	p0 =	seq.s32 s5, $0x0;
	s5 =	sld [smem:$0x3FAA]  }
0x2b: {  	s6 =	sld [smem:$0x3FAB]  }
0x2c: {  	s7 =	sld [smem:$0x3FAC]  }
0x2d: {  	s3 =	simm.s32 $0x108;
	s8 =	sld [smem:$0x3FAD]  }
0x2e: {  	s3 =	simm.s32 @!p0 $0x1082;
	s9 =	sld [smem:$0x3FAE]  }
0x2f: {  	lr =	sadd.s32 s0, s3;
	s0 =	sld [smem:$0x3FA5]  }
0x30: {  	s3 =	sld [smem:$0x3FA8]  }
0x31: {  	[smem:$0x3FB1] =	sst s10  }
0x32: {  	s10 =	sld [smem:$0x3FAF];
	_ =	sdelay $0x3  }
0x33: {  	p0 =	seq.s32 s10, $0x1;
	s10 =	sld [smem:$0x3FB1];
	_ =	sdelay $0x3  }
0x34: {  	[smem:$0x3FB1] =	sst s10  }
0x35: {  	s10 =	sld [smem:$0x3FB0];
	_ =	sdelay $0x3  }
0x36: {  	p1 =	seq.s32 s10, $0x1;
	s10 =	sld [smem:$0x3FB1];
	_ =	sdelay $0x3  }
0x37: {  	[smem:$0x3FB1] =	sst s10  }
0x38: {  	s10 =	sld [smem:$0x3FB2]  }
0x39: {  	_ = 	snop;
	(pc) =	sbr.ind lr, $3  }
0x3a: {  	_ = 	snop  }
0x3b: {  	_ = 	snop  }
0x3c: {  	p2 =	seq.s32 s10, $0x1;
	s10 =	sld [smem:$0x3FB1]  }
0x3d: {  	_ =	shalt  }
0x3e: {  	_ =	shalt  }
0x3f: {  	_ =	shalt  }
0x40: {  	_ =	shalt  }
0x41: {  	_ =	shalt  }
0x42: {  	_ =	shalt  }
0x43: {  	_ =	shalt  }
0x44: {  	_ =	shalt  }
0x45: {  	_ =	shalt  }
0x46: {  	_ =	shalt  }
0x47: {  	_ =	shalt  }
0x48: {  	_ =	shalt  }
0x49: {  	_ =	shalt  }
0x4a: {  	_ =	shalt  }
0x4b: {  	_ =	shalt  }
0x4c: {  	_ =	shalt  }
0x4d: {  	_ =	shalt  }
0x4e: {  	_ =	shalt  }
0x4f: {  	_ =	shalt  }
0x50: {  	_ =	shalt  }
0x51: {  	_ =	shalt  }
0x52: {  	_ =	shalt  }
0x53: {  	_ =	shalt  }
0x54: {  	_ =	shalt  }
0x55: {  	_ =	shalt  }
0x56: {  	_ =	shalt  }
0x57: {  	_ =	shalt  }
0x58: {  	_ =	shalt  }
0x59: {  	_ =	shalt  }
0x5a: {  	_ =	shalt  }
0x5b: {  	_ =	shalt  }
0x5c: {  	_ =	shalt  }
0x5d: {  	_ =	shalt  }
0x5e: {  	_ =	shalt  }
0x5f: {  	_ =	shalt  }
0x60: {  	_ =	shalt  }
0x61: {  	_ =	shalt  }
0x62: {  	_ =	shalt  }
0x63: {  	_ =	shalt  }
0x64: {  	_ =	shalt  }
0x65: {  	_ =	shalt  }
0x66: {  	_ =	shalt  }
0x67: {  	_ =	shalt  }
0x68: {  	_ =	shalt  }
0x69: {  	_ =	shalt  }
0x6a: {  	_ =	shalt  }
0x6b: {  	_ =	shalt  }
0x6c: {  	_ =	shalt  }
0x6d: {  	_ =	shalt  }
0x6e: {  	_ =	shalt  }
0x6f: {  	_ =	shalt  }
0x70: {  	_ =	shalt  }
0x71: {  	_ =	shalt  }
0x72: {  	_ =	shalt  }
0x73: {  	_ =	shalt  }
0x74: {  	_ =	shalt  }
0x75: {  	_ =	shalt  }
0x76: {  	_ =	shalt  }
0x77: {  	_ =	shalt  }
0x78: {  	_ =	shalt  }
0x79: {  	_ =	shalt  }
0x7a: {  	_ =	shalt  }
0x7b: {  	_ =	shalt  }
0x7c: {  	_ =	shalt  }
0x7d: {  	_ =	shalt  }
0x7e: {  	_ =	shalt  }
0x7f: {  	_ =	shalt  }
0x80: {  	_ =	shalt  }
0x81: {  	_ =	shalt  }
0x82: {  	_ =	shalt  }
0x83: {  	_ =	shalt  }
0x84: {  	_ =	shalt  }
0x85: {  	_ =	shalt  }
0x86: {  	_ =	shalt  }
0x87: {  	_ =	shalt  }
.Lfunc_end0:
.L_simem_size_0:
called_computation_lowered:
.L_overlay_start_0:
0x88: {  	s2 =	sld [smem:$0x3FD9]  }
0x89: {  	s3 =	sld [smem:$0x3FFE];
	_ =	sdelay $0x1  }
0x8a: {  	s1 =	srdreg.scid  }
0x8b: {  	s0 =	sand.u32 $0x1, s1  }
0x8c: {  	s17 =	sshll.u32 s0, $0xA;
	s2 =	sadd.s32 s3, s2  }
0x8d: {  	s2 =	sadd.s32 s2, s17  }
0x8e: {  	[smem:$0x3FBD] =	sst s2  }
0x8f: {  	_ = 	snop  }
0x90: {  	s2 =	sld [smem:$0x3FD0];
	(tm) =	ssettm $0x1  }
0x91: {  	s18 =	sld [smem:$0x3FFB];
	_ =	sdelay $0x3  }
0x92: {  	_ =	strace s18  }
0x93: {  	s3 =	sld [smem:$0x3FFC];
	_ =	sdelay $0x3  }
0x94: {  	_ =	strace s3  }
0x95: {  	s3 =	sld [smem:$0x3FFD];
	_ =	sdelay $0x3  }
0x96: {  	_ =	strace s3  }
0x97: {  	_ =	strace $0x8FFFFFFF  }
0x98: {  	s19 =	sld [smem:$0x3FDB];
	_ =	sdelay $0x1  }
0x99: {  	s4 =	simm.s32 $_scs_section_size  }
0x9a: {  	s5 =	simm.s32 $_size__tile_overlayer_lowered;
	s6 =	simm.s32 $_tile_overlayer_lowered  }
0x9b: {  	s22 =	simm.s32 $0x1BFF;
	s21 =	sshll.u32 s6, $0x1;
	s3 =	sadd.s32 s4, s19  }
0x9c: {  	s7 =	simm.s32 $0x0;
	s20 =	sshll.u32 s5, $0x1;
	s5 =	sadd.s32 s21, s3  }
0x9d: {  	[timem:s7], [sflag:s22] =	dma.local [hbm:s5], s20  }
0x9e: {  	_ =	swait.ge [sflag:s22], s20  }
0x9f: {  	s4 =	ssub.s32 $0x0, s20;
	[sflag:s22] =	ssyncset.done $0x0  }
0xa0: {  	[sflag:s22] =	ssyncadd.s32 s4;
	_ =	sdelay $0x1  }
0xa1: {  	s23 =	simm.s32 $0x1B8B  }
0xa2: {  	_ =	swait.ge [sflag:s23], $0x1  }
0xa3: {  	[sflag:s23] =	ssyncset.done $0x0  }
0xa4: {  	s25 =	simm.s32 $0x1B8E;
	s24 =	sld [smem:$0x3FFE];
	[sflag:s23] =	ssyncadd.s32 $0xFFFFFFFF  }
0xa5: {  	s26 =	simm.s32 $execute0_lowered;
	[smem:$0x3FD2] =	sst s25  }
0xa6: {  	s5 =	sshll.u32 s26, $0x1;
	_ =	strace $0x8000004C;
	[dreg:$0x1] =	wrdreg $0xFFFFFFFF  }
0xa7: {  	s28 =	simm.s32 $_size_execute0_lowered;
	s3 =	sadd.s32 s3, s5;
	[dreg:$0x0] =	wrdreg $0x0  }
0xa8: {  	s5 =	sshll.u32 s28, $0x1;
	[dreg:$0x2] =	wrdreg s3  }
0xa9: {  	[dreg:$0x3] =	wrdreg s5  }
0xaa: {  	[dreg:$0x4] =	wrdreg $0xC0  }
0xab: {  	_ =	task [dreg:s7], $0x5FFFF  }
0xac: {  	[dreg:$0x1] =	wrdreg $0xFFFFFFFF  }
0xad: {  	[dreg:$0x0] =	wrdreg $0x60  }
0xae: {  	[dreg:$0x2] =	wrdreg s2  }
0xaf: {  	[dreg:$0x3] =	wrdreg s24  }
0xb0: {  	[dreg:$0x4] =	wrdreg $0xDE000  }
0xb1: {  	[dreg:$0x5] =	wrdreg $0x9  }
0xb2: {  	_ =	task.clear_ibuf [dreg:s7], $0x6FFFF;
	_ =	strace $0x9000004C  }
0xb3: {  	s29 =	simm.s32 $0x9;
	_ =	strace $0x8000004E  }
0xb4: {  	_ =	swait.ge [sflag:s29], $0x1  }
0xb5: {  	[sflag:s29] =	ssyncadd.s32 $0xFFFFFFFF  }
0xb6: {  	_ =	strace $0x9000004E  }
0xb7: {  	_ =	sfence  }
0xb8: {  	s30 =	sld [smem:$0x0];
	_ =	sdelay $0x2  }
0xb9: {  	s31 =	sshll.u32 s1, $0xD;
	s1 =	sshrl.u32 s1, $0x2  }
0xba: {  	s3 =	sand.u32 $0x4000, s31;
	s1 =	sadd.s32 s1, s30  }
0xbb: {  	s0 =	sor.u32 s3, s0;
	s1 =	sshll.u32 s1, $0x11  }
0xbc: {  	s0 =	sor.u32 s1, s0  }
0xbd: {  	s0 =	sadd.s32 $0x8F2B, s0  }
0xbe: {  	[sflag:s0] =	ssyncadd.remote.s32 $0x1  }
0xbf: {  	_ =	sfence.sel $0xFFFF  }
0xc0: {  	[dreg:$0x0] =	wrdreg $0xFFFFFFFF;
	(pc) =	sbr.abs _section_cstart, $3  }
0xc1: {  	[dreg:$0x1] =	wrdreg $0xFFFFFFFF  }
0xc2: {  	_ =	task.clear_ibuf [dreg:s7], $0x2FFFF;
	_ =	strace $0x9FFFFFFF  }
0xc3: {  	(tm) =	ssettm $0x7FFFFFFF  }
tec
execute0_lowered:
.L_overlay_start_1:
0x0: {  	(tag) =	ssettag $0x1  }
0x1: {  	s1 =	rddreg [dreg:$0x0]  }
0x2: {  	s7 =	rddreg [dreg:$0x1]  }
0x3: {  	s3 =	rddreg [dreg:$0x2]  }
0x4: {  	s0 =	rddreg [dreg:$0x3];
	s4 =	simm.s32 $0x0  }
0x5: {  	s2 =	stileid.u32;
	s8 =	srdreg.scid;
	s16 =	simm.s32 $0x80  }
0x6: {  	s17 =	simm.s32 $0x9E00;
	s18 =	simm.s32 $0xBE00;
	s19 =	simm.s32 $0x1  }
0x7: {  	s20 =	simm.s32 $0x2;
	s21 =	simm.s32 $0x9D00;
	s22 =	simm.s32 $0x9D80  }
0x8: {  	s23 =	simm.s32 $0x10;
	s24 =	simm.s32 $0x8;
	s6 =	smul.u32 $0x9E0, s2  }
0x9: {  	s25 =	simm.s32 $0x0;
	[smem:$0x7FF] =	sst s4;
	s9 =	smul.u32 $0x2710, s2  }
0xa: {  	s5 =	sadd.s32 $0x2C200, s7;
	s8 =	sand.u32 $0x1, s8;
	s12 =	smul.u32 $0x27100, s2  }
0xb: {  	s14 =	sshll.u32 s2, $0x6;
	_ =	strace $0x8000004D;
	s11 =	ssub.s32 $0x2, s8  }
0xc: {  	p0 =	seq.s32 s8, $0x1;
	s14 =	sor.u32 $0x1C03, s14;
	s10 =	sadd.s32 s6, s7  }
.Ltmp0:
0xd: {  	s6 =	sadd.s32 $0xEA00, s7;
	s13 =	sadd.s32 s9, s7;
	(pc) =	sbr.rel .LBB2_1-.Ltmp0, $4  }
0xe: {  	s30 =	sshrl.u32 s11, $0x1;
	s31 =	sshrl.u32 s12, $0x2;
	s12 =	simm.s32 $0x3  }
0xf: {  	s11 =	ssub.s32 s11, s30;
	s7 =	sadd.s32 $0x4C00, s10;
	s8 =	sadd.s32 $0xC1000, s10  }
0x10: {  	s15 =	sadd.s32 s31, s3;
	s9 =	sadd.s32 $0xCCE00, s13;
	s10 =	sadd.s32 $0xCCE08, s13  }
0x11: {  	s13 =	simm.s32 $0x4F00;
	s11 =	smax.u32 s11, $0x1;
	s15 =	sshrl.u32 s15, $0x3  }
.LBB2_7:
0x12: {  	[tilespmem:s18], [sflag:$0x2] =	stream.indirect.gather [hbm4b:s5+s16], $0x40, s28, s16, $0xb8;
	[tilespmem:$0x18A40] =	vst v63  }
0x13: {  	s26 =	smov.u32 s10  }
.LBB2_8:
0x14: {  	_ =	swait.ge [sflag:s19], $0x2000  }
0x15: {  	[sflag:s19] =	ssyncset.done $0x0  }
0x16: {  	[sflag:s19] =	ssyncadd.s32 $0xFFFFE000  }
0x17: {  	[spmem:s3] =	stream.indirect.scatter.add.f32 [tilespmem:s17], [sflag:$0x3], $0x40, s21, s16, $0xb8;
	[tilespmem:$0x18A40] =	vst v63  }
0x18: {  	_ =	swait.ge [sflag:s12], $0x2000  }
0x19: {  	[sflag:s12] =	ssyncset.done $0x0  }
0x1a: {  	[sflag:s12] =	ssyncadd.s32 $0xFFFFE000  }
0x1b: {  	_ =	swait.ge [sflag:s20], $0x2000  }
0x1c: {  	[sflag:s20] =	ssyncset.done $0x0  }
0x1d: {  	[sflag:s20] =	ssyncadd.s32 $0xFFFFE000  }
0x1e: {  	[spmem:s3] =	stream.indirect.scatter.add.f32 [tilespmem:s18], [sflag:$0x3], $0x40, s22, s16, $0xb8;
	[tilespmem:$0x18A40] =	vst v63  }
0x1f: {  	_ =	swait.ge [sflag:s12], $0x2000  }
0x20: {  	s25 =	sadd.s32 $0x1, s25;
	[sflag:s12] =	ssyncset.done $0x0  }
0x21: {  	p1 =	sne.s32 s25, s11;
	[sflag:s12] =	ssyncadd.s32 $0xFFFFE000  }
.Ltmp1:
0x22: {  	[bflag:$0x0] =	sbarrier.arrive $0xFFFF;
	(pc) =	sbr.rel @!p1 .LBB2_9-.Ltmp1, $4  }
0x23: {  	[hbm:s26@s23], [sflag:s14] =	dma.strided [spmem:s15@s24], $0x1388, s19, $0x8   }
0x24: {  	_ =	swait.ge [sflag:s12], $0x1388  }
0x25: {  	[sflag:s12] =	ssyncset.done $0x0  }
0x26: {  	[sflag:s12] =	ssyncadd.s32 $0xFFFFEC78  }
.LBB2_1:
0x27: {  	[tilespmem:s4], [sflag:$0x3] =	stream.linear.gather [hbm4b:s7+s4], $0x4F00, $0x38;
	[tilespmem:$0x18A40] =	vst v63  }
0x28: {  	_ =	swait.ge [sflag:s12], $0x4F00  }
0x29: {  	[sflag:s12] =	ssyncset.done $0x0  }
0x2a: {  	[sflag:s12] =	ssyncadd.s32 $0xFFFFB100  }
0x2b: {  	[tilespmem:s13], [sflag:$0x3] =	stream.linear.gather [hbm4b:s8+s4], $0x4F00, $0x38;
	[tilespmem:$0x18A40] =	vst v63  }
0x2c: {  	_ =	swait.ge [sflag:s12], $0x4F00  }
0x2d: {  	[sflag:s12] =	ssyncset.done $0x0  }
0x2e: {  	[sflag:s12] =	ssyncadd.s32 $0xFFFFB100  }
0x2f: {  	[spmem:s15], [sflag:s14] =	dma.local [hbm:s6], $0x1388  }
.Ltmp2:
0x30: {  	_ =	swait.ge [sflag:s12], $0x1388;
	(pc) =	sbr.rel @!p0 .LBB2_2-.Ltmp2, $4  }
0x31: {  	[sflag:s12] =	ssyncset.done $0x0  }
0x32: {  	[sflag:s12] =	ssyncadd.s32 $0xFFFFEC78  }
0x33: {  	[bflag:$0x0] =	sbarrier.arrive $0xFFFF  }
0x34: {  	s26 =	simm.s32 $0x0  }
0x35: {  	[tilespmem:s17], [sflag:$0x1] =	stream.indirect.gather [hbm4b:s5+s16], $0x40, s26, s16, $0xb8;
	[tilespmem:$0x18A40] =	vst v63  }
0x36: {  	_ = 	snop  }
0x37: {  	[tilespmem:s18], [sflag:$0x2] =	stream.indirect.gather [hbm4b:s5+s16], $0x40, s16, s16, $0xb8;
	[tilespmem:$0x18A40] =	vst v63  }
0x38: {  	_ =	swait.ge [sflag:s19], $0x2000  }
0x39: {  	[sflag:s19] =	ssyncset.done $0x0  }
0x3a: {  	s29 =	simm.s32 $0x4F00;
	[sflag:s19] =	ssyncadd.s32 $0xFFFFE000  }
0x3b: {  	[spmem:s3] =	stream.indirect.scatter.add.f32 [tilespmem:s17], [sflag:$0x3], $0x40, s29, s16, $0xb8;
	[tilespmem:$0x18A40] =	vst v63  }
0x3c: {  	_ =	swait.ge [sflag:s12], $0x2000  }
0x3d: {  	[sflag:s12] =	ssyncset.done $0x0  }
0x3e: {  	s30 =	simm.s32 $0x100;
	[sflag:s12] =	ssyncadd.s32 $0xFFFFE000  }
0x3f: {  	[tilespmem:s17], [sflag:$0x1] =	stream.indirect.gather [hbm4b:s5+s16], $0x40, s30, s16, $0xb8;
	[tilespmem:$0x18A40] =	vst v63  }
0x40: {  	_ =	swait.ge [sflag:s20], $0x2000  }
0x41: {  	[sflag:s20] =	ssyncset.done $0x0  }
0x42: {  	s31 =	simm.s32 $0x4F80;
	[sflag:s20] =	ssyncadd.s32 $0xFFFFE000  }
0x43: {  	[spmem:s3] =	stream.indirect.scatter.add.f32 [tilespmem:s18], [sflag:$0x3], $0x40, s31, s16, $0xb8;
	[tilespmem:$0x18A40] =	vst v63  }
0x44: {  	_ =	swait.ge [sflag:s12], $0x2000  }
0x45: {  	[sflag:s12] =	ssyncset.done $0x0  }
0x46: {  	s26 =	simm.s32 $0x400;
	s28 =	simm.s32 $0x180;
	[sflag:s12] =	ssyncadd.s32 $0xFFFFE000  }
.LBB2_6:
0x47: {  	[tilespmem:s18], [sflag:$0x2] =	stream.indirect.gather [hbm4b:s5+s16], $0x40, s28, s16, $0xb8;
	[tilespmem:$0x18A40] =	vst v63  }
0x48: {  	s28 =	smov.u32 s26  }
0x49: {  	p1 =	sne.s32 s26, $0x13400;
	s26 =	sadd.s32 $0x400, s26;
	_ =	swait.ge [sflag:s19], $0x2000  }
0x4a: {  	s28 =	sshra.s32 s28, $0x2;
	[sflag:s19] =	ssyncset.done $0x0  }
0x4b: {  	s29 =	sadd.s32 $0x4F00, s28;
	[sflag:s19] =	ssyncadd.s32 $0xFFFFE000  }
0x4c: {  	[spmem:s3] =	stream.indirect.scatter.add.f32 [tilespmem:s17], [sflag:$0x3], $0x40, s29, s16, $0xb8;
	[tilespmem:$0x18A40] =	vst v63  }
0x4d: {  	_ =	swait.ge [sflag:s12], $0x2000  }
0x4e: {  	[sflag:s12] =	ssyncset.done $0x0  }
0x4f: {  	s29 =	sadd.s32 $0x100, s28;
	[sflag:s12] =	ssyncadd.s32 $0xFFFFE000  }
0x50: {  	[tilespmem:s17], [sflag:$0x1] =	stream.indirect.gather [hbm4b:s5+s16], $0x40, s29, s16, $0xb8;
	[tilespmem:$0x18A40] =	vst v63  }
0x51: {  	_ =	swait.ge [sflag:s20], $0x2000  }
0x52: {  	[sflag:s20] =	ssyncset.done $0x0  }
.Ltmp3:
0x53: {  	s29 =	sadd.s32 $0x4F80, s28;
	[sflag:s20] =	ssyncadd.s32 $0xFFFFE000;
	(pc) =	sbr.rel @p1 .LBB2_6-.Ltmp3, $4  }
0x54: {  	[spmem:s3] =	stream.indirect.scatter.add.f32 [tilespmem:s18], [sflag:$0x3], $0x40, s29, s16, $0xb8;
	[tilespmem:$0x18A40] =	vst v63  }
0x55: {  	_ =	swait.ge [sflag:s12], $0x2000  }
0x56: {  	[sflag:s12] =	ssyncset.done $0x0  }
0x57: {  	s28 =	sadd.s32 $0x180, s28;
	[sflag:s12] =	ssyncadd.s32 $0xFFFFE000  }
.Ltmp4:
0x58: {  	_ = 	snop;
	(pc) =	sbr.rel .LBB2_7-.Ltmp4, $1  }
0x59: {  	_ =	sdelay $0x3  }
.LBB2_2:
0x5a: {  	[tilespmem:s17], [sflag:$0x1] =	stream.indirect.gather [hbm4b:s1+s16], $0x40, s26, s16, $0xb8;
	[tilespmem:$0x18A40] =	vst v63  }
0x5b: {  	_ = 	snop  }
0x5c: {  	[tilespmem:s18], [sflag:$0x2] =	stream.indirect.gather [hbm4b:s1+s16], $0x40, s16, s16, $0xb8;
	[tilespmem:$0x18A40] =	vst v63  }
0x5d: {  	_ =	swait.ge [sflag:s19], $0x2000  }
0x5e: {  	[sflag:s19] =	ssyncset.done $0x0  }
0x5f: {  	s29 =	simm.s32 $0x4F00;
	[sflag:s19] =	ssyncadd.s32 $0xFFFFE000  }
0x60: {  	[spmem:s3] =	stream.indirect.scatter.add.f32 [tilespmem:s17], [sflag:$0x3], $0x40, s29, s16, $0xb8;
	[tilespmem:$0x18A40] =	vst v63  }
0x61: {  	_ =	swait.ge [sflag:s12], $0x2000  }
0x62: {  	[sflag:s12] =	ssyncset.done $0x0  }
0x63: {  	s30 =	simm.s32 $0x100;
	[sflag:s12] =	ssyncadd.s32 $0xFFFFE000  }
0x64: {  	[tilespmem:s17], [sflag:$0x1] =	stream.indirect.gather [hbm4b:s1+s16], $0x40, s30, s16, $0xb8;
	[tilespmem:$0x18A40] =	vst v63  }
0x65: {  	_ =	swait.ge [sflag:s20], $0x2000  }
0x66: {  	[sflag:s20] =	ssyncset.done $0x0  }
0x67: {  	s31 =	simm.s32 $0x4F80;
	[sflag:s20] =	ssyncadd.s32 $0xFFFFE000  }
0x68: {  	[spmem:s3] =	stream.indirect.scatter.add.f32 [tilespmem:s18], [sflag:$0x3], $0x40, s31, s16, $0xb8;
	[tilespmem:$0x18A40] =	vst v63  }
0x69: {  	_ =	swait.ge [sflag:s12], $0x2000  }
0x6a: {  	[sflag:s12] =	ssyncset.done $0x0  }
0x6b: {  	s26 =	simm.s32 $0x400;
	s28 =	simm.s32 $0x180;
	[sflag:s12] =	ssyncadd.s32 $0xFFFFE000  }
.LBB2_3:
0x6c: {  	[tilespmem:s18], [sflag:$0x2] =	stream.indirect.gather [hbm4b:s1+s16], $0x40, s28, s16, $0xb8;
	[tilespmem:$0x18A40] =	vst v63  }
0x6d: {  	s28 =	smov.u32 s26  }
0x6e: {  	p1 =	seq.s32 s26, $0x13400;
	s26 =	sadd.s32 $0x400, s26;
	_ =	swait.ge [sflag:s19], $0x2000  }
0x6f: {  	s28 =	sshra.s32 s28, $0x2;
	[sflag:s19] =	ssyncset.done $0x0  }
0x70: {  	s29 =	sadd.s32 $0x4F00, s28;
	[sflag:s19] =	ssyncadd.s32 $0xFFFFE000  }
0x71: {  	[spmem:s3] =	stream.indirect.scatter.add.f32 [tilespmem:s17], [sflag:$0x3], $0x40, s29, s16, $0xb8;
	[tilespmem:$0x18A40] =	vst v63  }
0x72: {  	_ =	swait.ge [sflag:s12], $0x2000  }
0x73: {  	[sflag:s12] =	ssyncset.done $0x0  }
0x74: {  	s29 =	sadd.s32 $0x100, s28;
	[sflag:s12] =	ssyncadd.s32 $0xFFFFE000  }
0x75: {  	[tilespmem:s17], [sflag:$0x1] =	stream.indirect.gather [hbm4b:s1+s16], $0x40, s29, s16, $0xb8;
	[tilespmem:$0x18A40] =	vst v63  }
0x76: {  	_ =	swait.ge [sflag:s20], $0x2000  }
0x77: {  	[sflag:s20] =	ssyncset.done $0x0  }
.Ltmp5:
0x78: {  	s29 =	sadd.s32 $0x4F80, s28;
	[sflag:s20] =	ssyncadd.s32 $0xFFFFE000;
	(pc) =	sbr.rel @!p1 .LBB2_3-.Ltmp5, $4  }
0x79: {  	[spmem:s3] =	stream.indirect.scatter.add.f32 [tilespmem:s18], [sflag:$0x3], $0x40, s29, s16, $0xb8;
	[tilespmem:$0x18A40] =	vst v63  }
0x7a: {  	_ =	swait.ge [sflag:s12], $0x2000  }
0x7b: {  	[sflag:s12] =	ssyncset.done $0x0  }
0x7c: {  	s28 =	sadd.s32 $0x180, s28;
	[sflag:s12] =	ssyncadd.s32 $0xFFFFE000  }
.Ltmp6:
0x7d: {  	(pc) =	sbr.rel .LBB2_8-.Ltmp6, $3  }
0x7e: {  	_ =	sdelay $0x1  }
0x7f: {  	[tilespmem:s18], [sflag:$0x2] =	stream.indirect.gather [hbm4b:s1+s16], $0x40, s28, s16, $0xb8;
	[tilespmem:$0x18A40] =	vst v63  }
0x80: {  	s26 =	smov.u32 s9  }
.LBB2_9:
0x81: {  	_ =	sfence.sel $0x180000  }
0x82: {  	[bflag:$0x0] =	sbarrier.arrive $0xFFFF  }
0x83: {  	p0 =	sne.s32 s2, $0x0;
	_ =	strace $0x9000004D  }
0x84: {  	s0 =	sadd.s32 @!p0 $0x100000, s0;
	[bflag:$0x2] =	sbarrier.arrive $0xFFFF  }
0x85: {  	[sflag:s0] =	ssyncadd.tile.s32 @!p0 $0x1;
	_ =	shalt  }
.Lfunc_end2:
_tile_overlayer_lowered:
.L_overlay_start_2:
0x86: {  	(tag) =	ssettag $0x2  }
0x87: {  	s0 =	rddreg [dreg:$0x0];
	s2 =	stileid.u32  }
0x88: {  	s1 =	rddreg [dreg:$0x1];
	p0 =	sne.s32 s2, $0x0  }
0x89: {  	s3 =	rddreg [dreg:$0x2];
	[bflag:$0x3] =	sbarrier.arrive $0xFFFF;
	s2 =	simm.s32 @!p0 $0x1C03  }
0x8a: {  	[timem:s3], [sflag:s2] =	dma.local @!p0 [hbm:s0], s1  }
0x8b: {  	s0 =	simm.s32 @!p0 $0x3  }
0x8c: {  	_ =	swait.ge @!p0 [sflag:s0], s1  }
0x8d: {  	s1 =	ssub.s32 @!p0 $0x0, s1;
	[sflag:s0] =	ssyncset.done @!p0 $0x0  }
0x8e: {  	[sflag:s0] =	ssyncadd.s32 @!p0 s1  }
0x8f: {  	[bflag:$0x3] =	sbarrier.arrive $0xFFFF  }
0x90: {  	_ =	shalt  }

// kernel: kernel.11.cloned.1.call-start
scs
__scs_entry_jumppad:
0x0: {  	(pc) =	sbr.rel $0x88, $3  }
0x1: {  	(tag) =	ssettag $0x0;
	lr =	simm.s32 $0x1  }
0x2: {  	[smem:$0x3F96] =	sst lr;
	_ =	strace $0xD0000000  }
0x3: {  	_ = 	snop  }
0x4: {  	_ = 	snop  }
0x5: {  	_ = 	snop  }
0x6: {  	_ = 	snop  }
0x7: {  	_ = 	snop  }
__scs_overlays_trampoline_lowered:
0x8: {  	[smem:$0x3FA5] =	sst s0  }
0x9: {  	[smem:$0x3FA6] =	sst s1  }
0xa: {  	[smem:$0x3FA7] =	sst s2  }
0xb: {  	[smem:$0x3FA8] =	sst s3  }
0xc: {  	[smem:$0x3FA9] =	sst s4  }
0xd: {  	[smem:$0x3FAA] =	sst s5  }
0xe: {  	[smem:$0x3FAB] =	sst s6  }
0xf: {  	[smem:$0x3FAC] =	sst s7  }
0x10: {  	[smem:$0x3FAD] =	sst s8  }
0x11: {  	[smem:$0x3FAE] =	sst s9;
	s0 =	simm.s32 @!p0 $0x0  }
0x12: {  	s1 =	sld [smem:$0x3F94];
	s0 =	simm.s32 @p0 $0x1  }
0x13: {  	[smem:$0x3FAF] =	sst s0;
	s0 =	simm.s32 @!p1 $0x0  }
0x14: {  	s2 =	sld [smem:$0x3F93];
	s0 =	simm.s32 @p1 $0x1  }
0x15: {  	[smem:$0x3FB0] =	sst s0;
	s0 =	simm.s32 @!p2 $0x0  }
0x16: {  	s3 =	sld [smem:$0x3FDB];
	s0 =	simm.s32 @p2 $0x1  }
0x17: {  	s4 =	simm.s32 $0x1BF5;
	[smem:$0x3FB2] =	sst s0  }
0x18: {  	s0 =	sld [smem:$0x3F95];
	_ =	swait.ge [sflag:s4], $0x0  }
0x19: {  	s7 =	sld [smem:$0x3F96]  }
0x1a: {  	s8 =	sadd.s32 $0xFFFFE003, lr  }
0x1b: {  	s9 =	sadd.s32 $0xFFFFFEF7, lr;
	s5 =	simm.s32 $0xFFFFFFFF;
	p2 =	slt.u32 s8, $0xFFFFF086  }
0x1c: {  	p1 =	slt.u32 s9, $0xF7A;
	s5 =	simm.s32 @!p2 $0x0  }
0x1d: {  	s5 =	simm.s32 @p1 $0x1;
	p0 =	seq.s32 s7, s2  }
0x1e: {  	s7 =	smul.u32 @!p0 $0xF7A, s2;
	p2 =	seq.s32 @!p0 s5, $0x0  }
0x1f: {  	s9 =	smul.u32 $0xF7A, s1;
	s8 =	simm.s32 @!p0 $0x1BF5;
	p2 =	por !p2, p0  }
0x20: {  	[sflag:s8] =	ssyncset.s32 @!p0 $0xFFFFF086;
	s6 =	sadd.s32 @!p0 s3, s7;
	s7 =	simm.s32 @!p0 $0x108  }
0x21: {  	s3 =	sadd.s32 s3, s9;
	s6 =	sadd.s32 @!p0 $0x88, s6;
	s7 =	simm.s32 @p2 $0x1082  }
0x22: {  	[simem:s7], [sflag:s8] =	dma.local @!p0 [hbm:s6], $0xF7A  }
0x23: {  	s9 =	sor.u32 $0xD0000000, s2;
	s6 =	simm.s32 $0x108;
	_ =	swait.ge @!p0 [sflag:s8], $0x0  }
0x24: {  	s3 =	sadd.s32 $0x88, s3;
	s6 =	simm.s32 @!p1 $0x1082;
	[sflag:s4] =	ssyncset.s32 $0xFFFFF086  }
0x25: {  	[simem:s6], [sflag:s4] =	dma.local [hbm:s3], $0xF7A  }
0x26: {  	[smem:$0x3F96] =	sst s1;
	(tag) =	ssettag s2;
	_ =	strace s9  }
0x27: {  	s1 =	sld [smem:$0x3FA6]  }
0x28: {  	s2 =	sld [smem:$0x3FA7]  }
0x29: {  	s4 =	sld [smem:$0x3FA9]  }
0x2a: {  	p0 =	seq.s32 s5, $0x0;
	s5 =	sld [smem:$0x3FAA]  }
0x2b: {  	s6 =	sld [smem:$0x3FAB]  }
0x2c: {  	s7 =	sld [smem:$0x3FAC]  }
0x2d: {  	s3 =	simm.s32 $0x108;
	s8 =	sld [smem:$0x3FAD]  }
0x2e: {  	s3 =	simm.s32 @!p0 $0x1082;
	s9 =	sld [smem:$0x3FAE]  }
0x2f: {  	lr =	sadd.s32 s0, s3;
	s0 =	sld [smem:$0x3FA5]  }
0x30: {  	s3 =	sld [smem:$0x3FA8]  }
0x31: {  	[smem:$0x3FB1] =	sst s10  }
0x32: {  	s10 =	sld [smem:$0x3FAF];
	_ =	sdelay $0x3  }
0x33: {  	p0 =	seq.s32 s10, $0x1;
	s10 =	sld [smem:$0x3FB1];
	_ =	sdelay $0x3  }
0x34: {  	[smem:$0x3FB1] =	sst s10  }
0x35: {  	s10 =	sld [smem:$0x3FB0];
	_ =	sdelay $0x3  }
0x36: {  	p1 =	seq.s32 s10, $0x1;
	s10 =	sld [smem:$0x3FB1];
	_ =	sdelay $0x3  }
0x37: {  	[smem:$0x3FB1] =	sst s10  }
0x38: {  	s10 =	sld [smem:$0x3FB2]  }
0x39: {  	_ = 	snop;
	(pc) =	sbr.ind lr, $3  }
0x3a: {  	_ = 	snop  }
0x3b: {  	_ = 	snop  }
0x3c: {  	p2 =	seq.s32 s10, $0x1;
	s10 =	sld [smem:$0x3FB1]  }
0x3d: {  	_ =	shalt  }
0x3e: {  	_ =	shalt  }
0x3f: {  	_ =	shalt  }
0x40: {  	_ =	shalt  }
0x41: {  	_ =	shalt  }
0x42: {  	_ =	shalt  }
0x43: {  	_ =	shalt  }
0x44: {  	_ =	shalt  }
0x45: {  	_ =	shalt  }
0x46: {  	_ =	shalt  }
0x47: {  	_ =	shalt  }
0x48: {  	_ =	shalt  }
0x49: {  	_ =	shalt  }
0x4a: {  	_ =	shalt  }
0x4b: {  	_ =	shalt  }
0x4c: {  	_ =	shalt  }
0x4d: {  	_ =	shalt  }
0x4e: {  	_ =	shalt  }
0x4f: {  	_ =	shalt  }
0x50: {  	_ =	shalt  }
0x51: {  	_ =	shalt  }
0x52: {  	_ =	shalt  }
0x53: {  	_ =	shalt  }
0x54: {  	_ =	shalt  }
0x55: {  	_ =	shalt  }
0x56: {  	_ =	shalt  }
0x57: {  	_ =	shalt  }
0x58: {  	_ =	shalt  }
0x59: {  	_ =	shalt  }
0x5a: {  	_ =	shalt  }
0x5b: {  	_ =	shalt  }
0x5c: {  	_ =	shalt  }
0x5d: {  	_ =	shalt  }
0x5e: {  	_ =	shalt  }
0x5f: {  	_ =	shalt  }
0x60: {  	_ =	shalt  }
0x61: {  	_ =	shalt  }
0x62: {  	_ =	shalt  }
0x63: {  	_ =	shalt  }
0x64: {  	_ =	shalt  }
0x65: {  	_ =	shalt  }
0x66: {  	_ =	shalt  }
0x67: {  	_ =	shalt  }
0x68: {  	_ =	shalt  }
0x69: {  	_ =	shalt  }
0x6a: {  	_ =	shalt  }
0x6b: {  	_ =	shalt  }
0x6c: {  	_ =	shalt  }
0x6d: {  	_ =	shalt  }
0x6e: {  	_ =	shalt  }
0x6f: {  	_ =	shalt  }
0x70: {  	_ =	shalt  }
0x71: {  	_ =	shalt  }
0x72: {  	_ =	shalt  }
0x73: {  	_ =	shalt  }
0x74: {  	_ =	shalt  }
0x75: {  	_ =	shalt  }
0x76: {  	_ =	shalt  }
0x77: {  	_ =	shalt  }
0x78: {  	_ =	shalt  }
0x79: {  	_ =	shalt  }
0x7a: {  	_ =	shalt  }
0x7b: {  	_ =	shalt  }
0x7c: {  	_ =	shalt  }
0x7d: {  	_ =	shalt  }
0x7e: {  	_ =	shalt  }
0x7f: {  	_ =	shalt  }
0x80: {  	_ =	shalt  }
0x81: {  	_ =	shalt  }
0x82: {  	_ =	shalt  }
0x83: {  	_ =	shalt  }
0x84: {  	_ =	shalt  }
0x85: {  	_ =	shalt  }
0x86: {  	_ =	shalt  }
0x87: {  	_ =	shalt  }
.Lfunc_end0:
.L_simem_size_0:
called_computation.2_lowered:
.L_overlay_start_0:
0x88: {  	s2 =	sld [smem:$0x3FD9]  }
0x89: {  	s3 =	sld [smem:$0x3FFE];
	_ =	sdelay $0x1  }
0x8a: {  	s1 =	srdreg.scid  }
0x8b: {  	s0 =	sand.u32 $0x1, s1  }
0x8c: {  	s17 =	sshll.u32 s0, $0xA;
	s2 =	sadd.s32 s3, s2  }
0x8d: {  	s2 =	sadd.s32 s2, s17  }
0x8e: {  	[smem:$0x3FBD] =	sst s2  }
0x8f: {  	_ = 	snop  }
0x90: {  	s2 =	sld [smem:$0x3FD0];
	(tm) =	ssettm $0x1  }
0x91: {  	s18 =	sld [smem:$0x3FFB];
	_ =	sdelay $0x3  }
0x92: {  	_ =	strace s18  }
0x93: {  	s3 =	sld [smem:$0x3FFC];
	_ =	sdelay $0x3  }
0x94: {  	_ =	strace s3  }
0x95: {  	s3 =	sld [smem:$0x3FFD];
	_ =	sdelay $0x3  }
0x96: {  	_ =	strace s3  }
0x97: {  	_ =	strace $0x8FFFFFFF  }
0x98: {  	s19 =	sld [smem:$0x3FDB];
	_ =	sdelay $0x1  }
0x99: {  	s4 =	simm.s32 $_scs_section_size  }
0x9a: {  	s5 =	simm.s32 $_size__tile_overlayer_lowered;
	s6 =	simm.s32 $_tile_overlayer_lowered  }
0x9b: {  	s22 =	simm.s32 $0x1BFF;
	s21 =	sshll.u32 s6, $0x1;
	s3 =	sadd.s32 s4, s19  }
0x9c: {  	s7 =	simm.s32 $0x0;
	s20 =	sshll.u32 s5, $0x1;
	s5 =	sadd.s32 s21, s3  }
0x9d: {  	[timem:s7], [sflag:s22] =	dma.local [hbm:s5], s20  }
0x9e: {  	_ =	swait.ge [sflag:s22], s20  }
0x9f: {  	s4 =	ssub.s32 $0x0, s20;
	[sflag:s22] =	ssyncset.done $0x0  }
0xa0: {  	[sflag:s22] =	ssyncadd.s32 s4;
	_ =	sdelay $0x1  }
0xa1: {  	s23 =	simm.s32 $0x1B8B  }
0xa2: {  	_ =	swait.ge [sflag:s23], $0x1  }
0xa3: {  	[sflag:s23] =	ssyncset.done $0x0  }
0xa4: {  	s25 =	simm.s32 $0x1B8E;
	s24 =	sld [smem:$0x3FFE];
	[sflag:s23] =	ssyncadd.s32 $0xFFFFFFFF  }
0xa5: {  	s26 =	simm.s32 $execute0_lowered;
	[smem:$0x3FD2] =	sst s25  }
0xa6: {  	s5 =	sshll.u32 s26, $0x1;
	_ =	strace $0x80000049;
	[dreg:$0x1] =	wrdreg $0xFFFFFFFF  }
0xa7: {  	s28 =	simm.s32 $_size_execute0_lowered;
	s3 =	sadd.s32 s3, s5;
	[dreg:$0x0] =	wrdreg $0x0  }
0xa8: {  	s5 =	sshll.u32 s28, $0x1;
	[dreg:$0x2] =	wrdreg s3  }
0xa9: {  	[dreg:$0x3] =	wrdreg s5  }
0xaa: {  	[dreg:$0x4] =	wrdreg $0xC0  }
0xab: {  	_ =	task [dreg:s7], $0x5FFFF  }
0xac: {  	[dreg:$0x1] =	wrdreg $0xFFFFFFFF  }
0xad: {  	[dreg:$0x0] =	wrdreg $0x60  }
0xae: {  	[dreg:$0x2] =	wrdreg s24  }
0xaf: {  	[dreg:$0x3] =	wrdreg s2  }
0xb0: {  	[dreg:$0x4] =	wrdreg $0xBE000  }
0xb1: {  	[dreg:$0x5] =	wrdreg $0x9  }
0xb2: {  	_ =	task.clear_ibuf [dreg:s7], $0x6FFFF;
	_ =	strace $0x90000049  }
0xb3: {  	s29 =	simm.s32 $0x9;
	_ =	strace $0x8000004B  }
0xb4: {  	_ =	swait.ge [sflag:s29], $0x1  }
0xb5: {  	[sflag:s29] =	ssyncadd.s32 $0xFFFFFFFF  }
0xb6: {  	_ =	strace $0x9000004B  }
0xb7: {  	_ =	sfence  }
0xb8: {  	s30 =	sld [smem:$0x0];
	_ =	sdelay $0x2  }
0xb9: {  	s31 =	sshll.u32 s1, $0xD;
	s1 =	sshrl.u32 s1, $0x2  }
0xba: {  	s3 =	sand.u32 $0x4000, s31;
	s1 =	sadd.s32 s1, s30  }
0xbb: {  	s0 =	sor.u32 s3, s0;
	s1 =	sshll.u32 s1, $0x11  }
0xbc: {  	s0 =	sor.u32 s1, s0  }
0xbd: {  	s0 =	sadd.s32 $0x8F2B, s0  }
0xbe: {  	[sflag:s0] =	ssyncadd.remote.s32 $0x1  }
0xbf: {  	_ =	sfence.sel $0xFFFF  }
0xc0: {  	[dreg:$0x0] =	wrdreg $0xFFFFFFFF;
	(pc) =	sbr.abs _section_cstart, $3  }
0xc1: {  	[dreg:$0x1] =	wrdreg $0xFFFFFFFF  }
0xc2: {  	_ =	task.clear_ibuf [dreg:s7], $0x2FFFF;
	_ =	strace $0x9FFFFFFF  }
0xc3: {  	(tm) =	ssettm $0x7FFFFFFF  }
tec
execute0_lowered:
.L_overlay_start_1:
0x0: {  	(tag) =	ssettag $0x1  }
0x1: {  	s6 =	rddreg [dreg:$0x0]  }
0x2: {  	s9 =	rddreg [dreg:$0x1]  }
0x3: {  	s2 =	rddreg [dreg:$0x2]  }
0x4: {  	s0 =	rddreg [dreg:$0x3];
	s3 =	simm.s32 $0x0  }
0x5: {  	s1 =	stileid.u32;
	s8 =	srdreg.scid;
	s16 =	simm.s32 $0x80  }
0x6: {  	s17 =	simm.s32 $0x9E00;
	s18 =	simm.s32 $0xAE00;
	s19 =	simm.s32 $0x1  }
0x7: {  	s20 =	simm.s32 $0x2;
	s21 =	simm.s32 $0x9D00;
	s22 =	simm.s32 $0x9D80  }
0x8: {  	s23 =	simm.s32 $0x8;
	s24 =	simm.s32 $0x4;
	s25 =	simm.s32 $0x0  }
0x9: {  	[smem:$0x7FF] =	sst s3;
	s7 =	smul.u32 $0x9E0, s1;
	s4 =	sadd.s32 $0xE800, s6  }
0xa: {  	s5 =	sadd.s32 $0x4A00, s6;
	s8 =	sand.u32 $0x1, s8;
	s11 =	smul.u32 $0x13880, s1  }
0xb: {  	s13 =	smul.u32 $0x1388, s1;
	s14 =	sshll.u32 s1, $0x6;
	_ =	strace $0x8000004A  }
0xc: {  	s30 =	ssub.s32 $0x2, s8;
	p0 =	seq.s32 s8, $0x1;
	s14 =	sor.u32 $0x1C03, s14  }
.Ltmp0:
0xd: {  	s10 =	sadd.s32 s7, s6;
	s6 =	sadd.s32 $0x2C200, s6;
	(pc) =	sbr.rel .LBB2_1-.Ltmp0, $4  }
0xe: {  	s12 =	sshrl.u32 s30, $0x1;
	s31 =	sshrl.u32 s11, $0x2;
	s9 =	sadd.s32 s9, s13  }
0xf: {  	s13 =	simm.s32 $0x4F00;
	s12 =	ssub.s32 s30, s12;
	s7 =	sadd.s32 $0x18600, s10  }
0x10: {  	s8 =	sadd.s32 $0x22400, s10;
	s15 =	sadd.s32 s31, s2;
	s10 =	sadd.s32 $0x4, s9  }
0x11: {  	s11 =	smax.u32 s12, $0x1;
	s12 =	simm.s32 $0x3;
	s15 =	sshrl.u32 s15, $0x3  }
.LBB2_7:
0x12: {  	[tilespmem:s18], [sflag:$0x2] =	stream.indirect.gather [hbm4b:s5+s16], $0x20, s28, s16, $0xb8;
	[tilespmem:$0x11420] =	vst v63  }
0x13: {  	s26 =	smov.u32 s10  }
.LBB2_8:
0x14: {  	_ =	swait.ge [sflag:s19], $0x1000  }
0x15: {  	[sflag:s19] =	ssyncset.done $0x0  }
0x16: {  	[sflag:s19] =	ssyncadd.s32 $0xFFFFF000  }
0x17: {  	[spmem:s2] =	stream.indirect.scatter.add.f32 [tilespmem:s17], [sflag:$0x3], $0x20, s21, s16, $0xb8;
	[tilespmem:$0x11420] =	vst v63  }
0x18: {  	_ =	swait.ge [sflag:s12], $0x1000  }
0x19: {  	[sflag:s12] =	ssyncset.done $0x0  }
0x1a: {  	[sflag:s12] =	ssyncadd.s32 $0xFFFFF000  }
0x1b: {  	_ =	swait.ge [sflag:s20], $0x1000  }
0x1c: {  	[sflag:s20] =	ssyncset.done $0x0  }
0x1d: {  	[sflag:s20] =	ssyncadd.s32 $0xFFFFF000  }
0x1e: {  	[spmem:s2] =	stream.indirect.scatter.add.f32 [tilespmem:s18], [sflag:$0x3], $0x20, s22, s16, $0xb8;
	[tilespmem:$0x11420] =	vst v63  }
0x1f: {  	_ =	swait.ge [sflag:s12], $0x1000  }
0x20: {  	s25 =	sadd.s32 $0x1, s25;
	[sflag:s12] =	ssyncset.done $0x0  }
0x21: {  	p1 =	sne.s32 s25, s11;
	[sflag:s12] =	ssyncadd.s32 $0xFFFFF000  }
.Ltmp1:
0x22: {  	[bflag:$0x0] =	sbarrier.arrive $0xFFFF;
	(pc) =	sbr.rel @!p1 .LBB2_9-.Ltmp1, $4  }
0x23: {  	[hbm:s26@s23], [sflag:s14] =	dma.strided [spmem:s15@s24], $0x9C4, s19, $0x4   }
0x24: {  	_ =	swait.ge [sflag:s12], $0x9C4  }
0x25: {  	[sflag:s12] =	ssyncset.done $0x0  }
0x26: {  	[sflag:s12] =	ssyncadd.s32 $0xFFFFF63C  }
.LBB2_1:
0x27: {  	[tilespmem:s3], [sflag:$0x3] =	stream.linear.gather [hbm4b:s7+s3], $0x4F00, $0x38;
	[tilespmem:$0x11420] =	vst v63  }
0x28: {  	_ =	swait.ge [sflag:s12], $0x4F00  }
0x29: {  	[sflag:s12] =	ssyncset.done $0x0  }
0x2a: {  	[sflag:s12] =	ssyncadd.s32 $0xFFFFB100  }
0x2b: {  	[tilespmem:s13], [sflag:$0x3] =	stream.linear.gather [hbm4b:s8+s3], $0x4F00, $0x38;
	[tilespmem:$0x11420] =	vst v63  }
0x2c: {  	_ =	swait.ge [sflag:s12], $0x4F00  }
0x2d: {  	[sflag:s12] =	ssyncset.done $0x0  }
0x2e: {  	[sflag:s12] =	ssyncadd.s32 $0xFFFFB100  }
0x2f: {  	[spmem:s15], [sflag:s14] =	dma.local [hbm:s6], $0x9C4  }
.Ltmp2:
0x30: {  	_ =	swait.ge [sflag:s12], $0x9C4;
	(pc) =	sbr.rel @!p0 .LBB2_2-.Ltmp2, $4  }
0x31: {  	[sflag:s12] =	ssyncset.done $0x0  }
0x32: {  	[sflag:s12] =	ssyncadd.s32 $0xFFFFF63C  }
0x33: {  	[bflag:$0x0] =	sbarrier.arrive $0xFFFF  }
0x34: {  	s26 =	simm.s32 $0x0  }
0x35: {  	[tilespmem:s17], [sflag:$0x1] =	stream.indirect.gather [hbm4b:s5+s16], $0x20, s26, s16, $0xb8;
	[tilespmem:$0x11420] =	vst v63  }
0x36: {  	_ = 	snop  }
0x37: {  	[tilespmem:s18], [sflag:$0x2] =	stream.indirect.gather [hbm4b:s5+s16], $0x20, s16, s16, $0xb8;
	[tilespmem:$0x11420] =	vst v63  }
0x38: {  	_ =	swait.ge [sflag:s19], $0x1000  }
0x39: {  	[sflag:s19] =	ssyncset.done $0x0  }
0x3a: {  	s29 =	simm.s32 $0x4F00;
	[sflag:s19] =	ssyncadd.s32 $0xFFFFF000  }
0x3b: {  	[spmem:s2] =	stream.indirect.scatter.add.f32 [tilespmem:s17], [sflag:$0x3], $0x20, s29, s16, $0xb8;
	[tilespmem:$0x11420] =	vst v63  }
0x3c: {  	_ =	swait.ge [sflag:s12], $0x1000  }
0x3d: {  	[sflag:s12] =	ssyncset.done $0x0  }
0x3e: {  	s30 =	simm.s32 $0x100;
	[sflag:s12] =	ssyncadd.s32 $0xFFFFF000  }
0x3f: {  	[tilespmem:s17], [sflag:$0x1] =	stream.indirect.gather [hbm4b:s5+s16], $0x20, s30, s16, $0xb8;
	[tilespmem:$0x11420] =	vst v63  }
0x40: {  	_ =	swait.ge [sflag:s20], $0x1000  }
0x41: {  	[sflag:s20] =	ssyncset.done $0x0  }
0x42: {  	s31 =	simm.s32 $0x4F80;
	[sflag:s20] =	ssyncadd.s32 $0xFFFFF000  }
0x43: {  	[spmem:s2] =	stream.indirect.scatter.add.f32 [tilespmem:s18], [sflag:$0x3], $0x20, s31, s16, $0xb8;
	[tilespmem:$0x11420] =	vst v63  }
0x44: {  	_ =	swait.ge [sflag:s12], $0x1000  }
0x45: {  	[sflag:s12] =	ssyncset.done $0x0  }
0x46: {  	s26 =	simm.s32 $0x400;
	s28 =	simm.s32 $0x180;
	[sflag:s12] =	ssyncadd.s32 $0xFFFFF000  }
.LBB2_6:
0x47: {  	[tilespmem:s18], [sflag:$0x2] =	stream.indirect.gather [hbm4b:s5+s16], $0x20, s28, s16, $0xb8;
	[tilespmem:$0x11420] =	vst v63  }
0x48: {  	s28 =	smov.u32 s26  }
0x49: {  	p1 =	sne.s32 s26, $0x13400;
	s26 =	sadd.s32 $0x400, s26;
	_ =	swait.ge [sflag:s19], $0x1000  }
0x4a: {  	s28 =	sshra.s32 s28, $0x2;
	[sflag:s19] =	ssyncset.done $0x0  }
0x4b: {  	s29 =	sadd.s32 $0x4F00, s28;
	[sflag:s19] =	ssyncadd.s32 $0xFFFFF000  }
0x4c: {  	[spmem:s2] =	stream.indirect.scatter.add.f32 [tilespmem:s17], [sflag:$0x3], $0x20, s29, s16, $0xb8;
	[tilespmem:$0x11420] =	vst v63  }
0x4d: {  	_ =	swait.ge [sflag:s12], $0x1000  }
0x4e: {  	[sflag:s12] =	ssyncset.done $0x0  }
0x4f: {  	s29 =	sadd.s32 $0x100, s28;
	[sflag:s12] =	ssyncadd.s32 $0xFFFFF000  }
0x50: {  	[tilespmem:s17], [sflag:$0x1] =	stream.indirect.gather [hbm4b:s5+s16], $0x20, s29, s16, $0xb8;
	[tilespmem:$0x11420] =	vst v63  }
0x51: {  	_ =	swait.ge [sflag:s20], $0x1000  }
0x52: {  	[sflag:s20] =	ssyncset.done $0x0  }
.Ltmp3:
0x53: {  	s29 =	sadd.s32 $0x4F80, s28;
	[sflag:s20] =	ssyncadd.s32 $0xFFFFF000;
	(pc) =	sbr.rel @p1 .LBB2_6-.Ltmp3, $4  }
0x54: {  	[spmem:s2] =	stream.indirect.scatter.add.f32 [tilespmem:s18], [sflag:$0x3], $0x20, s29, s16, $0xb8;
	[tilespmem:$0x11420] =	vst v63  }
0x55: {  	_ =	swait.ge [sflag:s12], $0x1000  }
0x56: {  	[sflag:s12] =	ssyncset.done $0x0  }
0x57: {  	s28 =	sadd.s32 $0x180, s28;
	[sflag:s12] =	ssyncadd.s32 $0xFFFFF000  }
.Ltmp4:
0x58: {  	_ = 	snop;
	(pc) =	sbr.rel .LBB2_7-.Ltmp4, $1  }
0x59: {  	_ =	sdelay $0x3  }
.LBB2_2:
0x5a: {  	[tilespmem:s17], [sflag:$0x1] =	stream.indirect.gather [hbm4b:s4+s16], $0x20, s26, s16, $0xb8;
	[tilespmem:$0x11420] =	vst v63  }
0x5b: {  	_ = 	snop  }
0x5c: {  	[tilespmem:s18], [sflag:$0x2] =	stream.indirect.gather [hbm4b:s4+s16], $0x20, s16, s16, $0xb8;
	[tilespmem:$0x11420] =	vst v63  }
0x5d: {  	_ =	swait.ge [sflag:s19], $0x1000  }
0x5e: {  	[sflag:s19] =	ssyncset.done $0x0  }
0x5f: {  	s29 =	simm.s32 $0x4F00;
	[sflag:s19] =	ssyncadd.s32 $0xFFFFF000  }
0x60: {  	[spmem:s2] =	stream.indirect.scatter.add.f32 [tilespmem:s17], [sflag:$0x3], $0x20, s29, s16, $0xb8;
	[tilespmem:$0x11420] =	vst v63  }
0x61: {  	_ =	swait.ge [sflag:s12], $0x1000  }
0x62: {  	[sflag:s12] =	ssyncset.done $0x0  }
0x63: {  	s30 =	simm.s32 $0x100;
	[sflag:s12] =	ssyncadd.s32 $0xFFFFF000  }
0x64: {  	[tilespmem:s17], [sflag:$0x1] =	stream.indirect.gather [hbm4b:s4+s16], $0x20, s30, s16, $0xb8;
	[tilespmem:$0x11420] =	vst v63  }
0x65: {  	_ =	swait.ge [sflag:s20], $0x1000  }
0x66: {  	[sflag:s20] =	ssyncset.done $0x0  }
0x67: {  	s31 =	simm.s32 $0x4F80;
	[sflag:s20] =	ssyncadd.s32 $0xFFFFF000  }
0x68: {  	[spmem:s2] =	stream.indirect.scatter.add.f32 [tilespmem:s18], [sflag:$0x3], $0x20, s31, s16, $0xb8;
	[tilespmem:$0x11420] =	vst v63  }
0x69: {  	_ =	swait.ge [sflag:s12], $0x1000  }
0x6a: {  	[sflag:s12] =	ssyncset.done $0x0  }
0x6b: {  	s26 =	simm.s32 $0x400;
	s28 =	simm.s32 $0x180;
	[sflag:s12] =	ssyncadd.s32 $0xFFFFF000  }
.LBB2_3:
0x6c: {  	[tilespmem:s18], [sflag:$0x2] =	stream.indirect.gather [hbm4b:s4+s16], $0x20, s28, s16, $0xb8;
	[tilespmem:$0x11420] =	vst v63  }
0x6d: {  	s28 =	smov.u32 s26  }
0x6e: {  	p1 =	seq.s32 s26, $0x13400;
	s26 =	sadd.s32 $0x400, s26;
	_ =	swait.ge [sflag:s19], $0x1000  }
0x6f: {  	s28 =	sshra.s32 s28, $0x2;
	[sflag:s19] =	ssyncset.done $0x0  }
0x70: {  	s29 =	sadd.s32 $0x4F00, s28;
	[sflag:s19] =	ssyncadd.s32 $0xFFFFF000  }
0x71: {  	[spmem:s2] =	stream.indirect.scatter.add.f32 [tilespmem:s17], [sflag:$0x3], $0x20, s29, s16, $0xb8;
	[tilespmem:$0x11420] =	vst v63  }
0x72: {  	_ =	swait.ge [sflag:s12], $0x1000  }
0x73: {  	[sflag:s12] =	ssyncset.done $0x0  }
0x74: {  	s29 =	sadd.s32 $0x100, s28;
	[sflag:s12] =	ssyncadd.s32 $0xFFFFF000  }
0x75: {  	[tilespmem:s17], [sflag:$0x1] =	stream.indirect.gather [hbm4b:s4+s16], $0x20, s29, s16, $0xb8;
	[tilespmem:$0x11420] =	vst v63  }
0x76: {  	_ =	swait.ge [sflag:s20], $0x1000  }
0x77: {  	[sflag:s20] =	ssyncset.done $0x0  }
.Ltmp5:
0x78: {  	s29 =	sadd.s32 $0x4F80, s28;
	[sflag:s20] =	ssyncadd.s32 $0xFFFFF000;
	(pc) =	sbr.rel @!p1 .LBB2_3-.Ltmp5, $4  }
0x79: {  	[spmem:s2] =	stream.indirect.scatter.add.f32 [tilespmem:s18], [sflag:$0x3], $0x20, s29, s16, $0xb8;
	[tilespmem:$0x11420] =	vst v63  }
0x7a: {  	_ =	swait.ge [sflag:s12], $0x1000  }
0x7b: {  	[sflag:s12] =	ssyncset.done $0x0  }
0x7c: {  	s28 =	sadd.s32 $0x180, s28;
	[sflag:s12] =	ssyncadd.s32 $0xFFFFF000  }
.Ltmp6:
0x7d: {  	(pc) =	sbr.rel .LBB2_8-.Ltmp6, $3  }
0x7e: {  	_ =	sdelay $0x1  }
0x7f: {  	[tilespmem:s18], [sflag:$0x2] =	stream.indirect.gather [hbm4b:s4+s16], $0x20, s28, s16, $0xb8;
	[tilespmem:$0x11420] =	vst v63  }
0x80: {  	s26 =	smov.u32 s9  }
.LBB2_9:
0x81: {  	_ =	sfence.sel $0x180000  }
0x82: {  	[bflag:$0x0] =	sbarrier.arrive $0xFFFF  }
0x83: {  	p0 =	sne.s32 s1, $0x0;
	_ =	strace $0x9000004A  }
0x84: {  	s0 =	sadd.s32 @!p0 $0x100000, s0;
	[bflag:$0x2] =	sbarrier.arrive $0xFFFF  }
0x85: {  	[sflag:s0] =	ssyncadd.tile.s32 @!p0 $0x1;
	_ =	shalt  }
.Lfunc_end2:
_tile_overlayer_lowered:
.L_overlay_start_2:
0x86: {  	(tag) =	ssettag $0x2  }
0x87: {  	s0 =	rddreg [dreg:$0x0];
	s2 =	stileid.u32  }
0x88: {  	s1 =	rddreg [dreg:$0x1];
	p0 =	sne.s32 s2, $0x0  }
0x89: {  	s3 =	rddreg [dreg:$0x2];
	[bflag:$0x3] =	sbarrier.arrive $0xFFFF;
	s2 =	simm.s32 @!p0 $0x1C03  }
0x8a: {  	[timem:s3], [sflag:s2] =	dma.local @!p0 [hbm:s0], s1  }
0x8b: {  	s0 =	simm.s32 @!p0 $0x3  }
0x8c: {  	_ =	swait.ge @!p0 [sflag:s0], s1  }
0x8d: {  	s1 =	ssub.s32 @!p0 $0x0, s1;
	[sflag:s0] =	ssyncset.done @!p0 $0x0  }
0x8e: {  	[sflag:s0] =	ssyncadd.s32 @!p0 s1  }
0x8f: {  	[bflag:$0x3] =	sbarrier.arrive $0xFFFF  }
0x90: {  	_ =	shalt  }

// kernel: kernel.8.cloned.1.call-start
scs
__scs_entry_jumppad:
0x0: {  	(pc) =	sbr.rel $0x88, $3  }
0x1: {  	(tag) =	ssettag $0x0;
	lr =	simm.s32 $0x1  }
0x2: {  	[smem:$0x3F96] =	sst lr;
	_ =	strace $0xD0000000  }
0x3: {  	_ = 	snop  }
0x4: {  	_ = 	snop  }
0x5: {  	_ = 	snop  }
0x6: {  	_ = 	snop  }
0x7: {  	_ = 	snop  }
__scs_overlays_trampoline_lowered:
0x8: {  	[smem:$0x3FA5] =	sst s0  }
0x9: {  	[smem:$0x3FA6] =	sst s1  }
0xa: {  	[smem:$0x3FA7] =	sst s2  }
0xb: {  	[smem:$0x3FA8] =	sst s3  }
0xc: {  	[smem:$0x3FA9] =	sst s4  }
0xd: {  	[smem:$0x3FAA] =	sst s5  }
0xe: {  	[smem:$0x3FAB] =	sst s6  }
0xf: {  	[smem:$0x3FAC] =	sst s7  }
0x10: {  	[smem:$0x3FAD] =	sst s8  }
0x11: {  	[smem:$0x3FAE] =	sst s9;
	s0 =	simm.s32 @!p0 $0x0  }
0x12: {  	s1 =	sld [smem:$0x3F94];
	s0 =	simm.s32 @p0 $0x1  }
0x13: {  	[smem:$0x3FAF] =	sst s0;
	s0 =	simm.s32 @!p1 $0x0  }
0x14: {  	s2 =	sld [smem:$0x3F93];
	s0 =	simm.s32 @p1 $0x1  }
0x15: {  	[smem:$0x3FB0] =	sst s0;
	s0 =	simm.s32 @!p2 $0x0  }
0x16: {  	s3 =	sld [smem:$0x3FDB];
	s0 =	simm.s32 @p2 $0x1  }
0x17: {  	s4 =	simm.s32 $0x1BF5;
	[smem:$0x3FB2] =	sst s0  }
0x18: {  	s0 =	sld [smem:$0x3F95];
	_ =	swait.ge [sflag:s4], $0x0  }
0x19: {  	s7 =	sld [smem:$0x3F96]  }
0x1a: {  	s8 =	sadd.s32 $0xFFFFE003, lr  }
0x1b: {  	s9 =	sadd.s32 $0xFFFFFEF7, lr;
	s5 =	simm.s32 $0xFFFFFFFF;
	p2 =	slt.u32 s8, $0xFFFFF086  }
0x1c: {  	p1 =	slt.u32 s9, $0xF7A;
	s5 =	simm.s32 @!p2 $0x0  }
0x1d: {  	s5 =	simm.s32 @p1 $0x1;
	p0 =	seq.s32 s7, s2  }
0x1e: {  	s7 =	smul.u32 @!p0 $0xF7A, s2;
	p2 =	seq.s32 @!p0 s5, $0x0  }
0x1f: {  	s9 =	smul.u32 $0xF7A, s1;
	s8 =	simm.s32 @!p0 $0x1BF5;
	p2 =	por !p2, p0  }
0x20: {  	[sflag:s8] =	ssyncset.s32 @!p0 $0xFFFFF086;
	s6 =	sadd.s32 @!p0 s3, s7;
	s7 =	simm.s32 @!p0 $0x108  }
0x21: {  	s3 =	sadd.s32 s3, s9;
	s6 =	sadd.s32 @!p0 $0x88, s6;
	s7 =	simm.s32 @p2 $0x1082  }
0x22: {  	[simem:s7], [sflag:s8] =	dma.local @!p0 [hbm:s6], $0xF7A  }
0x23: {  	s9 =	sor.u32 $0xD0000000, s2;
	s6 =	simm.s32 $0x108;
	_ =	swait.ge @!p0 [sflag:s8], $0x0  }
0x24: {  	s3 =	sadd.s32 $0x88, s3;
	s6 =	simm.s32 @!p1 $0x1082;
	[sflag:s4] =	ssyncset.s32 $0xFFFFF086  }
0x25: {  	[simem:s6], [sflag:s4] =	dma.local [hbm:s3], $0xF7A  }
0x26: {  	[smem:$0x3F96] =	sst s1;
	(tag) =	ssettag s2;
	_ =	strace s9  }
0x27: {  	s1 =	sld [smem:$0x3FA6]  }
0x28: {  	s2 =	sld [smem:$0x3FA7]  }
0x29: {  	s4 =	sld [smem:$0x3FA9]  }
0x2a: {  	p0 =	seq.s32 s5, $0x0;
	s5 =	sld [smem:$0x3FAA]  }
0x2b: {  	s6 =	sld [smem:$0x3FAB]  }
0x2c: {  	s7 =	sld [smem:$0x3FAC]  }
0x2d: {  	s3 =	simm.s32 $0x108;
	s8 =	sld [smem:$0x3FAD]  }
0x2e: {  	s3 =	simm.s32 @!p0 $0x1082;
	s9 =	sld [smem:$0x3FAE]  }
0x2f: {  	lr =	sadd.s32 s0, s3;
	s0 =	sld [smem:$0x3FA5]  }
0x30: {  	s3 =	sld [smem:$0x3FA8]  }
0x31: {  	[smem:$0x3FB1] =	sst s10  }
0x32: {  	s10 =	sld [smem:$0x3FAF];
	_ =	sdelay $0x3  }
0x33: {  	p0 =	seq.s32 s10, $0x1;
	s10 =	sld [smem:$0x3FB1];
	_ =	sdelay $0x3  }
0x34: {  	[smem:$0x3FB1] =	sst s10  }
0x35: {  	s10 =	sld [smem:$0x3FB0];
	_ =	sdelay $0x3  }
0x36: {  	p1 =	seq.s32 s10, $0x1;
	s10 =	sld [smem:$0x3FB1];
	_ =	sdelay $0x3  }
0x37: {  	[smem:$0x3FB1] =	sst s10  }
0x38: {  	s10 =	sld [smem:$0x3FB2]  }
0x39: {  	_ = 	snop;
	(pc) =	sbr.ind lr, $3  }
0x3a: {  	_ = 	snop  }
0x3b: {  	_ = 	snop  }
0x3c: {  	p2 =	seq.s32 s10, $0x1;
	s10 =	sld [smem:$0x3FB1]  }
0x3d: {  	_ =	shalt  }
0x3e: {  	_ =	shalt  }
0x3f: {  	_ =	shalt  }
0x40: {  	_ =	shalt  }
0x41: {  	_ =	shalt  }
0x42: {  	_ =	shalt  }
0x43: {  	_ =	shalt  }
0x44: {  	_ =	shalt  }
0x45: {  	_ =	shalt  }
0x46: {  	_ =	shalt  }
0x47: {  	_ =	shalt  }
0x48: {  	_ =	shalt  }
0x49: {  	_ =	shalt  }
0x4a: {  	_ =	shalt  }
0x4b: {  	_ =	shalt  }
0x4c: {  	_ =	shalt  }
0x4d: {  	_ =	shalt  }
0x4e: {  	_ =	shalt  }
0x4f: {  	_ =	shalt  }
0x50: {  	_ =	shalt  }
0x51: {  	_ =	shalt  }
0x52: {  	_ =	shalt  }
0x53: {  	_ =	shalt  }
0x54: {  	_ =	shalt  }
0x55: {  	_ =	shalt  }
0x56: {  	_ =	shalt  }
0x57: {  	_ =	shalt  }
0x58: {  	_ =	shalt  }
0x59: {  	_ =	shalt  }
0x5a: {  	_ =	shalt  }
0x5b: {  	_ =	shalt  }
0x5c: {  	_ =	shalt  }
0x5d: {  	_ =	shalt  }
0x5e: {  	_ =	shalt  }
0x5f: {  	_ =	shalt  }
0x60: {  	_ =	shalt  }
0x61: {  	_ =	shalt  }
0x62: {  	_ =	shalt  }
0x63: {  	_ =	shalt  }
0x64: {  	_ =	shalt  }
0x65: {  	_ =	shalt  }
0x66: {  	_ =	shalt  }
0x67: {  	_ =	shalt  }
0x68: {  	_ =	shalt  }
0x69: {  	_ =	shalt  }
0x6a: {  	_ =	shalt  }
0x6b: {  	_ =	shalt  }
0x6c: {  	_ =	shalt  }
0x6d: {  	_ =	shalt  }
0x6e: {  	_ =	shalt  }
0x6f: {  	_ =	shalt  }
0x70: {  	_ =	shalt  }
0x71: {  	_ =	shalt  }
0x72: {  	_ =	shalt  }
0x73: {  	_ =	shalt  }
0x74: {  	_ =	shalt  }
0x75: {  	_ =	shalt  }
0x76: {  	_ =	shalt  }
0x77: {  	_ =	shalt  }
0x78: {  	_ =	shalt  }
0x79: {  	_ =	shalt  }
0x7a: {  	_ =	shalt  }
0x7b: {  	_ =	shalt  }
0x7c: {  	_ =	shalt  }
0x7d: {  	_ =	shalt  }
0x7e: {  	_ =	shalt  }
0x7f: {  	_ =	shalt  }
0x80: {  	_ =	shalt  }
0x81: {  	_ =	shalt  }
0x82: {  	_ =	shalt  }
0x83: {  	_ =	shalt  }
0x84: {  	_ =	shalt  }
0x85: {  	_ =	shalt  }
0x86: {  	_ =	shalt  }
0x87: {  	_ =	shalt  }
.Lfunc_end0:
.L_simem_size_0:
called_computation.1_lowered:
.L_overlay_start_0:
0x88: {  	s2 =	sld [smem:$0x3FD9]  }
0x89: {  	s3 =	sld [smem:$0x3FFE];
	_ =	sdelay $0x1  }
0x8a: {  	s1 =	srdreg.scid  }
0x8b: {  	s0 =	sand.u32 $0x1, s1  }
0x8c: {  	s17 =	sshll.u32 s0, $0xA;
	s2 =	sadd.s32 s3, s2  }
0x8d: {  	s2 =	sadd.s32 s2, s17  }
0x8e: {  	[smem:$0x3FBD] =	sst s2  }
0x8f: {  	_ = 	snop  }
0x90: {  	s2 =	sld [smem:$0x3FD0];
	(tm) =	ssettm $0x1  }
0x91: {  	s18 =	sld [smem:$0x3FFB];
	_ =	sdelay $0x3  }
0x92: {  	_ =	strace s18  }
0x93: {  	s3 =	sld [smem:$0x3FFC];
	_ =	sdelay $0x3  }
0x94: {  	_ =	strace s3  }
0x95: {  	s3 =	sld [smem:$0x3FFD];
	_ =	sdelay $0x3  }
0x96: {  	_ =	strace s3  }
0x97: {  	_ =	strace $0x8FFFFFFF  }
0x98: {  	s19 =	sld [smem:$0x3FDB];
	_ =	sdelay $0x1  }
0x99: {  	s4 =	simm.s32 $_scs_section_size  }
0x9a: {  	s5 =	simm.s32 $_size__tile_overlayer_lowered;
	s6 =	simm.s32 $_tile_overlayer_lowered  }
0x9b: {  	s22 =	simm.s32 $0x1BFF;
	s21 =	sshll.u32 s6, $0x1;
	s3 =	sadd.s32 s4, s19  }
0x9c: {  	s7 =	simm.s32 $0x0;
	s20 =	sshll.u32 s5, $0x1;
	s5 =	sadd.s32 s21, s3  }
0x9d: {  	[timem:s7], [sflag:s22] =	dma.local [hbm:s5], s20  }
0x9e: {  	_ =	swait.ge [sflag:s22], s20  }
0x9f: {  	s4 =	ssub.s32 $0x0, s20;
	[sflag:s22] =	ssyncset.done $0x0  }
0xa0: {  	[sflag:s22] =	ssyncadd.s32 s4;
	_ =	sdelay $0x1  }
0xa1: {  	s23 =	simm.s32 $0x1B8B  }
0xa2: {  	_ =	swait.ge [sflag:s23], $0x1  }
0xa3: {  	[sflag:s23] =	ssyncset.done $0x0  }
0xa4: {  	s25 =	simm.s32 $0x1B8E;
	s24 =	sld [smem:$0x3FFE];
	[sflag:s23] =	ssyncadd.s32 $0xFFFFFFFF  }
0xa5: {  	s26 =	simm.s32 $execute0_lowered;
	[smem:$0x3FD2] =	sst s25  }
0xa6: {  	s5 =	sshll.u32 s26, $0x1;
	_ =	strace $0x80000046;
	[dreg:$0x1] =	wrdreg $0xFFFFFFFF  }
0xa7: {  	s28 =	simm.s32 $_size_execute0_lowered;
	s3 =	sadd.s32 s3, s5;
	[dreg:$0x0] =	wrdreg $0x0  }
0xa8: {  	s5 =	sshll.u32 s28, $0x1;
	[dreg:$0x2] =	wrdreg s3  }
0xa9: {  	[dreg:$0x3] =	wrdreg s5  }
0xaa: {  	[dreg:$0x4] =	wrdreg $0xC0  }
0xab: {  	_ =	task [dreg:s7], $0x5FFFF  }
0xac: {  	[dreg:$0x1] =	wrdreg $0xFFFFFFFF  }
0xad: {  	[dreg:$0x0] =	wrdreg $0x60  }
0xae: {  	[dreg:$0x2] =	wrdreg s2  }
0xaf: {  	[dreg:$0x3] =	wrdreg s24  }
0xb0: {  	[dreg:$0x4] =	wrdreg $0xDE000  }
0xb1: {  	[dreg:$0x5] =	wrdreg $0x192400  }
0xb2: {  	[dreg:$0x6] =	wrdreg $0x9  }
0xb3: {  	_ =	task.clear_ibuf [dreg:s7], $0x7FFFF;
	_ =	strace $0x90000046  }
0xb4: {  	s29 =	simm.s32 $0x9;
	_ =	strace $0x80000048  }
0xb5: {  	_ =	swait.ge [sflag:s29], $0x1  }
0xb6: {  	[sflag:s29] =	ssyncadd.s32 $0xFFFFFFFF  }
0xb7: {  	_ =	strace $0x90000048  }
0xb8: {  	_ =	sfence  }
0xb9: {  	s30 =	sld [smem:$0x0];
	_ =	sdelay $0x2  }
0xba: {  	s31 =	sshll.u32 s1, $0xD;
	s1 =	sshrl.u32 s1, $0x2  }
0xbb: {  	s3 =	sand.u32 $0x4000, s31;
	s1 =	sadd.s32 s1, s30  }
0xbc: {  	s0 =	sor.u32 s3, s0;
	s1 =	sshll.u32 s1, $0x11  }
0xbd: {  	s0 =	sor.u32 s1, s0  }
0xbe: {  	s0 =	sadd.s32 $0x8F2B, s0  }
0xbf: {  	[sflag:s0] =	ssyncadd.remote.s32 $0x1  }
0xc0: {  	_ =	sfence.sel $0xFFFF  }
0xc1: {  	[dreg:$0x0] =	wrdreg $0xFFFFFFFF;
	(pc) =	sbr.abs _section_cstart, $3  }
0xc2: {  	[dreg:$0x1] =	wrdreg $0xFFFFFFFF  }
0xc3: {  	_ =	task.clear_ibuf [dreg:s7], $0x2FFFF;
	_ =	strace $0x9FFFFFFF  }
0xc4: {  	(tm) =	ssettm $0x7FFFFFFF  }
0xc5: {  	_ =	shalt  }
tec
execute0_lowered:
.L_overlay_start_1:
0x0: {  	(tag) =	ssettag $0x1  }
0x1: {  	s1 =	rddreg [dreg:$0x0]  }
0x2: {  	s0 =	rddreg [dreg:$0x1]  }
0x3: {  	s3 =	rddreg [dreg:$0x2]  }
0x4: {  	s4 =	rddreg [dreg:$0x3]  }
0x5: {  	s5 =	simm.s32 $0x0;
	s7 =	stileid.u32;
	s8 =	srdreg.scid  }
0x6: {  	s28 =	simm.s32 $0x1;
	s29 =	simm.s32 $0x2;
	s10 =	simm.s32 $0x9D80  }
0x7: {  	[smem:$0x7FF] =	sst s5;
	s2 =	smul.u32 $0x9E0, s7;
	s6 =	sadd.s32 $0x4C00, s0  }
0x8: {  	s9 =	sadd.s32 $0x2C200, s0;
	s18 =	sand.u32 $0x1, s8;
	s16 =	smul.u32 $0x2710, s7  }
0x9: {  	s19 =	sadd.s32 $0x2DC00, s0;
	s20 =	sadd.s32 $0x2D600, s0;
	s14 =	smul.u32 $0x27100, s7  }
0xa: {  	s11 =	sadd.s32 $0x2DE00, s0;
	_ =	strace $0x80000047;
	[dreg:$0x5] =	wrdreg s9  }
0xb: {  	s31 =	sshll.u32 s7, $0x6;
	s8 =	simm.s32 $0x9D00;
	[dreg:$0xa] =	wrdreg s19  }
0xc: {  	s12 =	ssub.s32 $0x2, s18;
	[dreg:$0xb] =	wrdreg s20;
	p0 =	seq.s32 s18, $0x1  }
0xd: {  	s18 =	simm.s32 $0x3;
	s20 =	sor.u32 $0x1C03, s31;
	s19 =	simm.s32 $0x0  }
0xe: {  	s2 =	sadd.s32 s2, s0;
	s13 =	sshrl.u32 s12, $0x1;
	s15 =	sadd.s32 s16, s0  }
0xf: {  	s22 =	sshrl.u32 s14, $0x2;
	s24 =	sadd.s32 s16, s4;
	[dreg:$0x6] =	wrdreg s16  }
0x10: {  	s30 =	sadd.s32 $0x27100, s16;
	s21 =	ssub.s32 s12, s13;
	s12 =	sadd.s32 $0x18600, s2  }
.Ltmp0:
0x11: {  	s13 =	sadd.s32 $0x22400, s2;
	s23 =	sadd.s32 s22, s3;
	(pc) =	sbr.rel .LBB2_1-.Ltmp0, $4  }
0x12: {  	s25 =	sadd.s32 $0x37C00, s15;
	s26 =	sadd.s32 $0x37C08, s15;
	[dreg:$0x9] =	wrdreg s30  }
0x13: {  	s22 =	sshrl.u32 s24, $0x3;
	s24 =	simm.s32 $0x80;
	[dreg:$0x7] =	wrdreg s25  }
0x14: {  	[dreg:$0x8] =	wrdreg s26;
	s17 =	smax.u32 s21, $0x1;
	s21 =	sshrl.u32 s23, $0x3  }
0x15: {  	s23 =	simm.s32 $0x18A40;
	s25 =	simm.s32 $0x9E00;
	s26 =	simm.s32 $0xBE00  }
.LBB2_7:
0x16: {  	[sflag:s9] =	ssyncadd.s32 @!p2 $0xFFFFF800  }
0x17: {  	[tilespmem:s26], [sflag:$0x2] =	stream.indirect.gather [hbm4b:s6+s24], $0x40, s16, s24, $0xb8;
	[tilespmem:$0x1BD50] =	vst v63  }
0x18: {  	_ =	swait.ge [sflag:s28], $0x2000  }
0x19: {  	[sflag:s28] =	ssyncset.done $0x0  }
0x1a: {  	s0 =	simm.s32 $0x9D00;
	[sflag:s28] =	ssyncadd.s32 $0xFFFFE000  }
0x1b: {  	[spmem:s3] =	stream.indirect.scatter.add.f32 [tilespmem:s25], [sflag:$0x3], $0x40, s0, s24, $0xb8;
	[tilespmem:$0x1BD50] =	vst v63  }
0x1c: {  	_ =	swait.ge [sflag:s18], $0x2000  }
0x1d: {  	[sflag:s18] =	ssyncset.done $0x0  }
0x1e: {  	[sflag:s18] =	ssyncadd.s32 $0xFFFFE000  }
0x1f: {  	[spmem:s4] =	stream.indirect.scatter.add.f32 [tilespmem:s23], [sflag:$0x3], $0x10, s0, s24, $0xb8;
	[tilespmem:$0x1BD50] =	vst v63  }
0x20: {  	_ =	swait.ge [sflag:s18], $0x800  }
0x21: {  	[sflag:s18] =	ssyncset.done $0x0  }
0x22: {  	[sflag:s18] =	ssyncadd.s32 $0xFFFFF800  }
0x23: {  	_ =	swait.ge [sflag:s29], $0x2000  }
0x24: {  	[sflag:s29] =	ssyncset.done $0x0  }
0x25: {  	s31 =	simm.s32 $0x9D80;
	[sflag:s29] =	ssyncadd.s32 $0xFFFFE000  }
0x26: {  	[spmem:s3] =	stream.indirect.scatter.add.f32 [tilespmem:s26], [sflag:$0x3], $0x40, s31, s24, $0xb8;
	[tilespmem:$0x1BD50] =	vst v63  }
0x27: {  	_ =	swait.ge [sflag:s18], $0x2000  }
0x28: {  	[sflag:s18] =	ssyncset.done $0x0  }
0x29: {  	[sflag:s18] =	ssyncadd.s32 $0xFFFFE000  }
0x2a: {  	[spmem:s4] =	stream.indirect.scatter.add.f32 [tilespmem:s23], [sflag:$0x3], $0x10, s31, s24, $0xb8;
	[tilespmem:$0x1BD50] =	vst v63  }
0x2b: {  	_ =	swait.ge [sflag:s18], $0x800  }
0x2c: {  	s8 =	simm.s32 $0x9D00;
	[sflag:s18] =	ssyncset.done $0x0;
	s0 =	rddreg [dreg:$0x8]  }
0x2d: {  	s10 =	simm.s32 $0x9D80;
	s2 =	rddreg [dreg:$0x9];
	[sflag:s18] =	ssyncadd.s32 $0xFFFFF800  }
.LBB2_8:
0x2e: {  	[bflag:$0x0] =	sbarrier.arrive $0xFFFF;
	s7 =	simm.s32 $0x10;
	s9 =	simm.s32 $0x8  }
0x2f: {  	[hbm:s0@s7], [sflag:s20] =	dma.strided [spmem:s21@s9], $0x1388, s28, $0x8   }
0x30: {  	s19 =	sadd.s32 $0x1, s19;
	_ =	swait.ge [sflag:s18], $0x1388  }
0x31: {  	s31 =	sshrl.u32 s2, $0x3;
	p1 =	sne.s32 s19, s17;
	[sflag:s18] =	ssyncset.done $0x0  }
.Ltmp1:
0x32: {  	s0 =	sadd.s32 s11, s31;
	[sflag:s18] =	ssyncadd.s32 $0xFFFFEC78;
	(pc) =	sbr.rel @!p1 .LBB2_9-.Ltmp1, $4  }
0x33: {  	[hbm:s0], [sflag:s20] =	dma.local [spmem:s22], $0x4E2  }
0x34: {  	_ =	swait.ge [sflag:s18], $0x4E2  }
0x35: {  	[sflag:s18] =	ssyncset.done $0x0  }
0x36: {  	[sflag:s18] =	ssyncadd.s32 $0xFFFFFB1E  }
.LBB2_1:
0x37: {  	[tilespmem:s5], [sflag:$0x3] =	stream.linear.gather [hbm4b:s12+s5], $0x4F00, $0x38;
	[tilespmem:$0x1BD50] =	vst v63  }
0x38: {  	_ =	swait.ge [sflag:s18], $0x4F00  }
0x39: {  	[sflag:s18] =	ssyncset.done $0x0  }
0x3a: {  	s0 =	simm.s32 $0x4F00;
	[sflag:s18] =	ssyncadd.s32 $0xFFFFB100  }
0x3b: {  	[tilespmem:s0], [sflag:$0x3] =	stream.linear.gather [hbm4b:s13+s5], $0x4F00, $0x38;
	[tilespmem:$0x1BD50] =	vst v63  }
0x3c: {  	_ =	swait.ge [sflag:s18], $0x4F00  }
0x3d: {  	[sflag:s18] =	ssyncset.done $0x0  }
0x3e: {  	s16 =	rddreg [dreg:$0x5];
	[sflag:s18] =	ssyncadd.s32 $0xFFFFB100  }
0x3f: {  	[spmem:s21], [sflag:s20] =	dma.local [hbm:s16], $0x1388  }
0x40: {  	_ =	swait.ge [sflag:s18], $0x1388  }
0x41: {  	[sflag:s18] =	ssyncset.done $0x0  }
0x42: {  	s30 =	rddreg [dreg:$0xb];
	[sflag:s18] =	ssyncadd.s32 $0xFFFFEC78  }
0x43: {  	[spmem:s22], [sflag:s20] =	dma.local [hbm:s30], $0x4E2  }
0x44: {  	_ =	swait.ge [sflag:s18], $0x4E2  }
0x45: {  	[sflag:s18] =	ssyncset.done $0x0  }
0x46: {  	s31 =	rddreg [dreg:$0xa];
	[sflag:s18] =	ssyncadd.s32 $0xFFFFFB1E  }
0x47: {  	[tilespmem:s23], [sflag:$0x3] =	stream.linear.gather [hbm4b:s31+s5], $0x800, $0x38;
	[tilespmem:$0x1BD50] =	vst v63  }
.Ltmp2:
0x48: {  	_ =	swait.ge [sflag:s18], $0x800;
	(pc) =	sbr.rel @!p0 .LBB2_2-.Ltmp2, $3  }
0x49: {  	[sflag:s18] =	ssyncset.done $0x0  }
0x4a: {  	[sflag:s18] =	ssyncadd.s32 $0xFFFFF800  }
0x4b: {  	[bflag:$0x0] =	sbarrier.arrive $0xFFFF;
	_ =	sdelay $0x1  }
0x4c: {  	s0 =	simm.s32 $0x0  }
0x4d: {  	[tilespmem:s25], [sflag:$0x1] =	stream.indirect.gather [hbm4b:s6+s24], $0x40, s0, s24, $0xb8;
	[tilespmem:$0x1BD50] =	vst v63  }
0x4e: {  	_ = 	snop  }
0x4f: {  	[tilespmem:s26], [sflag:$0x2] =	stream.indirect.gather [hbm4b:s6+s24], $0x40, s24, s24, $0xb8;
	[tilespmem:$0x1BD50] =	vst v63  }
0x50: {  	_ =	swait.ge [sflag:s28], $0x2000  }
0x51: {  	[sflag:s28] =	ssyncset.done $0x0  }
0x52: {  	s0 =	simm.s32 $0x4F00;
	[sflag:s28] =	ssyncadd.s32 $0xFFFFE000  }
0x53: {  	[spmem:s3] =	stream.indirect.scatter.add.f32 [tilespmem:s25], [sflag:$0x3], $0x40, s0, s24, $0xb8;
	[tilespmem:$0x1BD50] =	vst v63  }
0x54: {  	_ =	swait.ge [sflag:s18], $0x2000  }
0x55: {  	p1 =	por $0x1, $0x1;
	[sflag:s18] =	ssyncset.done $0x0  }
0x56: {  	s2 =	simm.s32 @!p1 $0x80;
	s7 =	simm.s32 @!p1 $0x18A40;
	[sflag:s18] =	ssyncadd.s32 $0xFFFFE000  }
0x57: {  	[spmem:s4] =	stream.indirect.scatter.add.f32 @!p1 [tilespmem:s7], [sflag:$0x3], $0x10, s0, s2, $0xb8;
	[tilespmem:$0x1BD50] =	vst v63  }
0x58: {  	s0 =	simm.s32 @!p1 $0x3  }
0x59: {  	_ =	swait.ge @!p1 [sflag:s0], $0x800  }
0x5a: {  	[sflag:s0] =	ssyncset.done @!p1 $0x0  }
0x5b: {  	s31 =	simm.s32 $0x100;
	[sflag:s0] =	ssyncadd.s32 @!p1 $0xFFFFF800  }
0x5c: {  	[tilespmem:s25], [sflag:$0x1] =	stream.indirect.gather [hbm4b:s6+s24], $0x40, s31, s24, $0xb8;
	[tilespmem:$0x1BD50] =	vst v63  }
0x5d: {  	_ =	swait.ge [sflag:s29], $0x2000  }
0x5e: {  	[sflag:s29] =	ssyncset.done $0x0  }
0x5f: {  	s0 =	simm.s32 $0x4F80;
	[sflag:s29] =	ssyncadd.s32 $0xFFFFE000  }
0x60: {  	[spmem:s3] =	stream.indirect.scatter.add.f32 [tilespmem:s26], [sflag:$0x3], $0x40, s0, s24, $0xb8;
	[tilespmem:$0x1BD50] =	vst v63  }
0x61: {  	p2 =	por $0x1, $0x1;
	_ =	swait.ge [sflag:s18], $0x2000  }
0x62: {  	s14 =	simm.s32 $0xFFFFFFB1;
	s9 =	simm.s32 @!p2 $0x3;
	[sflag:s18] =	ssyncset.done $0x0  }
0x63: {  	s2 =	simm.s32 @!p2 $0x80;
	s7 =	simm.s32 @!p2 $0x18A40;
	[sflag:s18] =	ssyncadd.s32 $0xFFFFE000  }
0x64: {  	[spmem:s4] =	stream.indirect.scatter.add.f32 @!p2 [tilespmem:s7], [sflag:$0x3], $0x10, s0, s2, $0xb8;
	[tilespmem:$0x1BD50] =	vst v63  }
0x65: {  	s16 =	simm.s32 $0x180;
	s15 =	simm.s32 $0x1;
	_ =	swait.ge @!p2 [sflag:s9], $0x800  }
0x66: {  	s0 =	simm.s32 $0x280;
	s2 =	simm.s32 $0x5080;
	[sflag:s9] =	ssyncset.done @!p2 $0x0  }
.LBB2_6:
0x67: {  	[sflag:s9] =	ssyncadd.s32 @!p2 $0xFFFFF800  }
0x68: {  	s14 =	sadd.s32 $0x2, s14;
	s7 =	smov.u32 s15;
	s15 =	sadd.s32 $0x1, s15  }
0x69: {  	[tilespmem:s26], [sflag:$0x2] =	stream.indirect.gather [hbm4b:s6+s24], $0x40, s16, s24, $0xb8;
	[tilespmem:$0x1BD50] =	vst v63  }
0x6a: {  	p1 =	sne.s32 s15, $0x4E;
	s16 =	smov.u32 s0;
	_ =	swait.ge [sflag:s28], $0x2000  }
0x6b: {  	[sflag:s28] =	ssyncset.done $0x0  }
0x6c: {  	s9 =	sadd.s32 $0xFFFFFF80, s2;
	[sflag:s28] =	ssyncadd.s32 $0xFFFFE000  }
0x6d: {  	[spmem:s3] =	stream.indirect.scatter.add.f32 [tilespmem:s25], [sflag:$0x3], $0x40, s9, s24, $0xb8;
	[tilespmem:$0x1BD50] =	vst v63  }
0x6e: {  	_ =	swait.ge [sflag:s18], $0x2000  }
0x6f: {  	p2 =	sgt.u32 s14, $0x4E;
	[sflag:s18] =	ssyncset.done $0x0  }
0x70: {  	s30 =	simm.s32 @!p2 $0x80;
	s31 =	simm.s32 @!p2 $0x18A40;
	[sflag:s18] =	ssyncadd.s32 $0xFFFFE000  }
0x71: {  	[spmem:s4] =	stream.indirect.scatter.add.f32 @!p2 [tilespmem:s31], [sflag:$0x3], $0x10, s9, s30, $0xb8;
	[tilespmem:$0x1BD50] =	vst v63  }
0x72: {  	s9 =	simm.s32 @!p2 $0x3  }
0x73: {  	_ =	swait.ge @!p2 [sflag:s9], $0x800  }
0x74: {  	s30 =	sadd.s32 $0xFFFFFF80, s0;
	[sflag:s9] =	ssyncset.done @!p2 $0x0  }
0x75: {  	[sflag:s9] =	ssyncadd.s32 @!p2 $0xFFFFF800  }
0x76: {  	[tilespmem:s25], [sflag:$0x1] =	stream.indirect.gather [hbm4b:s6+s24], $0x40, s30, s24, $0xb8;
	[tilespmem:$0x1BD50] =	vst v63  }
0x77: {  	_ =	swait.ge [sflag:s29], $0x2000  }
0x78: {  	[sflag:s29] =	ssyncset.done $0x0  }
0x79: {  	p2 =	slt.u32 s7, $0x27;
	[sflag:s29] =	ssyncadd.s32 $0xFFFFE000  }
0x7a: {  	[spmem:s3] =	stream.indirect.scatter.add.f32 [tilespmem:s26], [sflag:$0x3], $0x40, s2, s24, $0xb8;
	[tilespmem:$0x1BD50] =	vst v63  }
0x7b: {  	s7 =	simm.s32 @!p2 $0x80;
	_ =	swait.ge [sflag:s18], $0x2000  }
.Ltmp3:
0x7c: {  	s30 =	simm.s32 @!p2 $0x18A40;
	[sflag:s18] =	ssyncset.done $0x0;
	(pc) =	sbr.rel @p1 .LBB2_6-.Ltmp3, $4  }
0x7d: {  	s9 =	simm.s32 @!p2 $0x3;
	[sflag:s18] =	ssyncadd.s32 $0xFFFFE000  }
0x7e: {  	[spmem:s4] =	stream.indirect.scatter.add.f32 @!p2 [tilespmem:s30], [sflag:$0x3], $0x10, s2, s7, $0xb8;
	[tilespmem:$0x1BD50] =	vst v63  }
0x7f: {  	_ =	swait.ge @!p2 [sflag:s9], $0x800  }
0x80: {  	s0 =	sadd.s32 $0x100, s0;
	s2 =	sadd.s32 $0x100, s2;
	[sflag:s9] =	ssyncset.done @!p2 $0x0  }
.Ltmp4:
0x81: {  	_ = 	snop;
	(pc) =	sbr.rel .LBB2_7-.Ltmp4, $1  }
0x82: {  	_ =	sdelay $0x3  }
.LBB2_2:
0x83: {  	s14 =	simm.s32 $0x0  }
0x84: {  	[tilespmem:s25], [sflag:$0x1] =	stream.indirect.gather [hbm4b:s1+s24], $0x40, s14, s24, $0xb8;
	[tilespmem:$0x1BD50] =	vst v63  }
0x85: {  	_ = 	snop  }
0x86: {  	[tilespmem:s26], [sflag:$0x2] =	stream.indirect.gather [hbm4b:s1+s24], $0x40, s24, s24, $0xb8;
	[tilespmem:$0x1BD50] =	vst v63  }
0x87: {  	_ =	swait.ge [sflag:s28], $0x2000  }
0x88: {  	[sflag:s28] =	ssyncset.done $0x0  }
0x89: {  	s0 =	simm.s32 $0x4F00;
	[sflag:s28] =	ssyncadd.s32 $0xFFFFE000  }
0x8a: {  	[spmem:s3] =	stream.indirect.scatter.add.f32 [tilespmem:s25], [sflag:$0x3], $0x40, s0, s24, $0xb8;
	[tilespmem:$0x1BD50] =	vst v63  }
0x8b: {  	_ =	swait.ge [sflag:s18], $0x2000  }
0x8c: {  	p1 =	por $0x0, $0x0;
	[sflag:s18] =	ssyncset.done $0x0  }
0x8d: {  	s2 =	simm.s32 @!p1 $0x80;
	s9 =	simm.s32 @!p1 $0x18A40;
	[sflag:s18] =	ssyncadd.s32 $0xFFFFE000  }
0x8e: {  	[spmem:s4] =	stream.indirect.scatter.add.f32 @!p1 [tilespmem:s9], [sflag:$0x3], $0x10, s0, s2, $0xb8;
	[tilespmem:$0x1BD50] =	vst v63  }
0x8f: {  	s0 =	simm.s32 @!p1 $0x3  }
0x90: {  	_ =	swait.ge @!p1 [sflag:s0], $0x800  }
0x91: {  	[sflag:s0] =	ssyncset.done @!p1 $0x0  }
0x92: {  	s31 =	simm.s32 $0x100;
	[sflag:s0] =	ssyncadd.s32 @!p1 $0xFFFFF800  }
0x93: {  	[tilespmem:s25], [sflag:$0x1] =	stream.indirect.gather [hbm4b:s1+s24], $0x40, s31, s24, $0xb8;
	[tilespmem:$0x1BD50] =	vst v63  }
0x94: {  	_ =	swait.ge [sflag:s29], $0x2000  }
0x95: {  	[sflag:s29] =	ssyncset.done $0x0  }
0x96: {  	s0 =	simm.s32 $0x4F80;
	[sflag:s29] =	ssyncadd.s32 $0xFFFFE000  }
0x97: {  	[spmem:s3] =	stream.indirect.scatter.add.f32 [tilespmem:s26], [sflag:$0x3], $0x40, s0, s24, $0xb8;
	[tilespmem:$0x1BD50] =	vst v63  }
0x98: {  	p2 =	por $0x0, $0x0;
	_ =	swait.ge [sflag:s18], $0x2000  }
0x99: {  	s15 =	simm.s32 @!p2 $0x18A40;
	[sflag:s18] =	ssyncset.done $0x0  }
0x9a: {  	s2 =	simm.s32 @!p2 $0x80;
	s9 =	simm.s32 @!p2 $0x3;
	[sflag:s18] =	ssyncadd.s32 $0xFFFFE000  }
0x9b: {  	[spmem:s4] =	stream.indirect.scatter.add.f32 @!p2 [tilespmem:s15], [sflag:$0x3], $0x10, s0, s2, $0xb8;
	[tilespmem:$0x1BD50] =	vst v63  }
0x9c: {  	s16 =	simm.s32 $0x180;
	s15 =	simm.s32 $0x3;
	_ =	swait.ge @!p2 [sflag:s9], $0x800  }
0x9d: {  	s0 =	simm.s32 $0x280;
	s2 =	simm.s32 $0x5000;
	[sflag:s9] =	ssyncset.done @!p2 $0x0  }
.LBB2_3:
0x9e: {  	[sflag:s9] =	ssyncadd.s32 @!p2 $0xFFFFF800  }
0x9f: {  	s14 =	sadd.s32 $0x1, s14;
	s9 =	smov.u32 s15;
	s15 =	sadd.s32 $0x2, s15  }
0xa0: {  	[tilespmem:s26], [sflag:$0x2] =	stream.indirect.gather [hbm4b:s1+s24], $0x40, s16, s24, $0xb8;
	[tilespmem:$0x1BD50] =	vst v63  }
0xa1: {  	p1 =	sne.s32 s15, $0x9D;
	s16 =	smov.u32 s0;
	_ =	swait.ge [sflag:s28], $0x2000  }
0xa2: {  	[sflag:s28] =	ssyncset.done $0x0  }
0xa3: {  	[sflag:s28] =	ssyncadd.s32 $0xFFFFE000  }
0xa4: {  	[spmem:s3] =	stream.indirect.scatter.add.f32 [tilespmem:s25], [sflag:$0x3], $0x40, s2, s24, $0xb8;
	[tilespmem:$0x1BD50] =	vst v63  }
0xa5: {  	_ =	swait.ge [sflag:s18], $0x2000  }
0xa6: {  	p2 =	sgt.u32 s14, $0x27;
	[sflag:s18] =	ssyncset.done $0x0  }
0xa7: {  	s30 =	simm.s32 @!p2 $0x80;
	s31 =	simm.s32 @!p2 $0x18A40;
	[sflag:s18] =	ssyncadd.s32 $0xFFFFE000  }
0xa8: {  	[spmem:s4] =	stream.indirect.scatter.add.f32 @!p2 [tilespmem:s31], [sflag:$0x3], $0x10, s2, s30, $0xb8;
	[tilespmem:$0x1BD50] =	vst v63  }
0xa9: {  	s30 =	simm.s32 @!p2 $0x3  }
0xaa: {  	_ =	swait.ge @!p2 [sflag:s30], $0x800  }
0xab: {  	s31 =	sadd.s32 $0xFFFFFF80, s0;
	[sflag:s30] =	ssyncset.done @!p2 $0x0  }
0xac: {  	[sflag:s30] =	ssyncadd.s32 @!p2 $0xFFFFF800  }
0xad: {  	[tilespmem:s25], [sflag:$0x1] =	stream.indirect.gather [hbm4b:s1+s24], $0x40, s31, s24, $0xb8;
	[tilespmem:$0x1BD50] =	vst v63  }
0xae: {  	_ =	swait.ge [sflag:s29], $0x2000  }
0xaf: {  	s30 =	sadd.s32 $0x80, s2;
	[sflag:s29] =	ssyncset.done $0x0  }
0xb0: {  	p2 =	sgt.u32 s9, $0x4E;
	[sflag:s29] =	ssyncadd.s32 $0xFFFFE000  }
0xb1: {  	[spmem:s3] =	stream.indirect.scatter.add.f32 [tilespmem:s26], [sflag:$0x3], $0x40, s30, s24, $0xb8;
	[tilespmem:$0x1BD50] =	vst v63  }
0xb2: {  	s31 =	simm.s32 @!p2 $0x80;
	_ =	swait.ge [sflag:s18], $0x2000  }
.Ltmp5:
0xb3: {  	s7 =	simm.s32 @!p2 $0x18A40;
	[sflag:s18] =	ssyncset.done $0x0;
	(pc) =	sbr.rel @p1 .LBB2_3-.Ltmp5, $4  }
0xb4: {  	s9 =	simm.s32 @!p2 $0x3;
	[sflag:s18] =	ssyncadd.s32 $0xFFFFE000  }
0xb5: {  	[spmem:s4] =	stream.indirect.scatter.add.f32 @!p2 [tilespmem:s7], [sflag:$0x3], $0x10, s30, s31, $0xb8;
	[tilespmem:$0x1BD50] =	vst v63  }
0xb6: {  	_ =	swait.ge @!p2 [sflag:s9], $0x800  }
0xb7: {  	s0 =	sadd.s32 $0x100, s0;
	s2 =	sadd.s32 $0x100, s2;
	[sflag:s9] =	ssyncset.done @!p2 $0x0  }
0xb8: {  	[sflag:s9] =	ssyncadd.s32 @!p2 $0xFFFFF800  }
0xb9: {  	[tilespmem:s26], [sflag:$0x2] =	stream.indirect.gather [hbm4b:s1+s24], $0x40, s16, s24, $0xb8;
	[tilespmem:$0x1BD50] =	vst v63  }
0xba: {  	_ =	swait.ge [sflag:s28], $0x2000  }
0xbb: {  	[sflag:s28] =	ssyncset.done $0x0  }
0xbc: {  	[sflag:s28] =	ssyncadd.s32 $0xFFFFE000  }
0xbd: {  	[spmem:s3] =	stream.indirect.scatter.add.f32 [tilespmem:s25], [sflag:$0x3], $0x40, s8, s24, $0xb8;
	[tilespmem:$0x1BD50] =	vst v63  }
0xbe: {  	_ =	swait.ge [sflag:s18], $0x2000  }
0xbf: {  	[sflag:s18] =	ssyncset.done $0x0  }
0xc0: {  	[sflag:s18] =	ssyncadd.s32 $0xFFFFE000  }
0xc1: {  	_ =	swait.ge [sflag:s29], $0x2000  }
0xc2: {  	[sflag:s29] =	ssyncset.done $0x0  }
.Ltmp6:
0xc3: {  	[sflag:s29] =	ssyncadd.s32 $0xFFFFE000;
	(pc) =	sbr.rel .LBB2_8-.Ltmp6, $4  }
0xc4: {  	[spmem:s3] =	stream.indirect.scatter.add.f32 [tilespmem:s26], [sflag:$0x3], $0x40, s10, s24, $0xb8;
	[tilespmem:$0x1BD50] =	vst v63  }
0xc5: {  	_ =	swait.ge [sflag:s18], $0x2000  }
0xc6: {  	[sflag:s18] =	ssyncset.done $0x0;
	s0 =	rddreg [dreg:$0x7]  }
0xc7: {  	s2 =	rddreg [dreg:$0x6];
	[sflag:s18] =	ssyncadd.s32 $0xFFFFE000  }
.LBB2_9:
0xc8: {  	_ =	sfence.sel $0x180000  }
0xc9: {  	[bflag:$0x0] =	sbarrier.arrive $0xFFFF  }
0xca: {  	_ =	strace $0x90000047  }
0xcb: {  	s0 =	stileid.u32;
	[bflag:$0x2] =	sbarrier.arrive $0xFFFF  }
0xcc: {  	p0 =	sne.s32 s0, $0x0;
	s0 =	rddreg [dreg:$0x4]  }
0xcd: {  	s0 =	sadd.s32 @!p0 $0x100000, s0  }
0xce: {  	[sflag:s0] =	ssyncadd.tile.s32 @!p0 $0x1;
	_ =	shalt  }
.Lfunc_end2:
_tile_overlayer_lowered:
.L_overlay_start_2:
0xcf: {  	(tag) =	ssettag $0x2  }
0xd0: {  	s0 =	rddreg [dreg:$0x0];
	s2 =	stileid.u32  }
0xd1: {  	s1 =	rddreg [dreg:$0x1];
	p0 =	sne.s32 s2, $0x0  }
0xd2: {  	s3 =	rddreg [dreg:$0x2];
	[bflag:$0x3] =	sbarrier.arrive $0xFFFF;
	s2 =	simm.s32 @!p0 $0x1C03  }
0xd3: {  	[timem:s3], [sflag:s2] =	dma.local @!p0 [hbm:s0], s1  }
0xd4: {  	s0 =	simm.s32 @!p0 $0x3  }
0xd5: {  	_ =	swait.ge @!p0 [sflag:s0], s1  }
0xd6: {  	s1 =	ssub.s32 @!p0 $0x0, s1;
	[sflag:s0] =	ssyncset.done @!p0 $0x0  }
0xd7: {  	[sflag:s0] =	ssyncadd.s32 @!p0 s1  }
0xd8: {  	[bflag:$0x3] =	sbarrier.arrive $0xFFFF  }
0xd9: {  	_ =	shalt  }

</sc_bundles>
